<compile_context>
chip_gen: v7x
topology: tpu7x:2x2x1
jax: 0.10.2.dev20260603
libtpu: 0.0.44.dev20260713+nightly
codegen_flags: <defaults>
</compile_context>

<pallas_src>
import functools

import jax
import jax.numpy as jnp
from jax import lax
from jax.experimental import pallas as pl
from jax.experimental.pallas import tpu as pltpu
from jax.experimental.pallas import tpu_sc as plsc

_VOCAB = 1000000
_DIM = 32
_N = 425984

_INFO = plsc.get_sparse_core_info()
_NC = _INFO.num_cores
_NS = _INFO.num_subcores
_L = _INFO.num_lanes
_NW = _NC * _NS

_FULL_TILES = _VOCAB // 128
_TAIL = _VOCAB - _FULL_TILES * 128
_TILES_PER_W = (_FULL_TILES + _NW - 1) // _NW

_CHUNK = 1664
_PER_W = _N // _NW
_NCHUNK = _PER_W // _CHUNK
_GROUPS = _CHUNK // _L


_THIRD_ITERS = (_TILES_PER_W + 2) // 3


def _relayout_body(wt_hbm, tail_hbm, w_lin_hbm, stage0_v, stage1_v, stage2_v,
                   tr0_v, tr1_v, tr2_v, tail_v, in_sem0, in_sem1, in_sem2,
                   out_sem0, out_sem1, out_sem2):
    stages_v = [stage0_v, stage1_v, stage2_v]
    trs_v = [tr0_v, tr1_v, tr2_v]
    in_sems = [in_sem0, in_sem1, in_sem2]
    out_sems = [out_sem0, out_sem1, out_sem2]
    wid = lax.axis_index("s") * _NC + lax.axis_index("c")
    iota = lax.iota(jnp.int32, _L)
    lvecs_cb = [[lb * _L + iota + cb * 2048 for lb in range(8)] for cb in range(2)]
    dvecs_cb = [[(lb * _L + iota) * _DIM + cb * 16 for lb in range(8)] for cb in range(2)]

    def in_copy(t, b):
        return pltpu.make_async_copy(
            wt_hbm.at[:, pl.ds(t * 128, 128)], stages_v[b], in_sems[b])

    def out_copy(t, b):
        return pltpu.make_async_copy(
            trs_v[b], w_lin_hbm.at[pl.ds(t * 128 * _DIM, 128 * _DIM)], out_sems[b])

    for b in range(3):
        t0 = wid + b * _NW

        @pl.when(t0 < _FULL_TILES)
        def _prime(t0=t0, b=b):
            in_copy(t0, b).start()

    def tile_body(j, _):
        for b3 in range(3):
            t = wid + (3 * j + b3) * _NW
            t_next = t + 3 * _NW
            t_prev = t - 3 * _NW

            @pl.when(t < _FULL_TILES)
            def _do(t=t, b=b3, t_next=t_next, t_prev=t_prev):
                in_copy(t, b).wait()

                @pl.when(t_prev >= 0)
                def _drain_prev():
                    out_copy(t_prev, b).wait()

                def kbody(k, carry, b=b):
                    rk = (iota + k) & 15
                    for cb in range(2):
                        for lb in range(8):
                            v = plsc.load_gather(
                                stages_v[b], [rk, lvecs_cb[cb][lb]])
                            plsc.store_scatter(
                                trs_v[b], [dvecs_cb[cb][lb] + rk], v)
                    return carry

                lax.fori_loop(0, 16, kbody, 0)
                out_copy(t, b).start()

                @pl.when(t_next < _FULL_TILES)
                def _issue_next():
                    in_copy(t_next, b).start()

        return 0

    lax.fori_loop(0, _THIRD_ITERS, tile_body, 0)

    for m in range(_TILES_PER_W - 6, _TILES_PER_W + 1):
        t_m = wid + m * _NW

        @pl.when((t_m < _FULL_TILES) & (t_m + 3 * _NW >= _FULL_TILES))
        def _drain(t_m=t_m, b=m % 3):
            out_copy(t_m, b).wait()

    @pl.when(wid == 0)
    def _tail():
        pltpu.sync_copy(tail_hbm, tail_v)
        pltpu.sync_copy(tail_v, w_lin_hbm.at[pl.ds(_FULL_TILES * 128 * _DIM, _TAIL * _DIM)])


def _gather_body(arr_hbm, w_hbm, oov_hbm, out_hbm, idx0_v, idx1_v, rows0_v, rows1_v,
                 msk_v, oov_v, isem0, isem1, gsem0, gsem1, osem0, osem1):
    idxs_v = [idx0_v, idx1_v]
    rows_v = [rows0_v, rows1_v]
    isems = [isem0, isem1]
    gsems = [gsem0, gsem1]
    osems = [osem0, osem1]
    wid = lax.axis_index("s") * _NC + lax.axis_index("c")
    base = wid * _PER_W
    iota = lax.iota(jnp.int32, _L)
    pltpu.sync_copy(oov_hbm, oov_v)

    def idx_copy(m, b):
        return pltpu.make_async_copy(
            arr_hbm.at[pl.ds(base + m * _CHUNK, _CHUNK)], idxs_v[b], isems[b])

    def gather_copy(b):
        return pltpu.make_async_copy(w_hbm.at[idxs_v[b]], rows_v[b], gsems[b])

    def out_copy(m, b):
        return pltpu.make_async_copy(
            rows_v[b],
            out_hbm.at[pl.ds(base + m * _CHUNK, _CHUNK), pl.ds(0, _DIM)], osems[b])

    for b in range(2):
        idx_copy(b, b).start()

    def chunk_body(j, _):
        for b in range(2):
            m = 2 * j + b

            @pl.when(m < _NCHUNK)
            def _do(m=m, b=b):
                idx_copy(m, b).wait()

                def sanitize(g, acc, b=b):
                    v = idxs_v[b][pl.ds(g * _L, _L)]
                    mm = (v < 0).astype(jnp.int32)
                    idxs_v[b][pl.ds(g * _L, _L)] = jnp.where(mm > 0, 0, v)
                    msk_v[pl.ds(g * _L, _L)] = mm
                    return acc + mm

                acc = lax.fori_loop(0, _GROUPS, sanitize,
                                    jnp.zeros((_L,), jnp.int32))
                n_oov = lax.reduce_sum_p.bind(acc, axes=(0,))

                @pl.when(m - 2 >= 0)
                def _drain():
                    out_copy(m - 2, b).wait()

                gather_copy(b).start()
                gather_copy(b).wait()

                @pl.when(m + 2 < _NCHUNK)
                def _next_idx():
                    idx_copy(m + 2, b).start()

                @pl.when(n_oov > 0)
                def _fixup(b=b):
                    def fix(g, carry, b=b):
                        mm = msk_v[pl.ds(g * _L, _L)] > 0
                        row_ids = iota + g * _L
                        zeros = jnp.zeros((_L,), jnp.int32)
                        for c in range(_DIM):
                            col = jnp.full((_L,), c, jnp.int32)
                            val = plsc.load_gather(oov_v, [zeros, col])
                            plsc.store_scatter(rows_v[b], [row_ids, col], val,
                                               mask=mm)
                        return carry

                    lax.fori_loop(0, _GROUPS, fix, 0)

                out_copy(m, b).start()

        return 0

    lax.fori_loop(0, (_NCHUNK + 1) // 2, chunk_body, 0)

    for m in (_NCHUNK - 2, _NCHUNK - 1):
        out_copy(m, m % 2).wait()


@jax.jit
def kernel(arr, weight, oov):
    mesh = plsc.VectorSubcoreMesh(core_axis_name="c", subcore_axis_name="s")

    relayout = pl.kernel(
        _relayout_body,
        out_type=jax.ShapeDtypeStruct((_VOCAB * _DIM,), jnp.float32),
        mesh=mesh,
        scratch_types=[
            pltpu.VMEM((_DIM, 128), jnp.float32),
            pltpu.VMEM((_DIM, 128), jnp.float32),
            pltpu.VMEM((_DIM, 128), jnp.float32),
            pltpu.VMEM((128 * _DIM,), jnp.float32),
            pltpu.VMEM((128 * _DIM,), jnp.float32),
            pltpu.VMEM((128 * _DIM,), jnp.float32),
            pltpu.VMEM((_TAIL * _DIM,), jnp.float32),
            pltpu.SemaphoreType.DMA,
            pltpu.SemaphoreType.DMA,
            pltpu.SemaphoreType.DMA,
            pltpu.SemaphoreType.DMA,
            pltpu.SemaphoreType.DMA,
            pltpu.SemaphoreType.DMA,
        ],
        compiler_params=pltpu.CompilerParams(use_tc_tiling_on_sc=True, needs_layout_passes=False),
    )
    gather = pl.kernel(
        _gather_body,
        out_type=jax.ShapeDtypeStruct((_N, 128), jnp.float32),
        mesh=mesh,
        scratch_types=[
            pltpu.VMEM((_CHUNK,), jnp.int32),
            pltpu.VMEM((_CHUNK,), jnp.int32),
            pltpu.VMEM((_CHUNK, _DIM), jnp.float32),
            pltpu.VMEM((_CHUNK, _DIM), jnp.float32),
            pltpu.VMEM((_CHUNK,), jnp.int32),
            pltpu.VMEM((1, _DIM), jnp.float32),
            pltpu.SemaphoreType.DMA,
            pltpu.SemaphoreType.DMA,
            pltpu.SemaphoreType.DMA,
            pltpu.SemaphoreType.DMA,
            pltpu.SemaphoreType.DMA,
            pltpu.SemaphoreType.DMA,
        ],
        compiler_params=pltpu.CompilerParams(use_tc_tiling_on_sc=False, needs_layout_passes=False),
    )

    wt = weight.T
    tail = lax.slice(weight, (_FULL_TILES * 128, 0), (_VOCAB, _DIM)).reshape(-1)
    w_flat = relayout(wt, tail)
    w_lin = w_flat.reshape(_VOCAB, _DIM)
    out_pad = gather(arr, w_lin, oov)
    return lax.slice(out_pad, (0, 0), (_N, _DIM))

# --- scband reference (transcript-rebuilt; emitter-appended) ---
"""Pipeline reference for scband-embeddings-oov-18253611008875 (READ-ONLY COPY).

The authoritative reference and input builder live on the scoring server;
editing this copy changes nothing except your own understanding.
"""

import jax, jax.numpy as jnp
import numpy as np

VOCAB = 1000000
DIM = 32
N = 425984


def setup_inputs(seed: int = 0) -> dict:
    key = jax.random.key(seed)
    k1, k2, k3 = jax.random.split(key, 3)
    arr = jax.random.randint(k1, (N,), 0, VOCAB, dtype=jnp.int32)
    weight = jax.random.normal(k2, (VOCAB, DIM), dtype=jnp.float32) * 0.02
    oov = jax.random.uniform(k3, (1, DIM), dtype=jnp.float32)
    return {"arr": arr, "weight": weight, "oov": oov}


def reference(arr, weight, oov):
    n = arr.shape[0]
    mask = (arr == -1).astype(jnp.int32)
    mask_f = mask[:, None].astype(jnp.float32)
    safe_idx = (1 - mask) * arr
    gathered = jnp.take(weight, safe_idx, axis=0)
    embed = (1.0 - mask_f) * gathered + mask_f * jnp.broadcast_to(oov, (n, DIM))
    return embed

if __name__ == "__main__":
    import jax
    _d = setup_inputs()
    print(jax.jit(kernel)(*tuple(_d.values())))

</pallas_src>

<mosaic_0001>
#map = affine_map<(d0, d1) -> (0, 0)>
#map1 = affine_map<(d0, d1) -> (0)>
module attributes {stable_mosaic.version = 14 : i64} {
  func.func @_relayout_body(%arg0: i32, %arg1: i32, %arg2: memref<32x1000000xf32, #tpu.memory_space<hbm>>, %arg3: memref<2048xf32, #tpu.memory_space<hbm>>, %arg4: memref<32000000xf32, #tpu.memory_space<hbm>>, %arg5: memref<32x128xf32, #tpu.memory_space<vmem>>, %arg6: memref<32x128xf32, #tpu.memory_space<vmem>>, %arg7: memref<32x128xf32, #tpu.memory_space<vmem>>, %arg8: memref<4096xf32, #tpu.memory_space<vmem>>, %arg9: memref<4096xf32, #tpu.memory_space<vmem>>, %arg10: memref<4096xf32, #tpu.memory_space<vmem>>, %arg11: memref<2048xf32, #tpu.memory_space<vmem>>, %arg12: memref<!tpu.dma_semaphore, #tpu.memory_space<semaphore_mem>>, %arg13: memref<!tpu.dma_semaphore, #tpu.memory_space<semaphore_mem>>, %arg14: memref<!tpu.dma_semaphore, #tpu.memory_space<semaphore_mem>>, %arg15: memref<!tpu.dma_semaphore, #tpu.memory_space<semaphore_mem>>, %arg16: memref<!tpu.dma_semaphore, #tpu.memory_space<semaphore_mem>>, %arg17: memref<!tpu.dma_semaphore, #tpu.memory_space<semaphore_mem>>) attributes {dimension_semantics = [#tpu.dimension_semantics<core_parallel>, #tpu.dimension_semantics<subcore_parallel>], iteration_bounds = array<i64: 2, 16>, scalar_prefetch = 0 : i64, scratch_operands = 13 : i64, tpu.core_type = #tpu.core_type<sc_vector_subcore>, window_params = [{transform_indices = #map}, {transform_indices = #map1}, {transform_indices = #map1}]} {
    %mul3A = arith.constant 2 : i32
    %mul3A_0 = arith.muli %arg1, %mul3A : i32
    %add3A = arith.addi %mul3A_0, %arg0 : i32
    %iota3A = tpu.iota {dimensions = array<i32: 0>} : vector<16xi32>
    %add3A_1 = arith.constant 0 : i32
    %add3A_2 = vector.broadcast %add3A_1 : i32 to vector<16xi32>
    %add3A_3 = arith.addi %add3A_2, %iota3A : vector<16xi32>
    %add3A_4 = arith.constant 0 : i32
    %add3A_5 = vector.broadcast %add3A_4 : i32 to vector<16xi32>
    %add3A_6 = arith.addi %add3A_3, %add3A_5 : vector<16xi32>
    %add3A_7 = arith.constant 16 : i32
    %add3A_8 = vector.broadcast %add3A_7 : i32 to vector<16xi32>
    %add3A_9 = arith.addi %add3A_8, %iota3A : vector<16xi32>
    %add3A_10 = arith.constant 0 : i32
    %add3A_11 = vector.broadcast %add3A_10 : i32 to vector<16xi32>
    %add3A_12 = arith.addi %add3A_9, %add3A_11 : vector<16xi32>
    %add3A_13 = arith.constant 32 : i32
    %add3A_14 = vector.broadcast %add3A_13 : i32 to vector<16xi32>
    %add3A_15 = arith.addi %add3A_14, %iota3A : vector<16xi32>
    %add3A_16 = arith.constant 0 : i32
    %add3A_17 = vector.broadcast %add3A_16 : i32 to vector<16xi32>
    %add3A_18 = arith.addi %add3A_15, %add3A_17 : vector<16xi32>
    %add3A_19 = arith.constant 48 : i32
    %add3A_20 = vector.broadcast %add3A_19 : i32 to vector<16xi32>
    %add3A_21 = arith.addi %add3A_20, %iota3A : vector<16xi32>
    %add3A_22 = arith.constant 0 : i32
    %add3A_23 = vector.broadcast %add3A_22 : i32 to vector<16xi32>
    %add3A_24 = arith.addi %add3A_21, %add3A_23 : vector<16xi32>
    %add3A_25 = arith.constant 64 : i32
    %add3A_26 = vector.broadcast %add3A_25 : i32 to vector<16xi32>
    %add3A_27 = arith.addi %add3A_26, %iota3A : vector<16xi32>
    %add3A_28 = arith.constant 0 : i32
    %add3A_29 = vector.broadcast %add3A_28 : i32 to vector<16xi32>
    %add3A_30 = arith.addi %add3A_27, %add3A_29 : vector<16xi32>
    %add3A_31 = arith.constant 80 : i32
    %add3A_32 = vector.broadcast %add3A_31 : i32 to vector<16xi32>
    %add3A_33 = arith.addi %add3A_32, %iota3A : vector<16xi32>
    %add3A_34 = arith.constant 0 : i32
    %add3A_35 = vector.broadcast %add3A_34 : i32 to vector<16xi32>
    %add3A_36 = arith.addi %add3A_33, %add3A_35 : vector<16xi32>
    %add3A_37 = arith.constant 96 : i32
    %add3A_38 = vector.broadcast %add3A_37 : i32 to vector<16xi32>
    %add3A_39 = arith.addi %add3A_38, %iota3A : vector<16xi32>
    %add3A_40 = arith.constant 0 : i32
    %add3A_41 = vector.broadcast %add3A_40 : i32 to vector<16xi32>
    %add3A_42 = arith.addi %add3A_39, %add3A_41 : vector<16xi32>
    %add3A_43 = arith.constant 112 : i32
    %add3A_44 = vector.broadcast %add3A_43 : i32 to vector<16xi32>
    %add3A_45 = arith.addi %add3A_44, %iota3A : vector<16xi32>
    %add3A_46 = arith.constant 0 : i32
    %add3A_47 = vector.broadcast %add3A_46 : i32 to vector<16xi32>
    %add3A_48 = arith.addi %add3A_45, %add3A_47 : vector<16xi32>
    %add3A_49 = arith.constant 0 : i32
    %add3A_50 = vector.broadcast %add3A_49 : i32 to vector<16xi32>
    %add3A_51 = arith.addi %add3A_50, %iota3A : vector<16xi32>
    %add3A_52 = arith.constant 2048 : i32
    %add3A_53 = vector.broadcast %add3A_52 : i32 to vector<16xi32>
    %add3A_54 = arith.addi %add3A_51, %add3A_53 : vector<16xi32>
    %add3A_55 = arith.constant 16 : i32
    %add3A_56 = vector.broadcast %add3A_55 : i32 to vector<16xi32>
    %add3A_57 = arith.addi %add3A_56, %iota3A : vector<16xi32>
    %add3A_58 = arith.constant 2048 : i32
    %add3A_59 = vector.broadcast %add3A_58 : i32 to vector<16xi32>
    %add3A_60 = arith.addi %add3A_57, %add3A_59 : vector<16xi32>
    %add3A_61 = arith.constant 32 : i32
    %add3A_62 = vector.broadcast %add3A_61 : i32 to vector<16xi32>
    %add3A_63 = arith.addi %add3A_62, %iota3A : vector<16xi32>
    %add3A_64 = arith.constant 2048 : i32
    %add3A_65 = vector.broadcast %add3A_64 : i32 to vector<16xi32>
    %add3A_66 = arith.addi %add3A_63, %add3A_65 : vector<16xi32>
    %add3A_67 = arith.constant 48 : i32
    %add3A_68 = vector.broadcast %add3A_67 : i32 to vector<16xi32>
    %add3A_69 = arith.addi %add3A_68, %iota3A : vector<16xi32>
    %add3A_70 = arith.constant 2048 : i32
    %add3A_71 = vector.broadcast %add3A_70 : i32 to vector<16xi32>
    %add3A_72 = arith.addi %add3A_69, %add3A_71 : vector<16xi32>
    %add3A_73 = arith.constant 64 : i32
    %add3A_74 = vector.broadcast %add3A_73 : i32 to vector<16xi32>
    %add3A_75 = arith.addi %add3A_74, %iota3A : vector<16xi32>
    %add3A_76 = arith.constant 2048 : i32
    %add3A_77 = vector.broadcast %add3A_76 : i32 to vector<16xi32>
    %add3A_78 = arith.addi %add3A_75, %add3A_77 : vector<16xi32>
    %add3A_79 = arith.constant 80 : i32
    %add3A_80 = vector.broadcast %add3A_79 : i32 to vector<16xi32>
    %add3A_81 = arith.addi %add3A_80, %iota3A : vector<16xi32>
    %add3A_82 = arith.constant 2048 : i32
    %add3A_83 = vector.broadcast %add3A_82 : i32 to vector<16xi32>
    %add3A_84 = arith.addi %add3A_81, %add3A_83 : vector<16xi32>
    %add3A_85 = arith.constant 96 : i32
    %add3A_86 = vector.broadcast %add3A_85 : i32 to vector<16xi32>
    %add3A_87 = arith.addi %add3A_86, %iota3A : vector<16xi32>
    %add3A_88 = arith.constant 2048 : i32
    %add3A_89 = vector.broadcast %add3A_88 : i32 to vector<16xi32>
    %add3A_90 = arith.addi %add3A_87, %add3A_89 : vector<16xi32>
    %add3A_91 = arith.constant 112 : i32
    %add3A_92 = vector.broadcast %add3A_91 : i32 to vector<16xi32>
    %add3A_93 = arith.addi %add3A_92, %iota3A : vector<16xi32>
    %add3A_94 = arith.constant 2048 : i32
    %add3A_95 = vector.broadcast %add3A_94 : i32 to vector<16xi32>
    %add3A_96 = arith.addi %add3A_93, %add3A_95 : vector<16xi32>
    %add3A_97 = arith.constant 0 : i32
    %add3A_98 = vector.broadcast %add3A_97 : i32 to vector<16xi32>
    %add3A_99 = arith.addi %add3A_98, %iota3A : vector<16xi32>
    %mul3A_100 = arith.constant 32 : i32
    %mul3A_101 = vector.broadcast %mul3A_100 : i32 to vector<16xi32>
    %mul3A_102 = arith.muli %add3A_99, %mul3A_101 : vector<16xi32>
    %add3A_103 = arith.constant 0 : i32
    %add3A_104 = vector.broadcast %add3A_103 : i32 to vector<16xi32>
    %add3A_105 = arith.addi %mul3A_102, %add3A_104 : vector<16xi32>
    %add3A_106 = arith.constant 16 : i32
    %add3A_107 = vector.broadcast %add3A_106 : i32 to vector<16xi32>
    %add3A_108 = arith.addi %add3A_107, %iota3A : vector<16xi32>
    %mul3A_109 = arith.constant 32 : i32
    %mul3A_110 = vector.broadcast %mul3A_109 : i32 to vector<16xi32>
    %mul3A_111 = arith.muli %add3A_108, %mul3A_110 : vector<16xi32>
    %add3A_112 = arith.constant 0 : i32
    %add3A_113 = vector.broadcast %add3A_112 : i32 to vector<16xi32>
    %add3A_114 = arith.addi %mul3A_111, %add3A_113 : vector<16xi32>
    %add3A_115 = arith.constant 32 : i32
    %add3A_116 = vector.broadcast %add3A_115 : i32 to vector<16xi32>
    %add3A_117 = arith.addi %add3A_116, %iota3A : vector<16xi32>
    %mul3A_118 = arith.constant 32 : i32
    %mul3A_119 = vector.broadcast %mul3A_118 : i32 to vector<16xi32>
    %mul3A_120 = arith.muli %add3A_117, %mul3A_119 : vector<16xi32>
    %add3A_121 = arith.constant 0 : i32
    %add3A_122 = vector.broadcast %add3A_121 : i32 to vector<16xi32>
    %add3A_123 = arith.addi %mul3A_120, %add3A_122 : vector<16xi32>
    %add3A_124 = arith.constant 48 : i32
    %add3A_125 = vector.broadcast %add3A_124 : i32 to vector<16xi32>
    %add3A_126 = arith.addi %add3A_125, %iota3A : vector<16xi32>
    %mul3A_127 = arith.constant 32 : i32
    %mul3A_128 = vector.broadcast %mul3A_127 : i32 to vector<16xi32>
    %mul3A_129 = arith.muli %add3A_126, %mul3A_128 : vector<16xi32>
    %add3A_130 = arith.constant 0 : i32
    %add3A_131 = vector.broadcast %add3A_130 : i32 to vector<16xi32>
    %add3A_132 = arith.addi %mul3A_129, %add3A_131 : vector<16xi32>
    %add3A_133 = arith.constant 64 : i32
    %add3A_134 = vector.broadcast %add3A_133 : i32 to vector<16xi32>
    %add3A_135 = arith.addi %add3A_134, %iota3A : vector<16xi32>
    %mul3A_136 = arith.constant 32 : i32
    %mul3A_137 = vector.broadcast %mul3A_136 : i32 to vector<16xi32>
    %mul3A_138 = arith.muli %add3A_135, %mul3A_137 : vector<16xi32>
    %add3A_139 = arith.constant 0 : i32
    %add3A_140 = vector.broadcast %add3A_139 : i32 to vector<16xi32>
    %add3A_141 = arith.addi %mul3A_138, %add3A_140 : vector<16xi32>
    %add3A_142 = arith.constant 80 : i32
    %add3A_143 = vector.broadcast %add3A_142 : i32 to vector<16xi32>
    %add3A_144 = arith.addi %add3A_143, %iota3A : vector<16xi32>
    %mul3A_145 = arith.constant 32 : i32
    %mul3A_146 = vector.broadcast %mul3A_145 : i32 to vector<16xi32>
    %mul3A_147 = arith.muli %add3A_144, %mul3A_146 : vector<16xi32>
    %add3A_148 = arith.constant 0 : i32
    %add3A_149 = vector.broadcast %add3A_148 : i32 to vector<16xi32>
    %add3A_150 = arith.addi %mul3A_147, %add3A_149 : vector<16xi32>
    %add3A_151 = arith.constant 96 : i32
    %add3A_152 = vector.broadcast %add3A_151 : i32 to vector<16xi32>
    %add3A_153 = arith.addi %add3A_152, %iota3A : vector<16xi32>
    %mul3A_154 = arith.constant 32 : i32
    %mul3A_155 = vector.broadcast %mul3A_154 : i32 to vector<16xi32>
    %mul3A_156 = arith.muli %add3A_153, %mul3A_155 : vector<16xi32>
    %add3A_157 = arith.constant 0 : i32
    %add3A_158 = vector.broadcast %add3A_157 : i32 to vector<16xi32>
    %add3A_159 = arith.addi %mul3A_156, %add3A_158 : vector<16xi32>
    %add3A_160 = arith.constant 112 : i32
    %add3A_161 = vector.broadcast %add3A_160 : i32 to vector<16xi32>
    %add3A_162 = arith.addi %add3A_161, %iota3A : vector<16xi32>
    %mul3A_163 = arith.constant 32 : i32
    %mul3A_164 = vector.broadcast %mul3A_163 : i32 to vector<16xi32>
    %mul3A_165 = arith.muli %add3A_162, %mul3A_164 : vector<16xi32>
    %add3A_166 = arith.constant 0 : i32
    %add3A_167 = vector.broadcast %add3A_166 : i32 to vector<16xi32>
    %add3A_168 = arith.addi %mul3A_165, %add3A_167 : vector<16xi32>
    %add3A_169 = arith.constant 0 : i32
    %add3A_170 = vector.broadcast %add3A_169 : i32 to vector<16xi32>
    %add3A_171 = arith.addi %add3A_170, %iota3A : vector<16xi32>
    %mul3A_172 = arith.constant 32 : i32
    %mul3A_173 = vector.broadcast %mul3A_172 : i32 to vector<16xi32>
    %mul3A_174 = arith.muli %add3A_171, %mul3A_173 : vector<16xi32>
    %add3A_175 = arith.constant 16 : i32
    %add3A_176 = vector.broadcast %add3A_175 : i32 to vector<16xi32>
    %add3A_177 = arith.addi %mul3A_174, %add3A_176 : vector<16xi32>
    %add3A_178 = arith.constant 16 : i32
    %add3A_179 = vector.broadcast %add3A_178 : i32 to vector<16xi32>
    %add3A_180 = arith.addi %add3A_179, %iota3A : vector<16xi32>
    %mul3A_181 = arith.constant 32 : i32
    %mul3A_182 = vector.broadcast %mul3A_181 : i32 to vector<16xi32>
    %mul3A_183 = arith.muli %add3A_180, %mul3A_182 : vector<16xi32>
    %add3A_184 = arith.constant 16 : i32
    %add3A_185 = vector.broadcast %add3A_184 : i32 to vector<16xi32>
    %add3A_186 = arith.addi %mul3A_183, %add3A_185 : vector<16xi32>
    %add3A_187 = arith.constant 32 : i32
    %add3A_188 = vector.broadcast %add3A_187 : i32 to vector<16xi32>
    %add3A_189 = arith.addi %add3A_188, %iota3A : vector<16xi32>
    %mul3A_190 = arith.constant 32 : i32
    %mul3A_191 = vector.broadcast %mul3A_190 : i32 to vector<16xi32>
    %mul3A_192 = arith.muli %add3A_189, %mul3A_191 : vector<16xi32>
    %add3A_193 = arith.constant 16 : i32
    %add3A_194 = vector.broadcast %add3A_193 : i32 to vector<16xi32>
    %add3A_195 = arith.addi %mul3A_192, %add3A_194 : vector<16xi32>
    %add3A_196 = arith.constant 48 : i32
    %add3A_197 = vector.broadcast %add3A_196 : i32 to vector<16xi32>
    %add3A_198 = arith.addi %add3A_197, %iota3A : vector<16xi32>
    %mul3A_199 = arith.constant 32 : i32
    %mul3A_200 = vector.broadcast %mul3A_199 : i32 to vector<16xi32>
    %mul3A_201 = arith.muli %add3A_198, %mul3A_200 : vector<16xi32>
    %add3A_202 = arith.constant 16 : i32
    %add3A_203 = vector.broadcast %add3A_202 : i32 to vector<16xi32>
    %add3A_204 = arith.addi %mul3A_201, %add3A_203 : vector<16xi32>
    %add3A_205 = arith.constant 64 : i32
    %add3A_206 = vector.broadcast %add3A_205 : i32 to vector<16xi32>
    %add3A_207 = arith.addi %add3A_206, %iota3A : vector<16xi32>
    %mul3A_208 = arith.constant 32 : i32
    %mul3A_209 = vector.broadcast %mul3A_208 : i32 to vector<16xi32>
    %mul3A_210 = arith.muli %add3A_207, %mul3A_209 : vector<16xi32>
    %add3A_211 = arith.constant 16 : i32
    %add3A_212 = vector.broadcast %add3A_211 : i32 to vector<16xi32>
    %add3A_213 = arith.addi %mul3A_210, %add3A_212 : vector<16xi32>
    %add3A_214 = arith.constant 80 : i32
    %add3A_215 = vector.broadcast %add3A_214 : i32 to vector<16xi32>
    %add3A_216 = arith.addi %add3A_215, %iota3A : vector<16xi32>
    %mul3A_217 = arith.constant 32 : i32
    %mul3A_218 = vector.broadcast %mul3A_217 : i32 to vector<16xi32>
    %mul3A_219 = arith.muli %add3A_216, %mul3A_218 : vector<16xi32>
    %add3A_220 = arith.constant 16 : i32
    %add3A_221 = vector.broadcast %add3A_220 : i32 to vector<16xi32>
    %add3A_222 = arith.addi %mul3A_219, %add3A_221 : vector<16xi32>
    %add3A_223 = arith.constant 96 : i32
    %add3A_224 = vector.broadcast %add3A_223 : i32 to vector<16xi32>
    %add3A_225 = arith.addi %add3A_224, %iota3A : vector<16xi32>
    %mul3A_226 = arith.constant 32 : i32
    %mul3A_227 = vector.broadcast %mul3A_226 : i32 to vector<16xi32>
    %mul3A_228 = arith.muli %add3A_225, %mul3A_227 : vector<16xi32>
    %add3A_229 = arith.constant 16 : i32
    %add3A_230 = vector.broadcast %add3A_229 : i32 to vector<16xi32>
    %add3A_231 = arith.addi %mul3A_228, %add3A_230 : vector<16xi32>
    %add3A_232 = arith.constant 112 : i32
    %add3A_233 = vector.broadcast %add3A_232 : i32 to vector<16xi32>
    %add3A_234 = arith.addi %add3A_233, %iota3A : vector<16xi32>
    %mul3A_235 = arith.constant 32 : i32
    %mul3A_236 = vector.broadcast %mul3A_235 : i32 to vector<16xi32>
    %mul3A_237 = arith.muli %add3A_234, %mul3A_236 : vector<16xi32>
    %add3A_238 = arith.constant 16 : i32
    %add3A_239 = vector.broadcast %add3A_238 : i32 to vector<16xi32>
    %add3A_240 = arith.addi %mul3A_237, %add3A_239 : vector<16xi32>
    %add3A_241 = arith.constant 0 : i32
    %add3A_242 = arith.addi %add3A, %add3A_241 : i32
    %lt3A = arith.constant 7812 : i32
    %lt3A_243 = arith.cmpi slt, %add3A_242, %lt3A : i32
    %convert_element_type3A = arith.extui %lt3A_243 : i1 to i32
    %cond3A = arith.constant 0 : i32
    %cond3A_244 = arith.cmpi ne, %convert_element_type3A, %cond3A : i32
    scf.if %cond3A_244 {
      %mul3A_351 = arith.constant 128 : i32
      %mul3A_352 = arith.muli %add3A_242, %mul3A_351 : i32
      %dma_start3A = arith.constant 0 : i32
      %dma_start3A_353 = tpu.memref_slice %arg2[%dma_start3A, %mul3A_352] : memref<32x1000000xf32, #tpu.memory_space<hbm>> -> memref<32x128xf32, #tpu.memory_space<hbm>>
      %dma_start3A_354 = arith.constant 0 : i32
      %dma_start3A_355 = tpu.memref_slice %arg2[%dma_start3A_354, %mul3A_352] : memref<32x1000000xf32, #tpu.memory_space<hbm>> -> memref<32x128xf32, #tpu.memory_space<hbm>>
      tpu.enqueue_dma source(%dma_start3A_355 : memref<32x128xf32, #tpu.memory_space<hbm>>) target(%arg5 : memref<32x128xf32, #tpu.memory_space<vmem>>) target_semaphore(%arg12 : memref<!tpu.dma_semaphore, #tpu.memory_space<semaphore_mem>>)
    } else {
    }
    %add3A_245 = arith.constant 32 : i32
    %add3A_246 = arith.addi %add3A, %add3A_245 : i32
    %lt3A_247 = arith.constant 7812 : i32
    %lt3A_248 = arith.cmpi slt, %add3A_246, %lt3A_247 : i32
    %convert_element_type3A_249 = arith.extui %lt3A_248 : i1 to i32
    %cond3A_250 = arith.constant 0 : i32
    %cond3A_251 = arith.cmpi ne, %convert_element_type3A_249, %cond3A_250 : i32
    scf.if %cond3A_251 {
      %mul3A_351 = arith.constant 128 : i32
      %mul3A_352 = arith.muli %add3A_246, %mul3A_351 : i32
      %dma_start3A = arith.constant 0 : i32
      %dma_start3A_353 = tpu.memref_slice %arg2[%dma_start3A, %mul3A_352] : memref<32x1000000xf32, #tpu.memory_space<hbm>> -> memref<32x128xf32, #tpu.memory_space<hbm>>
      %dma_start3A_354 = arith.constant 0 : i32
      %dma_start3A_355 = tpu.memref_slice %arg2[%dma_start3A_354, %mul3A_352] : memref<32x1000000xf32, #tpu.memory_space<hbm>> -> memref<32x128xf32, #tpu.memory_space<hbm>>
      tpu.enqueue_dma source(%dma_start3A_355 : memref<32x128xf32, #tpu.memory_space<hbm>>) target(%arg6 : memref<32x128xf32, #tpu.memory_space<vmem>>) target_semaphore(%arg13 : memref<!tpu.dma_semaphore, #tpu.memory_space<semaphore_mem>>)
    } else {
    }
    %add3A_252 = arith.constant 64 : i32
    %add3A_253 = arith.addi %add3A, %add3A_252 : i32
    %lt3A_254 = arith.constant 7812 : i32
    %lt3A_255 = arith.cmpi slt, %add3A_253, %lt3A_254 : i32
    %convert_element_type3A_256 = arith.extui %lt3A_255 : i1 to i32
    %cond3A_257 = arith.constant 0 : i32
    %cond3A_258 = arith.cmpi ne, %convert_element_type3A_256, %cond3A_257 : i32
    scf.if %cond3A_258 {
      %mul3A_351 = arith.constant 128 : i32
      %mul3A_352 = arith.muli %add3A_253, %mul3A_351 : i32
      %dma_start3A = arith.constant 0 : i32
      %dma_start3A_353 = tpu.memref_slice %arg2[%dma_start3A, %mul3A_352] : memref<32x1000000xf32, #tpu.memory_space<hbm>> -> memref<32x128xf32, #tpu.memory_space<hbm>>
      %dma_start3A_354 = arith.constant 0 : i32
      %dma_start3A_355 = tpu.memref_slice %arg2[%dma_start3A_354, %mul3A_352] : memref<32x1000000xf32, #tpu.memory_space<hbm>> -> memref<32x128xf32, #tpu.memory_space<hbm>>
      tpu.enqueue_dma source(%dma_start3A_355 : memref<32x128xf32, #tpu.memory_space<hbm>>) target(%arg7 : memref<32x128xf32, #tpu.memory_space<vmem>>) target_semaphore(%arg14 : memref<!tpu.dma_semaphore, #tpu.memory_space<semaphore_mem>>)
    } else {
    }
    %scan3A = arith.constant 0 : i32
    %scan3A_259 = arith.constant 0 : i32
    %scan3A_260 = arith.constant 82 : i32
    %scan3A_261 = arith.addi %scan3A_259, %scan3A_260 : i32
    %scan3A_262 = arith.constant 1 : i32
    %scan3A_263 = scf.for %scan3A_351 = %scan3A_259 to %scan3A_261 step %scan3A_262 iter_args(%scan3A_352 = %scan3A) -> (i32)  : i32 {
      %mul3A_353 = arith.constant 3 : i32
      %mul3A_354 = arith.muli %mul3A_353, %scan3A_351 : i32
      %add3A_355 = arith.constant 0 : i32
      %add3A_356 = arith.addi %mul3A_354, %add3A_355 : i32
      %mul3A_357 = arith.constant 32 : i32
      %mul3A_358 = arith.muli %add3A_356, %mul3A_357 : i32
      %add3A_359 = arith.addi %add3A, %mul3A_358 : i32
      %add3A_360 = arith.constant 96 : i32
      %add3A_361 = arith.addi %add3A_359, %add3A_360 : i32
      %sub3A = arith.constant 96 : i32
      %sub3A_362 = arith.subi %add3A_359, %sub3A : i32
      %lt3A_363 = arith.constant 7812 : i32
      %lt3A_364 = arith.cmpi slt, %add3A_359, %lt3A_363 : i32
      %convert_element_type3A_365 = arith.extui %lt3A_364 : i1 to i32
      %cond3A_366 = arith.constant 0 : i32
      %cond3A_367 = arith.cmpi ne, %convert_element_type3A_365, %cond3A_366 : i32
      scf.if %cond3A_367 {
        %mul3A_401 = arith.constant 128 : i32
        %mul3A_402 = arith.muli %add3A_359, %mul3A_401 : i32
        %dma_wait3A = arith.constant 0 : i32
        %dma_wait3A_403 = tpu.memref_slice %arg2[%dma_wait3A, %mul3A_402] : memref<32x1000000xf32, #tpu.memory_space<hbm>> -> memref<32x128xf32, #tpu.memory_space<hbm>>
        %dma_wait3A_404 = arith.constant 0 : i32
        %dma_wait3A_405 = tpu.memref_slice %arg2[%dma_wait3A_404, %mul3A_402] : memref<32x1000000xf32, #tpu.memory_space<hbm>> -> memref<32x128xf32, #tpu.memory_space<hbm>>
        tpu.wait_dma2 semaphore(%arg12 : memref<!tpu.dma_semaphore, #tpu.memory_space<semaphore_mem>>) src(%dma_wait3A_405 : memref<32x128xf32, #tpu.memory_space<hbm>>) dst(%arg5 : memref<32x128xf32, #tpu.memory_space<vmem>>)
        %ge3A_406 = arith.constant 0 : i32
        %ge3A_407 = arith.cmpi sge, %sub3A_362, %ge3A_406 : i32
        %convert_element_type3A_408 = arith.extui %ge3A_407 : i1 to i32
        %cond3A_409 = arith.constant 0 : i32
        %cond3A_410 = arith.cmpi ne, %convert_element_type3A_408, %cond3A_409 : i32
        scf.if %cond3A_410 {
          %mul3A_427 = arith.constant 128 : i32
          %mul3A_428 = arith.muli %sub3A_362, %mul3A_427 : i32
          %mul3A_429 = arith.constant 32 : i32
          %mul3A_430 = arith.muli %mul3A_428, %mul3A_429 : i32
          %dma_wait3A_431 = tpu.memref_slice %arg4[%mul3A_430] : memref<32000000xf32, #tpu.memory_space<hbm>> -> memref<4096xf32, #tpu.memory_space<hbm>>
          %dma_wait3A_432 = tpu.memref_slice %arg4[%mul3A_430] : memref<32000000xf32, #tpu.memory_space<hbm>> -> memref<4096xf32, #tpu.memory_space<hbm>>
          tpu.wait_dma2 semaphore(%arg15 : memref<!tpu.dma_semaphore, #tpu.memory_space<semaphore_mem>>) src(%arg8 : memref<4096xf32, #tpu.memory_space<vmem>>) dst(%dma_wait3A_432 : memref<4096xf32, #tpu.memory_space<hbm>>)
        } else {
        }
        %scan3A_411 = arith.constant 0 : i32
        %scan3A_412 = arith.constant 0 : i32
        %scan3A_413 = arith.constant 16 : i32
        %scan3A_414 = arith.addi %scan3A_412, %scan3A_413 : i32
        %scan3A_415 = arith.constant 1 : i32
        scf.for %scan3A_427 = %scan3A_412 to %scan3A_414 step %scan3A_415  : i32 {
          %add3A_428 = vector.broadcast %scan3A_427 : i32 to vector<16xi32>
          %add3A_429 = arith.addi %iota3A, %add3A_428 : vector<16xi32>
          %and3A_430 = arith.constant 15 : i32
          %and3A_431 = vector.broadcast %and3A_430 : i32 to vector<16xi32>
          %and3A_432 = arith.andi %add3A_429, %and3A_431 : vector<16xi32>
          %gather3A = tpu.vector_load_idx %arg5[%and3A_432, %add3A_6] : memref<32x128xf32, #tpu.memory_space<vmem>>[vector<16xi32>, vector<16xi32>], vector<16xf32>,
          %add3A_433 = arith.addi %add3A_105, %and3A_432 : vector<16xi32>
          tpu.vector_store_idx %arg8[%add3A_433], %gather3A : memref<4096xf32, #tpu.memory_space<vmem>>[vector<16xi32>], vector<16xf32>,
          %gather3A_434 = tpu.vector_load_idx %arg5[%and3A_432, %add3A_12] : memref<32x128xf32, #tpu.memory_space<vmem>>[vector<16xi32>, vector<16xi32>], vector<16xf32>,
          %add3A_435 = arith.addi %add3A_114, %and3A_432 : vector<16xi32>
          tpu.vector_store_idx %arg8[%add3A_435], %gather3A_434 : memref<4096xf32, #tpu.memory_space<vmem>>[vector<16xi32>], vector<16xf32>,
          %gather3A_436 = tpu.vector_load_idx %arg5[%and3A_432, %add3A_18] : memref<32x128xf32, #tpu.memory_space<vmem>>[vector<16xi32>, vector<16xi32>], vector<16xf32>,
          %add3A_437 = arith.addi %add3A_123, %and3A_432 : vector<16xi32>
          tpu.vector_store_idx %arg8[%add3A_437], %gather3A_436 : memref<4096xf32, #tpu.memory_space<vmem>>[vector<16xi32>], vector<16xf32>,
          %gather3A_438 = tpu.vector_load_idx %arg5[%and3A_432, %add3A_24] : memref<32x128xf32, #tpu.memory_space<vmem>>[vector<16xi32>, vector<16xi32>], vector<16xf32>,
          %add3A_439 = arith.addi %add3A_132, %and3A_432 : vector<16xi32>
          tpu.vector_store_idx %arg8[%add3A_439], %gather3A_438 : memref<4096xf32, #tpu.memory_space<vmem>>[vector<16xi32>], vector<16xf32>,
          %gather3A_440 = tpu.vector_load_idx %arg5[%and3A_432, %add3A_30] : memref<32x128xf32, #tpu.memory_space<vmem>>[vector<16xi32>, vector<16xi32>], vector<16xf32>,
          %add3A_441 = arith.addi %add3A_141, %and3A_432 : vector<16xi32>
          tpu.vector_store_idx %arg8[%add3A_441], %gather3A_440 : memref<4096xf32, #tpu.memory_space<vmem>>[vector<16xi32>], vector<16xf32>,
          %gather3A_442 = tpu.vector_load_idx %arg5[%and3A_432, %add3A_36] : memref<32x128xf32, #tpu.memory_space<vmem>>[vector<16xi32>, vector<16xi32>], vector<16xf32>,
          %add3A_443 = arith.addi %add3A_150, %and3A_432 : vector<16xi32>
          tpu.vector_store_idx %arg8[%add3A_443], %gather3A_442 : memref<4096xf32, #tpu.memory_space<vmem>>[vector<16xi32>], vector<16xf32>,
          %gather3A_444 = tpu.vector_load_idx %arg5[%and3A_432, %add3A_42] : memref<32x128xf32, #tpu.memory_space<vmem>>[vector<16xi32>, vector<16xi32>], vector<16xf32>,
          %add3A_445 = arith.addi %add3A_159, %and3A_432 : vector<16xi32>
          tpu.vector_store_idx %arg8[%add3A_445], %gather3A_444 : memref<4096xf32, #tpu.memory_space<vmem>>[vector<16xi32>], vector<16xf32>,
          %gather3A_446 = tpu.vector_load_idx %arg5[%and3A_432, %add3A_48] : memref<32x128xf32, #tpu.memory_space<vmem>>[vector<16xi32>, vector<16xi32>], vector<16xf32>,
          %add3A_447 = arith.addi %add3A_168, %and3A_432 : vector<16xi32>
          tpu.vector_store_idx %arg8[%add3A_447], %gather3A_446 : memref<4096xf32, #tpu.memory_space<vmem>>[vector<16xi32>], vector<16xf32>,
          %gather3A_448 = tpu.vector_load_idx %arg5[%and3A_432, %add3A_54] : memref<32x128xf32, #tpu.memory_space<vmem>>[vector<16xi32>, vector<16xi32>], vector<16xf32>,
          %add3A_449 = arith.addi %add3A_177, %and3A_432 : vector<16xi32>
          tpu.vector_store_idx %arg8[%add3A_449], %gather3A_448 : memref<4096xf32, #tpu.memory_space<vmem>>[vector<16xi32>], vector<16xf32>,
          %gather3A_450 = tpu.vector_load_idx %arg5[%and3A_432, %add3A_60] : memref<32x128xf32, #tpu.memory_space<vmem>>[vector<16xi32>, vector<16xi32>], vector<16xf32>,
          %add3A_451 = arith.addi %add3A_186, %and3A_432 : vector<16xi32>
          tpu.vector_store_idx %arg8[%add3A_451], %gather3A_450 : memref<4096xf32, #tpu.memory_space<vmem>>[vector<16xi32>], vector<16xf32>,
          %gather3A_452 = tpu.vector_load_idx %arg5[%and3A_432, %add3A_66] : memref<32x128xf32, #tpu.memory_space<vmem>>[vector<16xi32>, vector<16xi32>], vector<16xf32>,
          %add3A_453 = arith.addi %add3A_195, %and3A_432 : vector<16xi32>
          tpu.vector_store_idx %arg8[%add3A_453], %gather3A_452 : memref<4096xf32, #tpu.memory_space<vmem>>[vector<16xi32>], vector<16xf32>,
          %gather3A_454 = tpu.vector_load_idx %arg5[%and3A_432, %add3A_72] : memref<32x128xf32, #tpu.memory_space<vmem>>[vector<16xi32>, vector<16xi32>], vector<16xf32>,
          %add3A_455 = arith.addi %add3A_204, %and3A_432 : vector<16xi32>
          tpu.vector_store_idx %arg8[%add3A_455], %gather3A_454 : memref<4096xf32, #tpu.memory_space<vmem>>[vector<16xi32>], vector<16xf32>,
          %gather3A_456 = tpu.vector_load_idx %arg5[%and3A_432, %add3A_78] : memref<32x128xf32, #tpu.memory_space<vmem>>[vector<16xi32>, vector<16xi32>], vector<16xf32>,
          %add3A_457 = arith.addi %add3A_213, %and3A_432 : vector<16xi32>
          tpu.vector_store_idx %arg8[%add3A_457], %gather3A_456 : memref<4096xf32, #tpu.memory_space<vmem>>[vector<16xi32>], vector<16xf32>,
          %gather3A_458 = tpu.vector_load_idx %arg5[%and3A_432, %add3A_84] : memref<32x128xf32, #tpu.memory_space<vmem>>[vector<16xi32>, vector<16xi32>], vector<16xf32>,
          %add3A_459 = arith.addi %add3A_222, %and3A_432 : vector<16xi32>
          tpu.vector_store_idx %arg8[%add3A_459], %gather3A_458 : memref<4096xf32, #tpu.memory_space<vmem>>[vector<16xi32>], vector<16xf32>,
          %gather3A_460 = tpu.vector_load_idx %arg5[%and3A_432, %add3A_90] : memref<32x128xf32, #tpu.memory_space<vmem>>[vector<16xi32>, vector<16xi32>], vector<16xf32>,
          %add3A_461 = arith.addi %add3A_231, %and3A_432 : vector<16xi32>
          tpu.vector_store_idx %arg8[%add3A_461], %gather3A_460 : memref<4096xf32, #tpu.memory_space<vmem>>[vector<16xi32>], vector<16xf32>,
          %gather3A_462 = tpu.vector_load_idx %arg5[%and3A_432, %add3A_96] : memref<32x128xf32, #tpu.memory_space<vmem>>[vector<16xi32>, vector<16xi32>], vector<16xf32>,
          %add3A_463 = arith.addi %add3A_240, %and3A_432 : vector<16xi32>
          tpu.vector_store_idx %arg8[%add3A_463], %gather3A_462 : memref<4096xf32, #tpu.memory_space<vmem>>[vector<16xi32>], vector<16xf32>,
        }
        %scan3A_416 = arith.constant 16 : i32
        %mul3A_417 = arith.constant 128 : i32
        %mul3A_418 = arith.muli %add3A_359, %mul3A_417 : i32
        %mul3A_419 = arith.constant 32 : i32
        %mul3A_420 = arith.muli %mul3A_418, %mul3A_419 : i32
        %dma_start3A = tpu.memref_slice %arg4[%mul3A_420] : memref<32000000xf32, #tpu.memory_space<hbm>> -> memref<4096xf32, #tpu.memory_space<hbm>>
        %dma_start3A_421 = tpu.memref_slice %arg4[%mul3A_420] : memref<32000000xf32, #tpu.memory_space<hbm>> -> memref<4096xf32, #tpu.memory_space<hbm>>
        tpu.enqueue_dma source(%arg8 : memref<4096xf32, #tpu.memory_space<vmem>>) target(%dma_start3A_421 : memref<4096xf32, #tpu.memory_space<hbm>>) target_semaphore(%arg15 : memref<!tpu.dma_semaphore, #tpu.memory_space<semaphore_mem>>)
        %lt3A_422 = arith.constant 7812 : i32
        %lt3A_423 = arith.cmpi slt, %add3A_361, %lt3A_422 : i32
        %convert_element_type3A_424 = arith.extui %lt3A_423 : i1 to i32
        %cond3A_425 = arith.constant 0 : i32
        %cond3A_426 = arith.cmpi ne, %convert_element_type3A_424, %cond3A_425 : i32
        scf.if %cond3A_426 {
          %mul3A_427 = arith.constant 128 : i32
          %mul3A_428 = arith.muli %add3A_361, %mul3A_427 : i32
          %dma_start3A_429 = arith.constant 0 : i32
          %dma_start3A_430 = tpu.memref_slice %arg2[%dma_start3A_429, %mul3A_428] : memref<32x1000000xf32, #tpu.memory_space<hbm>> -> memref<32x128xf32, #tpu.memory_space<hbm>>
          %dma_start3A_431 = arith.constant 0 : i32
          %dma_start3A_432 = tpu.memref_slice %arg2[%dma_start3A_431, %mul3A_428] : memref<32x1000000xf32, #tpu.memory_space<hbm>> -> memref<32x128xf32, #tpu.memory_space<hbm>>
          tpu.enqueue_dma source(%dma_start3A_432 : memref<32x128xf32, #tpu.memory_space<hbm>>) target(%arg5 : memref<32x128xf32, #tpu.memory_space<vmem>>) target_semaphore(%arg12 : memref<!tpu.dma_semaphore, #tpu.memory_space<semaphore_mem>>)
        } else {
        }
      } else {
      }
      %mul3A_368 = arith.constant 3 : i32
      %mul3A_369 = arith.muli %mul3A_368, %scan3A_351 : i32
      %add3A_370 = arith.constant 1 : i32
      %add3A_371 = arith.addi %mul3A_369, %add3A_370 : i32
      %mul3A_372 = arith.constant 32 : i32
      %mul3A_373 = arith.muli %add3A_371, %mul3A_372 : i32
      %add3A_374 = arith.addi %add3A, %mul3A_373 : i32
      %add3A_375 = arith.constant 96 : i32
      %add3A_376 = arith.addi %add3A_374, %add3A_375 : i32
      %sub3A_377 = arith.constant 96 : i32
      %sub3A_378 = arith.subi %add3A_374, %sub3A_377 : i32
      %lt3A_379 = arith.constant 7812 : i32
      %lt3A_380 = arith.cmpi slt, %add3A_374, %lt3A_379 : i32
      %convert_element_type3A_381 = arith.extui %lt3A_380 : i1 to i32
      %cond3A_382 = arith.constant 0 : i32
      %cond3A_383 = arith.cmpi ne, %convert_element_type3A_381, %cond3A_382 : i32
      scf.if %cond3A_383 {
        %mul3A_401 = arith.constant 128 : i32
        %mul3A_402 = arith.muli %add3A_374, %mul3A_401 : i32
        %dma_wait3A = arith.constant 0 : i32
        %dma_wait3A_403 = tpu.memref_slice %arg2[%dma_wait3A, %mul3A_402] : memref<32x1000000xf32, #tpu.memory_space<hbm>> -> memref<32x128xf32, #tpu.memory_space<hbm>>
        %dma_wait3A_404 = arith.constant 0 : i32
        %dma_wait3A_405 = tpu.memref_slice %arg2[%dma_wait3A_404, %mul3A_402] : memref<32x1000000xf32, #tpu.memory_space<hbm>> -> memref<32x128xf32, #tpu.memory_space<hbm>>
        tpu.wait_dma2 semaphore(%arg13 : memref<!tpu.dma_semaphore, #tpu.memory_space<semaphore_mem>>) src(%dma_wait3A_405 : memref<32x128xf32, #tpu.memory_space<hbm>>) dst(%arg6 : memref<32x128xf32, #tpu.memory_space<vmem>>)
        %ge3A_406 = arith.constant 0 : i32
        %ge3A_407 = arith.cmpi sge, %sub3A_378, %ge3A_406 : i32
        %convert_element_type3A_408 = arith.extui %ge3A_407 : i1 to i32
        %cond3A_409 = arith.constant 0 : i32
        %cond3A_410 = arith.cmpi ne, %convert_element_type3A_408, %cond3A_409 : i32
        scf.if %cond3A_410 {
          %mul3A_427 = arith.constant 128 : i32
          %mul3A_428 = arith.muli %sub3A_378, %mul3A_427 : i32
          %mul3A_429 = arith.constant 32 : i32
          %mul3A_430 = arith.muli %mul3A_428, %mul3A_429 : i32
          %dma_wait3A_431 = tpu.memref_slice %arg4[%mul3A_430] : memref<32000000xf32, #tpu.memory_space<hbm>> -> memref<4096xf32, #tpu.memory_space<hbm>>
          %dma_wait3A_432 = tpu.memref_slice %arg4[%mul3A_430] : memref<32000000xf32, #tpu.memory_space<hbm>> -> memref<4096xf32, #tpu.memory_space<hbm>>
          tpu.wait_dma2 semaphore(%arg16 : memref<!tpu.dma_semaphore, #tpu.memory_space<semaphore_mem>>) src(%arg9 : memref<4096xf32, #tpu.memory_space<vmem>>) dst(%dma_wait3A_432 : memref<4096xf32, #tpu.memory_space<hbm>>)
        } else {
        }
        %scan3A_411 = arith.constant 0 : i32
        %scan3A_412 = arith.constant 0 : i32
        %scan3A_413 = arith.constant 16 : i32
        %scan3A_414 = arith.addi %scan3A_412, %scan3A_413 : i32
        %scan3A_415 = arith.constant 1 : i32
        scf.for %scan3A_427 = %scan3A_412 to %scan3A_414 step %scan3A_415  : i32 {
          %add3A_428 = vector.broadcast %scan3A_427 : i32 to vector<16xi32>
          %add3A_429 = arith.addi %iota3A, %add3A_428 : vector<16xi32>
          %and3A_430 = arith.constant 15 : i32
          %and3A_431 = vector.broadcast %and3A_430 : i32 to vector<16xi32>
          %and3A_432 = arith.andi %add3A_429, %and3A_431 : vector<16xi32>
          %gather3A = tpu.vector_load_idx %arg6[%and3A_432, %add3A_6] : memref<32x128xf32, #tpu.memory_space<vmem>>[vector<16xi32>, vector<16xi32>], vector<16xf32>,
          %add3A_433 = arith.addi %add3A_105, %and3A_432 : vector<16xi32>
          tpu.vector_store_idx %arg9[%add3A_433], %gather3A : memref<4096xf32, #tpu.memory_space<vmem>>[vector<16xi32>], vector<16xf32>,
          %gather3A_434 = tpu.vector_load_idx %arg6[%and3A_432, %add3A_12] : memref<32x128xf32, #tpu.memory_space<vmem>>[vector<16xi32>, vector<16xi32>], vector<16xf32>,
          %add3A_435 = arith.addi %add3A_114, %and3A_432 : vector<16xi32>
          tpu.vector_store_idx %arg9[%add3A_435], %gather3A_434 : memref<4096xf32, #tpu.memory_space<vmem>>[vector<16xi32>], vector<16xf32>,
          %gather3A_436 = tpu.vector_load_idx %arg6[%and3A_432, %add3A_18] : memref<32x128xf32, #tpu.memory_space<vmem>>[vector<16xi32>, vector<16xi32>], vector<16xf32>,
          %add3A_437 = arith.addi %add3A_123, %and3A_432 : vector<16xi32>
          tpu.vector_store_idx %arg9[%add3A_437], %gather3A_436 : memref<4096xf32, #tpu.memory_space<vmem>>[vector<16xi32>], vector<16xf32>,
          %gather3A_438 = tpu.vector_load_idx %arg6[%and3A_432, %add3A_24] : memref<32x128xf32, #tpu.memory_space<vmem>>[vector<16xi32>, vector<16xi32>], vector<16xf32>,
          %add3A_439 = arith.addi %add3A_132, %and3A_432 : vector<16xi32>
          tpu.vector_store_idx %arg9[%add3A_439], %gather3A_438 : memref<4096xf32, #tpu.memory_space<vmem>>[vector<16xi32>], vector<16xf32>,
          %gather3A_440 = tpu.vector_load_idx %arg6[%and3A_432, %add3A_30] : memref<32x128xf32, #tpu.memory_space<vmem>>[vector<16xi32>, vector<16xi32>], vector<16xf32>,
          %add3A_441 = arith.addi %add3A_141, %and3A_432 : vector<16xi32>
          tpu.vector_store_idx %arg9[%add3A_441], %gather3A_440 : memref<4096xf32, #tpu.memory_space<vmem>>[vector<16xi32>], vector<16xf32>,
          %gather3A_442 = tpu.vector_load_idx %arg6[%and3A_432, %add3A_36] : memref<32x128xf32, #tpu.memory_space<vmem>>[vector<16xi32>, vector<16xi32>], vector<16xf32>,
          %add3A_443 = arith.addi %add3A_150, %and3A_432 : vector<16xi32>
          tpu.vector_store_idx %arg9[%add3A_443], %gather3A_442 : memref<4096xf32, #tpu.memory_space<vmem>>[vector<16xi32>], vector<16xf32>,
          %gather3A_444 = tpu.vector_load_idx %arg6[%and3A_432, %add3A_42] : memref<32x128xf32, #tpu.memory_space<vmem>>[vector<16xi32>, vector<16xi32>], vector<16xf32>,
          %add3A_445 = arith.addi %add3A_159, %and3A_432 : vector<16xi32>
          tpu.vector_store_idx %arg9[%add3A_445], %gather3A_444 : memref<4096xf32, #tpu.memory_space<vmem>>[vector<16xi32>], vector<16xf32>,
          %gather3A_446 = tpu.vector_load_idx %arg6[%and3A_432, %add3A_48] : memref<32x128xf32, #tpu.memory_space<vmem>>[vector<16xi32>, vector<16xi32>], vector<16xf32>,
          %add3A_447 = arith.addi %add3A_168, %and3A_432 : vector<16xi32>
          tpu.vector_store_idx %arg9[%add3A_447], %gather3A_446 : memref<4096xf32, #tpu.memory_space<vmem>>[vector<16xi32>], vector<16xf32>,
          %gather3A_448 = tpu.vector_load_idx %arg6[%and3A_432, %add3A_54] : memref<32x128xf32, #tpu.memory_space<vmem>>[vector<16xi32>, vector<16xi32>], vector<16xf32>,
          %add3A_449 = arith.addi %add3A_177, %and3A_432 : vector<16xi32>
          tpu.vector_store_idx %arg9[%add3A_449], %gather3A_448 : memref<4096xf32, #tpu.memory_space<vmem>>[vector<16xi32>], vector<16xf32>,
          %gather3A_450 = tpu.vector_load_idx %arg6[%and3A_432, %add3A_60] : memref<32x128xf32, #tpu.memory_space<vmem>>[vector<16xi32>, vector<16xi32>], vector<16xf32>,
          %add3A_451 = arith.addi %add3A_186, %and3A_432 : vector<16xi32>
          tpu.vector_store_idx %arg9[%add3A_451], %gather3A_450 : memref<4096xf32, #tpu.memory_space<vmem>>[vector<16xi32>], vector<16xf32>,
          %gather3A_452 = tpu.vector_load_idx %arg6[%and3A_432, %add3A_66] : memref<32x128xf32, #tpu.memory_space<vmem>>[vector<16xi32>, vector<16xi32>], vector<16xf32>,
          %add3A_453 = arith.addi %add3A_195, %and3A_432 : vector<16xi32>
          tpu.vector_store_idx %arg9[%add3A_453], %gather3A_452 : memref<4096xf32, #tpu.memory_space<vmem>>[vector<16xi32>], vector<16xf32>,
          %gather3A_454 = tpu.vector_load_idx %arg6[%and3A_432, %add3A_72] : memref<32x128xf32, #tpu.memory_space<vmem>>[vector<16xi32>, vector<16xi32>], vector<16xf32>,
          %add3A_455 = arith.addi %add3A_204, %and3A_432 : vector<16xi32>
          tpu.vector_store_idx %arg9[%add3A_455], %gather3A_454 : memref<4096xf32, #tpu.memory_space<vmem>>[vector<16xi32>], vector<16xf32>,
          %gather3A_456 = tpu.vector_load_idx %arg6[%and3A_432, %add3A_78] : memref<32x128xf32, #tpu.memory_space<vmem>>[vector<16xi32>, vector<16xi32>], vector<16xf32>,
          %add3A_457 = arith.addi %add3A_213, %and3A_432 : vector<16xi32>
          tpu.vector_store_idx %arg9[%add3A_457], %gather3A_456 : memref<4096xf32, #tpu.memory_space<vmem>>[vector<16xi32>], vector<16xf32>,
          %gather3A_458 = tpu.vector_load_idx %arg6[%and3A_432, %add3A_84] : memref<32x128xf32, #tpu.memory_space<vmem>>[vector<16xi32>, vector<16xi32>], vector<16xf32>,
          %add3A_459 = arith.addi %add3A_222, %and3A_432 : vector<16xi32>
          tpu.vector_store_idx %arg9[%add3A_459], %gather3A_458 : memref<4096xf32, #tpu.memory_space<vmem>>[vector<16xi32>], vector<16xf32>,
          %gather3A_460 = tpu.vector_load_idx %arg6[%and3A_432, %add3A_90] : memref<32x128xf32, #tpu.memory_space<vmem>>[vector<16xi32>, vector<16xi32>], vector<16xf32>,
          %add3A_461 = arith.addi %add3A_231, %and3A_432 : vector<16xi32>
          tpu.vector_store_idx %arg9[%add3A_461], %gather3A_460 : memref<4096xf32, #tpu.memory_space<vmem>>[vector<16xi32>], vector<16xf32>,
          %gather3A_462 = tpu.vector_load_idx %arg6[%and3A_432, %add3A_96] : memref<32x128xf32, #tpu.memory_space<vmem>>[vector<16xi32>, vector<16xi32>], vector<16xf32>,
          %add3A_463 = arith.addi %add3A_240, %and3A_432 : vector<16xi32>
          tpu.vector_store_idx %arg9[%add3A_463], %gather3A_462 : memref<4096xf32, #tpu.memory_space<vmem>>[vector<16xi32>], vector<16xf32>,
        }
        %scan3A_416 = arith.constant 16 : i32
        %mul3A_417 = arith.constant 128 : i32
        %mul3A_418 = arith.muli %add3A_374, %mul3A_417 : i32
        %mul3A_419 = arith.constant 32 : i32
        %mul3A_420 = arith.muli %mul3A_418, %mul3A_419 : i32
        %dma_start3A = tpu.memref_slice %arg4[%mul3A_420] : memref<32000000xf32, #tpu.memory_space<hbm>> -> memref<4096xf32, #tpu.memory_space<hbm>>
        %dma_start3A_421 = tpu.memref_slice %arg4[%mul3A_420] : memref<32000000xf32, #tpu.memory_space<hbm>> -> memref<4096xf32, #tpu.memory_space<hbm>>
        tpu.enqueue_dma source(%arg9 : memref<4096xf32, #tpu.memory_space<vmem>>) target(%dma_start3A_421 : memref<4096xf32, #tpu.memory_space<hbm>>) target_semaphore(%arg16 : memref<!tpu.dma_semaphore, #tpu.memory_space<semaphore_mem>>)
        %lt3A_422 = arith.constant 7812 : i32
        %lt3A_423 = arith.cmpi slt, %add3A_376, %lt3A_422 : i32
        %convert_element_type3A_424 = arith.extui %lt3A_423 : i1 to i32
        %cond3A_425 = arith.constant 0 : i32
        %cond3A_426 = arith.cmpi ne, %convert_element_type3A_424, %cond3A_425 : i32
        scf.if %cond3A_426 {
          %mul3A_427 = arith.constant 128 : i32
          %mul3A_428 = arith.muli %add3A_376, %mul3A_427 : i32
          %dma_start3A_429 = arith.constant 0 : i32
          %dma_start3A_430 = tpu.memref_slice %arg2[%dma_start3A_429, %mul3A_428] : memref<32x1000000xf32, #tpu.memory_space<hbm>> -> memref<32x128xf32, #tpu.memory_space<hbm>>
          %dma_start3A_431 = arith.constant 0 : i32
          %dma_start3A_432 = tpu.memref_slice %arg2[%dma_start3A_431, %mul3A_428] : memref<32x1000000xf32, #tpu.memory_space<hbm>> -> memref<32x128xf32, #tpu.memory_space<hbm>>
          tpu.enqueue_dma source(%dma_start3A_432 : memref<32x128xf32, #tpu.memory_space<hbm>>) target(%arg6 : memref<32x128xf32, #tpu.memory_space<vmem>>) target_semaphore(%arg13 : memref<!tpu.dma_semaphore, #tpu.memory_space<semaphore_mem>>)
        } else {
        }
      } else {
      }
      %mul3A_384 = arith.constant 3 : i32
      %mul3A_385 = arith.muli %mul3A_384, %scan3A_351 : i32
      %add3A_386 = arith.constant 2 : i32
      %add3A_387 = arith.addi %mul3A_385, %add3A_386 : i32
      %mul3A_388 = arith.constant 32 : i32
      %mul3A_389 = arith.muli %add3A_387, %mul3A_388 : i32
      %add3A_390 = arith.addi %add3A, %mul3A_389 : i32
      %add3A_391 = arith.constant 96 : i32
      %add3A_392 = arith.addi %add3A_390, %add3A_391 : i32
      %sub3A_393 = arith.constant 96 : i32
      %sub3A_394 = arith.subi %add3A_390, %sub3A_393 : i32
      %lt3A_395 = arith.constant 7812 : i32
      %lt3A_396 = arith.cmpi slt, %add3A_390, %lt3A_395 : i32
      %convert_element_type3A_397 = arith.extui %lt3A_396 : i1 to i32
      %cond3A_398 = arith.constant 0 : i32
      %cond3A_399 = arith.cmpi ne, %convert_element_type3A_397, %cond3A_398 : i32
      scf.if %cond3A_399 {
        %mul3A_401 = arith.constant 128 : i32
        %mul3A_402 = arith.muli %add3A_390, %mul3A_401 : i32
        %dma_wait3A = arith.constant 0 : i32
        %dma_wait3A_403 = tpu.memref_slice %arg2[%dma_wait3A, %mul3A_402] : memref<32x1000000xf32, #tpu.memory_space<hbm>> -> memref<32x128xf32, #tpu.memory_space<hbm>>
        %dma_wait3A_404 = arith.constant 0 : i32
        %dma_wait3A_405 = tpu.memref_slice %arg2[%dma_wait3A_404, %mul3A_402] : memref<32x1000000xf32, #tpu.memory_space<hbm>> -> memref<32x128xf32, #tpu.memory_space<hbm>>
        tpu.wait_dma2 semaphore(%arg14 : memref<!tpu.dma_semaphore, #tpu.memory_space<semaphore_mem>>) src(%dma_wait3A_405 : memref<32x128xf32, #tpu.memory_space<hbm>>) dst(%arg7 : memref<32x128xf32, #tpu.memory_space<vmem>>)
        %ge3A_406 = arith.constant 0 : i32
        %ge3A_407 = arith.cmpi sge, %sub3A_394, %ge3A_406 : i32
        %convert_element_type3A_408 = arith.extui %ge3A_407 : i1 to i32
        %cond3A_409 = arith.constant 0 : i32
        %cond3A_410 = arith.cmpi ne, %convert_element_type3A_408, %cond3A_409 : i32
        scf.if %cond3A_410 {
          %mul3A_427 = arith.constant 128 : i32
          %mul3A_428 = arith.muli %sub3A_394, %mul3A_427 : i32
          %mul3A_429 = arith.constant 32 : i32
          %mul3A_430 = arith.muli %mul3A_428, %mul3A_429 : i32
          %dma_wait3A_431 = tpu.memref_slice %arg4[%mul3A_430] : memref<32000000xf32, #tpu.memory_space<hbm>> -> memref<4096xf32, #tpu.memory_space<hbm>>
          %dma_wait3A_432 = tpu.memref_slice %arg4[%mul3A_430] : memref<32000000xf32, #tpu.memory_space<hbm>> -> memref<4096xf32, #tpu.memory_space<hbm>>
          tpu.wait_dma2 semaphore(%arg17 : memref<!tpu.dma_semaphore, #tpu.memory_space<semaphore_mem>>) src(%arg10 : memref<4096xf32, #tpu.memory_space<vmem>>) dst(%dma_wait3A_432 : memref<4096xf32, #tpu.memory_space<hbm>>)
        } else {
        }
        %scan3A_411 = arith.constant 0 : i32
        %scan3A_412 = arith.constant 0 : i32
        %scan3A_413 = arith.constant 16 : i32
        %scan3A_414 = arith.addi %scan3A_412, %scan3A_413 : i32
        %scan3A_415 = arith.constant 1 : i32
        scf.for %scan3A_427 = %scan3A_412 to %scan3A_414 step %scan3A_415  : i32 {
          %add3A_428 = vector.broadcast %scan3A_427 : i32 to vector<16xi32>
          %add3A_429 = arith.addi %iota3A, %add3A_428 : vector<16xi32>
          %and3A_430 = arith.constant 15 : i32
          %and3A_431 = vector.broadcast %and3A_430 : i32 to vector<16xi32>
          %and3A_432 = arith.andi %add3A_429, %and3A_431 : vector<16xi32>
          %gather3A = tpu.vector_load_idx %arg7[%and3A_432, %add3A_6] : memref<32x128xf32, #tpu.memory_space<vmem>>[vector<16xi32>, vector<16xi32>], vector<16xf32>,
          %add3A_433 = arith.addi %add3A_105, %and3A_432 : vector<16xi32>
          tpu.vector_store_idx %arg10[%add3A_433], %gather3A : memref<4096xf32, #tpu.memory_space<vmem>>[vector<16xi32>], vector<16xf32>,
          %gather3A_434 = tpu.vector_load_idx %arg7[%and3A_432, %add3A_12] : memref<32x128xf32, #tpu.memory_space<vmem>>[vector<16xi32>, vector<16xi32>], vector<16xf32>,
          %add3A_435 = arith.addi %add3A_114, %and3A_432 : vector<16xi32>
          tpu.vector_store_idx %arg10[%add3A_435], %gather3A_434 : memref<4096xf32, #tpu.memory_space<vmem>>[vector<16xi32>], vector<16xf32>,
          %gather3A_436 = tpu.vector_load_idx %arg7[%and3A_432, %add3A_18] : memref<32x128xf32, #tpu.memory_space<vmem>>[vector<16xi32>, vector<16xi32>], vector<16xf32>,
          %add3A_437 = arith.addi %add3A_123, %and3A_432 : vector<16xi32>
          tpu.vector_store_idx %arg10[%add3A_437], %gather3A_436 : memref<4096xf32, #tpu.memory_space<vmem>>[vector<16xi32>], vector<16xf32>,
          %gather3A_438 = tpu.vector_load_idx %arg7[%and3A_432, %add3A_24] : memref<32x128xf32, #tpu.memory_space<vmem>>[vector<16xi32>, vector<16xi32>], vector<16xf32>,
          %add3A_439 = arith.addi %add3A_132, %and3A_432 : vector<16xi32>
          tpu.vector_store_idx %arg10[%add3A_439], %gather3A_438 : memref<4096xf32, #tpu.memory_space<vmem>>[vector<16xi32>], vector<16xf32>,
          %gather3A_440 = tpu.vector_load_idx %arg7[%and3A_432, %add3A_30] : memref<32x128xf32, #tpu.memory_space<vmem>>[vector<16xi32>, vector<16xi32>], vector<16xf32>,
          %add3A_441 = arith.addi %add3A_141, %and3A_432 : vector<16xi32>
          tpu.vector_store_idx %arg10[%add3A_441], %gather3A_440 : memref<4096xf32, #tpu.memory_space<vmem>>[vector<16xi32>], vector<16xf32>,
          %gather3A_442 = tpu.vector_load_idx %arg7[%and3A_432, %add3A_36] : memref<32x128xf32, #tpu.memory_space<vmem>>[vector<16xi32>, vector<16xi32>], vector<16xf32>,
          %add3A_443 = arith.addi %add3A_150, %and3A_432 : vector<16xi32>
          tpu.vector_store_idx %arg10[%add3A_443], %gather3A_442 : memref<4096xf32, #tpu.memory_space<vmem>>[vector<16xi32>], vector<16xf32>,
          %gather3A_444 = tpu.vector_load_idx %arg7[%and3A_432, %add3A_42] : memref<32x128xf32, #tpu.memory_space<vmem>>[vector<16xi32>, vector<16xi32>], vector<16xf32>,
          %add3A_445 = arith.addi %add3A_159, %and3A_432 : vector<16xi32>
          tpu.vector_store_idx %arg10[%add3A_445], %gather3A_444 : memref<4096xf32, #tpu.memory_space<vmem>>[vector<16xi32>], vector<16xf32>,
          %gather3A_446 = tpu.vector_load_idx %arg7[%and3A_432, %add3A_48] : memref<32x128xf32, #tpu.memory_space<vmem>>[vector<16xi32>, vector<16xi32>], vector<16xf32>,
          %add3A_447 = arith.addi %add3A_168, %and3A_432 : vector<16xi32>
          tpu.vector_store_idx %arg10[%add3A_447], %gather3A_446 : memref<4096xf32, #tpu.memory_space<vmem>>[vector<16xi32>], vector<16xf32>,
          %gather3A_448 = tpu.vector_load_idx %arg7[%and3A_432, %add3A_54] : memref<32x128xf32, #tpu.memory_space<vmem>>[vector<16xi32>, vector<16xi32>], vector<16xf32>,
          %add3A_449 = arith.addi %add3A_177, %and3A_432 : vector<16xi32>
          tpu.vector_store_idx %arg10[%add3A_449], %gather3A_448 : memref<4096xf32, #tpu.memory_space<vmem>>[vector<16xi32>], vector<16xf32>,
          %gather3A_450 = tpu.vector_load_idx %arg7[%and3A_432, %add3A_60] : memref<32x128xf32, #tpu.memory_space<vmem>>[vector<16xi32>, vector<16xi32>], vector<16xf32>,
          %add3A_451 = arith.addi %add3A_186, %and3A_432 : vector<16xi32>
          tpu.vector_store_idx %arg10[%add3A_451], %gather3A_450 : memref<4096xf32, #tpu.memory_space<vmem>>[vector<16xi32>], vector<16xf32>,
          %gather3A_452 = tpu.vector_load_idx %arg7[%and3A_432, %add3A_66] : memref<32x128xf32, #tpu.memory_space<vmem>>[vector<16xi32>, vector<16xi32>], vector<16xf32>,
          %add3A_453 = arith.addi %add3A_195, %and3A_432 : vector<16xi32>
          tpu.vector_store_idx %arg10[%add3A_453], %gather3A_452 : memref<4096xf32, #tpu.memory_space<vmem>>[vector<16xi32>], vector<16xf32>,
          %gather3A_454 = tpu.vector_load_idx %arg7[%and3A_432, %add3A_72] : memref<32x128xf32, #tpu.memory_space<vmem>>[vector<16xi32>, vector<16xi32>], vector<16xf32>,
          %add3A_455 = arith.addi %add3A_204, %and3A_432 : vector<16xi32>
          tpu.vector_store_idx %arg10[%add3A_455], %gather3A_454 : memref<4096xf32, #tpu.memory_space<vmem>>[vector<16xi32>], vector<16xf32>,
          %gather3A_456 = tpu.vector_load_idx %arg7[%and3A_432, %add3A_78] : memref<32x128xf32, #tpu.memory_space<vmem>>[vector<16xi32>, vector<16xi32>], vector<16xf32>,
          %add3A_457 = arith.addi %add3A_213, %and3A_432 : vector<16xi32>
          tpu.vector_store_idx %arg10[%add3A_457], %gather3A_456 : memref<4096xf32, #tpu.memory_space<vmem>>[vector<16xi32>], vector<16xf32>,
          %gather3A_458 = tpu.vector_load_idx %arg7[%and3A_432, %add3A_84] : memref<32x128xf32, #tpu.memory_space<vmem>>[vector<16xi32>, vector<16xi32>], vector<16xf32>,
          %add3A_459 = arith.addi %add3A_222, %and3A_432 : vector<16xi32>
          tpu.vector_store_idx %arg10[%add3A_459], %gather3A_458 : memref<4096xf32, #tpu.memory_space<vmem>>[vector<16xi32>], vector<16xf32>,
          %gather3A_460 = tpu.vector_load_idx %arg7[%and3A_432, %add3A_90] : memref<32x128xf32, #tpu.memory_space<vmem>>[vector<16xi32>, vector<16xi32>], vector<16xf32>,
          %add3A_461 = arith.addi %add3A_231, %and3A_432 : vector<16xi32>
          tpu.vector_store_idx %arg10[%add3A_461], %gather3A_460 : memref<4096xf32, #tpu.memory_space<vmem>>[vector<16xi32>], vector<16xf32>,
          %gather3A_462 = tpu.vector_load_idx %arg7[%and3A_432, %add3A_96] : memref<32x128xf32, #tpu.memory_space<vmem>>[vector<16xi32>, vector<16xi32>], vector<16xf32>,
          %add3A_463 = arith.addi %add3A_240, %and3A_432 : vector<16xi32>
          tpu.vector_store_idx %arg10[%add3A_463], %gather3A_462 : memref<4096xf32, #tpu.memory_space<vmem>>[vector<16xi32>], vector<16xf32>,
        }
        %scan3A_416 = arith.constant 16 : i32
        %mul3A_417 = arith.constant 128 : i32
        %mul3A_418 = arith.muli %add3A_390, %mul3A_417 : i32
        %mul3A_419 = arith.constant 32 : i32
        %mul3A_420 = arith.muli %mul3A_418, %mul3A_419 : i32
        %dma_start3A = tpu.memref_slice %arg4[%mul3A_420] : memref<32000000xf32, #tpu.memory_space<hbm>> -> memref<4096xf32, #tpu.memory_space<hbm>>
        %dma_start3A_421 = tpu.memref_slice %arg4[%mul3A_420] : memref<32000000xf32, #tpu.memory_space<hbm>> -> memref<4096xf32, #tpu.memory_space<hbm>>
        tpu.enqueue_dma source(%arg10 : memref<4096xf32, #tpu.memory_space<vmem>>) target(%dma_start3A_421 : memref<4096xf32, #tpu.memory_space<hbm>>) target_semaphore(%arg17 : memref<!tpu.dma_semaphore, #tpu.memory_space<semaphore_mem>>)
        %lt3A_422 = arith.constant 7812 : i32
        %lt3A_423 = arith.cmpi slt, %add3A_392, %lt3A_422 : i32
        %convert_element_type3A_424 = arith.extui %lt3A_423 : i1 to i32
        %cond3A_425 = arith.constant 0 : i32
        %cond3A_426 = arith.cmpi ne, %convert_element_type3A_424, %cond3A_425 : i32
        scf.if %cond3A_426 {
          %mul3A_427 = arith.constant 128 : i32
          %mul3A_428 = arith.muli %add3A_392, %mul3A_427 : i32
          %dma_start3A_429 = arith.constant 0 : i32
          %dma_start3A_430 = tpu.memref_slice %arg2[%dma_start3A_429, %mul3A_428] : memref<32x1000000xf32, #tpu.memory_space<hbm>> -> memref<32x128xf32, #tpu.memory_space<hbm>>
          %dma_start3A_431 = arith.constant 0 : i32
          %dma_start3A_432 = tpu.memref_slice %arg2[%dma_start3A_431, %mul3A_428] : memref<32x1000000xf32, #tpu.memory_space<hbm>> -> memref<32x128xf32, #tpu.memory_space<hbm>>
          tpu.enqueue_dma source(%dma_start3A_432 : memref<32x128xf32, #tpu.memory_space<hbm>>) target(%arg7 : memref<32x128xf32, #tpu.memory_space<vmem>>) target_semaphore(%arg14 : memref<!tpu.dma_semaphore, #tpu.memory_space<semaphore_mem>>)
        } else {
        }
      } else {
      }
      %scan3A_400 = arith.constant 0 : i32
      scf.yield %scan3A_400 : i32
    }
    %scan3A_264 = arith.constant 82 : i32
    %add3A_265 = arith.constant 7648 : i32
    %add3A_266 = arith.addi %add3A, %add3A_265 : i32
    %lt3A_267 = arith.constant 7812 : i32
    %lt3A_268 = arith.cmpi slt, %add3A_266, %lt3A_267 : i32
    %add3A_269 = arith.constant 96 : i32
    %add3A_270 = arith.addi %add3A_266, %add3A_269 : i32
    %ge3A = arith.constant 7812 : i32
    %ge3A_271 = arith.cmpi sge, %add3A_270, %ge3A : i32
    %and3A = arith.andi %lt3A_268, %ge3A_271 : i1
    %convert_element_type3A_272 = arith.extui %and3A : i1 to i32
    %cond3A_273 = arith.constant 0 : i32
    %cond3A_274 = arith.cmpi ne, %convert_element_type3A_272, %cond3A_273 : i32
    scf.if %cond3A_274 {
      %mul3A_351 = arith.constant 128 : i32
      %mul3A_352 = arith.muli %add3A_266, %mul3A_351 : i32
      %mul3A_353 = arith.constant 32 : i32
      %mul3A_354 = arith.muli %mul3A_352, %mul3A_353 : i32
      %dma_wait3A = tpu.memref_slice %arg4[%mul3A_354] : memref<32000000xf32, #tpu.memory_space<hbm>> -> memref<4096xf32, #tpu.memory_space<hbm>>
      %dma_wait3A_355 = tpu.memref_slice %arg4[%mul3A_354] : memref<32000000xf32, #tpu.memory_space<hbm>> -> memref<4096xf32, #tpu.memory_space<hbm>>
      tpu.wait_dma2 semaphore(%arg17 : memref<!tpu.dma_semaphore, #tpu.memory_space<semaphore_mem>>) src(%arg10 : memref<4096xf32, #tpu.memory_space<vmem>>) dst(%dma_wait3A_355 : memref<4096xf32, #tpu.memory_space<hbm>>)
    } else {
    }
    %add3A_275 = arith.constant 7680 : i32
    %add3A_276 = arith.addi %add3A, %add3A_275 : i32
    %lt3A_277 = arith.constant 7812 : i32
    %lt3A_278 = arith.cmpi slt, %add3A_276, %lt3A_277 : i32
    %add3A_279 = arith.constant 96 : i32
    %add3A_280 = arith.addi %add3A_276, %add3A_279 : i32
    %ge3A_281 = arith.constant 7812 : i32
    %ge3A_282 = arith.cmpi sge, %add3A_280, %ge3A_281 : i32
    %and3A_283 = arith.andi %lt3A_278, %ge3A_282 : i1
    %convert_element_type3A_284 = arith.extui %and3A_283 : i1 to i32
    %cond3A_285 = arith.constant 0 : i32
    %cond3A_286 = arith.cmpi ne, %convert_element_type3A_284, %cond3A_285 : i32
    scf.if %cond3A_286 {
      %mul3A_351 = arith.constant 128 : i32
      %mul3A_352 = arith.muli %add3A_276, %mul3A_351 : i32
      %mul3A_353 = arith.constant 32 : i32
      %mul3A_354 = arith.muli %mul3A_352, %mul3A_353 : i32
      %dma_wait3A = tpu.memref_slice %arg4[%mul3A_354] : memref<32000000xf32, #tpu.memory_space<hbm>> -> memref<4096xf32, #tpu.memory_space<hbm>>
      %dma_wait3A_355 = tpu.memref_slice %arg4[%mul3A_354] : memref<32000000xf32, #tpu.memory_space<hbm>> -> memref<4096xf32, #tpu.memory_space<hbm>>
      tpu.wait_dma2 semaphore(%arg15 : memref<!tpu.dma_semaphore, #tpu.memory_space<semaphore_mem>>) src(%arg8 : memref<4096xf32, #tpu.memory_space<vmem>>) dst(%dma_wait3A_355 : memref<4096xf32, #tpu.memory_space<hbm>>)
    } else {
    }
    %add3A_287 = arith.constant 7712 : i32
    %add3A_288 = arith.addi %add3A, %add3A_287 : i32
    %lt3A_289 = arith.constant 7812 : i32
    %lt3A_290 = arith.cmpi slt, %add3A_288, %lt3A_289 : i32
    %add3A_291 = arith.constant 96 : i32
    %add3A_292 = arith.addi %add3A_288, %add3A_291 : i32
    %ge3A_293 = arith.constant 7812 : i32
    %ge3A_294 = arith.cmpi sge, %add3A_292, %ge3A_293 : i32
    %and3A_295 = arith.andi %lt3A_290, %ge3A_294 : i1
    %convert_element_type3A_296 = arith.extui %and3A_295 : i1 to i32
    %cond3A_297 = arith.constant 0 : i32
    %cond3A_298 = arith.cmpi ne, %convert_element_type3A_296, %cond3A_297 : i32
    scf.if %cond3A_298 {
      %mul3A_351 = arith.constant 128 : i32
      %mul3A_352 = arith.muli %add3A_288, %mul3A_351 : i32
      %mul3A_353 = arith.constant 32 : i32
      %mul3A_354 = arith.muli %mul3A_352, %mul3A_353 : i32
      %dma_wait3A = tpu.memref_slice %arg4[%mul3A_354] : memref<32000000xf32, #tpu.memory_space<hbm>> -> memref<4096xf32, #tpu.memory_space<hbm>>
      %dma_wait3A_355 = tpu.memref_slice %arg4[%mul3A_354] : memref<32000000xf32, #tpu.memory_space<hbm>> -> memref<4096xf32, #tpu.memory_space<hbm>>
      tpu.wait_dma2 semaphore(%arg16 : memref<!tpu.dma_semaphore, #tpu.memory_space<semaphore_mem>>) src(%arg9 : memref<4096xf32, #tpu.memory_space<vmem>>) dst(%dma_wait3A_355 : memref<4096xf32, #tpu.memory_space<hbm>>)
    } else {
    }
    %add3A_299 = arith.constant 7744 : i32
    %add3A_300 = arith.addi %add3A, %add3A_299 : i32
    %lt3A_301 = arith.constant 7812 : i32
    %lt3A_302 = arith.cmpi slt, %add3A_300, %lt3A_301 : i32
    %add3A_303 = arith.constant 96 : i32
    %add3A_304 = arith.addi %add3A_300, %add3A_303 : i32
    %ge3A_305 = arith.constant 7812 : i32
    %ge3A_306 = arith.cmpi sge, %add3A_304, %ge3A_305 : i32
    %and3A_307 = arith.andi %lt3A_302, %ge3A_306 : i1
    %convert_element_type3A_308 = arith.extui %and3A_307 : i1 to i32
    %cond3A_309 = arith.constant 0 : i32
    %cond3A_310 = arith.cmpi ne, %convert_element_type3A_308, %cond3A_309 : i32
    scf.if %cond3A_310 {
      %mul3A_351 = arith.constant 128 : i32
      %mul3A_352 = arith.muli %add3A_300, %mul3A_351 : i32
      %mul3A_353 = arith.constant 32 : i32
      %mul3A_354 = arith.muli %mul3A_352, %mul3A_353 : i32
      %dma_wait3A = tpu.memref_slice %arg4[%mul3A_354] : memref<32000000xf32, #tpu.memory_space<hbm>> -> memref<4096xf32, #tpu.memory_space<hbm>>
      %dma_wait3A_355 = tpu.memref_slice %arg4[%mul3A_354] : memref<32000000xf32, #tpu.memory_space<hbm>> -> memref<4096xf32, #tpu.memory_space<hbm>>
      tpu.wait_dma2 semaphore(%arg17 : memref<!tpu.dma_semaphore, #tpu.memory_space<semaphore_mem>>) src(%arg10 : memref<4096xf32, #tpu.memory_space<vmem>>) dst(%dma_wait3A_355 : memref<4096xf32, #tpu.memory_space<hbm>>)
    } else {
    }
    %add3A_311 = arith.constant 7776 : i32
    %add3A_312 = arith.addi %add3A, %add3A_311 : i32
    %lt3A_313 = arith.constant 7812 : i32
    %lt3A_314 = arith.cmpi slt, %add3A_312, %lt3A_313 : i32
    %add3A_315 = arith.constant 96 : i32
    %add3A_316 = arith.addi %add3A_312, %add3A_315 : i32
    %ge3A_317 = arith.constant 7812 : i32
    %ge3A_318 = arith.cmpi sge, %add3A_316, %ge3A_317 : i32
    %and3A_319 = arith.andi %lt3A_314, %ge3A_318 : i1
    %convert_element_type3A_320 = arith.extui %and3A_319 : i1 to i32
    %cond3A_321 = arith.constant 0 : i32
    %cond3A_322 = arith.cmpi ne, %convert_element_type3A_320, %cond3A_321 : i32
    scf.if %cond3A_322 {
      %mul3A_351 = arith.constant 128 : i32
      %mul3A_352 = arith.muli %add3A_312, %mul3A_351 : i32
      %mul3A_353 = arith.constant 32 : i32
      %mul3A_354 = arith.muli %mul3A_352, %mul3A_353 : i32
      %dma_wait3A = tpu.memref_slice %arg4[%mul3A_354] : memref<32000000xf32, #tpu.memory_space<hbm>> -> memref<4096xf32, #tpu.memory_space<hbm>>
      %dma_wait3A_355 = tpu.memref_slice %arg4[%mul3A_354] : memref<32000000xf32, #tpu.memory_space<hbm>> -> memref<4096xf32, #tpu.memory_space<hbm>>
      tpu.wait_dma2 semaphore(%arg15 : memref<!tpu.dma_semaphore, #tpu.memory_space<semaphore_mem>>) src(%arg8 : memref<4096xf32, #tpu.memory_space<vmem>>) dst(%dma_wait3A_355 : memref<4096xf32, #tpu.memory_space<hbm>>)
    } else {
    }
    %add3A_323 = arith.constant 7808 : i32
    %add3A_324 = arith.addi %add3A, %add3A_323 : i32
    %lt3A_325 = arith.constant 7812 : i32
    %lt3A_326 = arith.cmpi slt, %add3A_324, %lt3A_325 : i32
    %add3A_327 = arith.constant 96 : i32
    %add3A_328 = arith.addi %add3A_324, %add3A_327 : i32
    %ge3A_329 = arith.constant 7812 : i32
    %ge3A_330 = arith.cmpi sge, %add3A_328, %ge3A_329 : i32
    %and3A_331 = arith.andi %lt3A_326, %ge3A_330 : i1
    %convert_element_type3A_332 = arith.extui %and3A_331 : i1 to i32
    %cond3A_333 = arith.constant 0 : i32
    %cond3A_334 = arith.cmpi ne, %convert_element_type3A_332, %cond3A_333 : i32
    scf.if %cond3A_334 {
      %mul3A_351 = arith.constant 128 : i32
      %mul3A_352 = arith.muli %add3A_324, %mul3A_351 : i32
      %mul3A_353 = arith.constant 32 : i32
      %mul3A_354 = arith.muli %mul3A_352, %mul3A_353 : i32
      %dma_wait3A = tpu.memref_slice %arg4[%mul3A_354] : memref<32000000xf32, #tpu.memory_space<hbm>> -> memref<4096xf32, #tpu.memory_space<hbm>>
      %dma_wait3A_355 = tpu.memref_slice %arg4[%mul3A_354] : memref<32000000xf32, #tpu.memory_space<hbm>> -> memref<4096xf32, #tpu.memory_space<hbm>>
      tpu.wait_dma2 semaphore(%arg16 : memref<!tpu.dma_semaphore, #tpu.memory_space<semaphore_mem>>) src(%arg9 : memref<4096xf32, #tpu.memory_space<vmem>>) dst(%dma_wait3A_355 : memref<4096xf32, #tpu.memory_space<hbm>>)
    } else {
    }
    %add3A_335 = arith.constant 7840 : i32
    %add3A_336 = arith.addi %add3A, %add3A_335 : i32
    %lt3A_337 = arith.constant 7812 : i32
    %lt3A_338 = arith.cmpi slt, %add3A_336, %lt3A_337 : i32
    %add3A_339 = arith.constant 96 : i32
    %add3A_340 = arith.addi %add3A_336, %add3A_339 : i32
    %ge3A_341 = arith.constant 7812 : i32
    %ge3A_342 = arith.cmpi sge, %add3A_340, %ge3A_341 : i32
    %and3A_343 = arith.andi %lt3A_338, %ge3A_342 : i1
    %convert_element_type3A_344 = arith.extui %and3A_343 : i1 to i32
    %cond3A_345 = arith.constant 0 : i32
    %cond3A_346 = arith.cmpi ne, %convert_element_type3A_344, %cond3A_345 : i32
    scf.if %cond3A_346 {
      %mul3A_351 = arith.constant 128 : i32
      %mul3A_352 = arith.muli %add3A_336, %mul3A_351 : i32
      %mul3A_353 = arith.constant 32 : i32
      %mul3A_354 = arith.muli %mul3A_352, %mul3A_353 : i32
      %dma_wait3A = tpu.memref_slice %arg4[%mul3A_354] : memref<32000000xf32, #tpu.memory_space<hbm>> -> memref<4096xf32, #tpu.memory_space<hbm>>
      %dma_wait3A_355 = tpu.memref_slice %arg4[%mul3A_354] : memref<32000000xf32, #tpu.memory_space<hbm>> -> memref<4096xf32, #tpu.memory_space<hbm>>
      tpu.wait_dma2 semaphore(%arg17 : memref<!tpu.dma_semaphore, #tpu.memory_space<semaphore_mem>>) src(%arg10 : memref<4096xf32, #tpu.memory_space<vmem>>) dst(%dma_wait3A_355 : memref<4096xf32, #tpu.memory_space<hbm>>)
    } else {
    }
    %eq3A = arith.constant 0 : i32
    %eq3A_347 = arith.cmpi eq, %add3A, %eq3A : i32
    %convert_element_type3A_348 = arith.extui %eq3A_347 : i1 to i32
    %cond3A_349 = arith.constant 0 : i32
    %cond3A_350 = arith.cmpi ne, %convert_element_type3A_348, %cond3A_349 : i32
    scf.if %cond3A_350 {
      "tpu.region"() ({
        %run_scoped3A = tpu.sem_alloc : memref<!tpu.dma_semaphore, #tpu.memory_space<semaphore_mem>>
        tpu.enqueue_dma source(%arg3 : memref<2048xf32, #tpu.memory_space<hbm>>) target(%arg11 : memref<2048xf32, #tpu.memory_space<vmem>>) target_semaphore(%run_scoped3A : memref<!tpu.dma_semaphore, #tpu.memory_space<semaphore_mem>>)
        tpu.wait_dma2 semaphore(%run_scoped3A : memref<!tpu.dma_semaphore, #tpu.memory_space<semaphore_mem>>) src(%arg3 : memref<2048xf32, #tpu.memory_space<hbm>>) dst(%arg11 : memref<2048xf32, #tpu.memory_space<vmem>>)
        tpu.yield
      }) : () -> ()
      "tpu.region"() ({
        %run_scoped3A = tpu.sem_alloc : memref<!tpu.dma_semaphore, #tpu.memory_space<semaphore_mem>>
        %dma_start3A = arith.constant 31997952 : i32
        %dma_start3A_351 = tpu.memref_slice %arg4[%dma_start3A] : memref<32000000xf32, #tpu.memory_space<hbm>> -> memref<2048xf32, #tpu.memory_space<hbm>>
        %dma_start3A_352 = arith.constant 31997952 : i32
        %dma_start3A_353 = tpu.memref_slice %arg4[%dma_start3A_352] : memref<32000000xf32, #tpu.memory_space<hbm>> -> memref<2048xf32, #tpu.memory_space<hbm>>
        tpu.enqueue_dma source(%arg11 : memref<2048xf32, #tpu.memory_space<vmem>>) target(%dma_start3A_353 : memref<2048xf32, #tpu.memory_space<hbm>>) target_semaphore(%run_scoped3A : memref<!tpu.dma_semaphore, #tpu.memory_space<semaphore_mem>>)
        %dma_wait3A = arith.constant 31997952 : i32
        %dma_wait3A_354 = tpu.memref_slice %arg4[%dma_wait3A] : memref<32000000xf32, #tpu.memory_space<hbm>> -> memref<2048xf32, #tpu.memory_space<hbm>>
        %dma_wait3A_355 = arith.constant 31997952 : i32
        %dma_wait3A_356 = tpu.memref_slice %arg4[%dma_wait3A_355] : memref<32000000xf32, #tpu.memory_space<hbm>> -> memref<2048xf32, #tpu.memory_space<hbm>>
        tpu.wait_dma2 semaphore(%run_scoped3A : memref<!tpu.dma_semaphore, #tpu.memory_space<semaphore_mem>>) src(%arg11 : memref<2048xf32, #tpu.memory_space<vmem>>) dst(%dma_wait3A_356 : memref<2048xf32, #tpu.memory_space<hbm>>)
        tpu.yield
      }) : () -> ()
    } else {
    }
    return
  }
}

#map = affine_map<(d0, d1) -> (0)>
#map1 = affine_map<(d0, d1) -> (0, 0)>
module attributes {stable_mosaic.version = 14 : i64} {
  func.func @_gather_body(%arg0: i32, %arg1: i32, %arg2: memref<425984xi32, #tpu.memory_space<hbm>>, %arg3: memref<1000000x32xf32, #tpu.memory_space<hbm>>, %arg4: memref<1x32xf32, #tpu.memory_space<hbm>>, %arg5: memref<425984x128xf32, #tpu.memory_space<hbm>>, %arg6: memref<1664xi32, #tpu.memory_space<vmem>>, %arg7: memref<1664xi32, #tpu.memory_space<vmem>>, %arg8: memref<1664x32xf32, #tpu.memory_space<vmem>>, %arg9: memref<1664x32xf32, #tpu.memory_space<vmem>>, %arg10: memref<1664xi32, #tpu.memory_space<vmem>>, %arg11: memref<1x32xf32, #tpu.memory_space<vmem>>, %arg12: memref<!tpu.dma_semaphore, #tpu.memory_space<semaphore_mem>>, %arg13: memref<!tpu.dma_semaphore, #tpu.memory_space<semaphore_mem>>, %arg14: memref<!tpu.dma_semaphore, #tpu.memory_space<semaphore_mem>>, %arg15: memref<!tpu.dma_semaphore, #tpu.memory_space<semaphore_mem>>, %arg16: memref<!tpu.dma_semaphore, #tpu.memory_space<semaphore_mem>>, %arg17: memref<!tpu.dma_semaphore, #tpu.memory_space<semaphore_mem>>) attributes {dimension_semantics = [#tpu.dimension_semantics<core_parallel>, #tpu.dimension_semantics<subcore_parallel>], iteration_bounds = array<i64: 2, 16>, scalar_prefetch = 0 : i64, scratch_operands = 12 : i64, tpu.core_type = #tpu.core_type<sc_vector_subcore>, window_params = [{transform_indices = #map}, {transform_indices = #map1}, {transform_indices = #map1}, {transform_indices = #map1}]} {
    %mul3A = arith.constant 2 : i32
    %mul3A_0 = arith.muli %arg1, %mul3A : i32
    %add3A = arith.addi %mul3A_0, %arg0 : i32
    %mul3A_1 = arith.constant 13312 : i32
    %mul3A_2 = arith.muli %add3A, %mul3A_1 : i32
    %iota3A = tpu.iota {dimensions = array<i32: 0>} : vector<16xi32>
    "tpu.region"() ({
      %run_scoped3A = tpu.sem_alloc : memref<!tpu.dma_semaphore, #tpu.memory_space<semaphore_mem>>
      tpu.enqueue_dma source(%arg4 : memref<1x32xf32, #tpu.memory_space<hbm>>) target(%arg11 : memref<1x32xf32, #tpu.memory_space<vmem>>) target_semaphore(%run_scoped3A : memref<!tpu.dma_semaphore, #tpu.memory_space<semaphore_mem>>)
      tpu.wait_dma2 semaphore(%run_scoped3A : memref<!tpu.dma_semaphore, #tpu.memory_space<semaphore_mem>>) src(%arg4 : memref<1x32xf32, #tpu.memory_space<hbm>>) dst(%arg11 : memref<1x32xf32, #tpu.memory_space<vmem>>)
      tpu.yield
    }) : () -> ()
    %add3A_3 = arith.constant 0 : i32
    %add3A_4 = arith.addi %mul3A_2, %add3A_3 : i32
    %dma_start3A = tpu.memref_slice %arg2[%add3A_4] : memref<425984xi32, #tpu.memory_space<hbm>> -> memref<1664xi32, #tpu.memory_space<hbm>>
    %dma_start3A_5 = tpu.memref_slice %arg2[%add3A_4] : memref<425984xi32, #tpu.memory_space<hbm>> -> memref<1664xi32, #tpu.memory_space<hbm>>
    tpu.enqueue_dma source(%dma_start3A_5 : memref<1664xi32, #tpu.memory_space<hbm>>) target(%arg6 : memref<1664xi32, #tpu.memory_space<vmem>>) target_semaphore(%arg12 : memref<!tpu.dma_semaphore, #tpu.memory_space<semaphore_mem>>)
    %add3A_6 = arith.constant 1664 : i32
    %add3A_7 = arith.addi %mul3A_2, %add3A_6 : i32
    %dma_start3A_8 = tpu.memref_slice %arg2[%add3A_7] : memref<425984xi32, #tpu.memory_space<hbm>> -> memref<1664xi32, #tpu.memory_space<hbm>>
    %dma_start3A_9 = tpu.memref_slice %arg2[%add3A_7] : memref<425984xi32, #tpu.memory_space<hbm>> -> memref<1664xi32, #tpu.memory_space<hbm>>
    tpu.enqueue_dma source(%dma_start3A_9 : memref<1664xi32, #tpu.memory_space<hbm>>) target(%arg7 : memref<1664xi32, #tpu.memory_space<vmem>>) target_semaphore(%arg13 : memref<!tpu.dma_semaphore, #tpu.memory_space<semaphore_mem>>)
    %scan3A = arith.constant 0 : i32
    %scan3A_10 = arith.constant 0 : i32
    %scan3A_11 = arith.constant 4 : i32
    %scan3A_12 = arith.addi %scan3A_10, %scan3A_11 : i32
    %scan3A_13 = arith.constant 1 : i32
    %scan3A_14 = scf.for %scan3A_27 = %scan3A_10 to %scan3A_12 step %scan3A_13 iter_args(%scan3A_28 = %scan3A) -> (i32)  : i32 {
      %mul3A_29 = arith.constant 2 : i32
      %mul3A_30 = arith.muli %mul3A_29, %scan3A_27 : i32
      %add3A_31 = arith.constant 0 : i32
      %add3A_32 = arith.addi %mul3A_30, %add3A_31 : i32
      %lt3A = arith.constant 8 : i32
      %lt3A_33 = arith.cmpi slt, %add3A_32, %lt3A : i32
      %convert_element_type3A = arith.extui %lt3A_33 : i1 to i32
      %cond3A = arith.constant 0 : i32
      %cond3A_34 = arith.cmpi ne, %convert_element_type3A, %cond3A : i32
      scf.if %cond3A_34 {
        %mul3A_45 = arith.constant 1664 : i32
        %mul3A_46 = arith.muli %add3A_32, %mul3A_45 : i32
        %add3A_47 = arith.addi %mul3A_2, %mul3A_46 : i32
        %dma_wait3A_48 = tpu.memref_slice %arg2[%add3A_47] : memref<425984xi32, #tpu.memory_space<hbm>> -> memref<1664xi32, #tpu.memory_space<hbm>>
        %dma_wait3A_49 = tpu.memref_slice %arg2[%add3A_47] : memref<425984xi32, #tpu.memory_space<hbm>> -> memref<1664xi32, #tpu.memory_space<hbm>>
        tpu.wait_dma2 semaphore(%arg12 : memref<!tpu.dma_semaphore, #tpu.memory_space<semaphore_mem>>) src(%dma_wait3A_49 : memref<1664xi32, #tpu.memory_space<hbm>>) dst(%arg6 : memref<1664xi32, #tpu.memory_space<vmem>>)
        %broadcast_in_dim3A = arith.constant 0 : i32
        %broadcast_in_dim3A_50 = vector.broadcast %broadcast_in_dim3A : i32 to vector<16xi32>
        %scan3A_51 = arith.constant 0 : i32
        %scan3A_52 = arith.constant 104 : i32
        %scan3A_53 = arith.addi %scan3A_51, %scan3A_52 : i32
        %scan3A_54 = arith.constant 1 : i32
        %scan3A_55 = scf.for %scan3A_89 = %scan3A_51 to %scan3A_53 step %scan3A_54 iter_args(%scan3A_90 = %broadcast_in_dim3A_50) -> (vector<16xi32>)  : i32 {
          %mul3A_91 = arith.constant 16 : i32
          %mul3A_92 = arith.muli %scan3A_89, %mul3A_91 : i32
          %get3A = arith.index_cast %mul3A_92 : i32 to index
          %get3A_93 = tpu.vector_load %arg6[%get3A] {strides = array<i32>} : memref<1664xi32, #tpu.memory_space<vmem>>, vector<16xi32>,
          %lt3A_94 = arith.constant 0 : i32
          %lt3A_95 = vector.broadcast %lt3A_94 : i32 to vector<16xi32>
          %lt3A_96 = arith.cmpi slt, %get3A_93, %lt3A_95 : vector<16xi32>
          %convert_element_type3A_97 = arith.extui %lt3A_96 : vector<16xi1> to vector<16xi32>
          %gt3A_98 = arith.constant 0 : i32
          %gt3A_99 = vector.broadcast %gt3A_98 : i32 to vector<16xi32>
          %gt3A_100 = arith.cmpi sgt, %convert_element_type3A_97, %gt3A_99 : vector<16xi32>
          %jit3A = arith.constant 0 : i32
          %broadcast_in_dim3A_101 = vector.broadcast %jit3A : i32 to vector<16xi32>
          %select_n3A = arith.select %gt3A_100, %broadcast_in_dim3A_101, %get3A_93 : vector<16xi1>, vector<16xi32>
          %mul3A_102 = arith.constant 16 : i32
          %mul3A_103 = arith.muli %scan3A_89, %mul3A_102 : i32
          %swap3A = arith.index_cast %mul3A_103 : i32 to index
          %swap3A_104 = tpu.vector_load %arg6[%swap3A] {strides = array<i32>} : memref<1664xi32, #tpu.memory_space<vmem>>, vector<16xi32>,
          tpu.vector_store %arg6[%swap3A], %select_n3A {strides = array<i32>} : memref<1664xi32, #tpu.memory_space<vmem>>, vector<16xi32>,
          %mul3A_105 = arith.constant 16 : i32
          %mul3A_106 = arith.muli %scan3A_89, %mul3A_105 : i32
          %swap3A_107 = arith.index_cast %mul3A_106 : i32 to index
          %swap3A_108 = tpu.vector_load %arg10[%swap3A_107] {strides = array<i32>} : memref<1664xi32, #tpu.memory_space<vmem>>, vector<16xi32>,
          tpu.vector_store %arg10[%swap3A_107], %convert_element_type3A_97 {strides = array<i32>} : memref<1664xi32, #tpu.memory_space<vmem>>, vector<16xi32>,
          %add3A_109 = arith.addi %scan3A_90, %convert_element_type3A_97 : vector<16xi32>
          scf.yield %add3A_109 : vector<16xi32>
        }
        %scan3A_56 = arith.constant 104 : i32
        %reduce_sum3A = arith.constant true
        %reduce_sum3A_57 = vector.broadcast %reduce_sum3A : i1 to vector<16xi1>
        %reduce_sum3A_58 = tpu.scan <sum>, %scan3A_55 masked %reduce_sum3A_57 : vector<16xi32>, vector<16xi1> -> vector<16xi32>
        %reduce_sum3A_59 = vector.extract %reduce_sum3A_58[15] : i32 from vector<16xi32>
        %sub3A = arith.constant 2 : i32
        %sub3A_60 = arith.subi %add3A_32, %sub3A : i32
        %ge3A = arith.constant 0 : i32
        %ge3A_61 = arith.cmpi sge, %sub3A_60, %ge3A : i32
        %convert_element_type3A_62 = arith.extui %ge3A_61 : i1 to i32
        %cond3A_63 = arith.constant 0 : i32
        %cond3A_64 = arith.cmpi ne, %convert_element_type3A_62, %cond3A_63 : i32
        scf.if %cond3A_64 {
          %sub3A_89 = arith.constant 2 : i32
          %sub3A_90 = arith.subi %add3A_32, %sub3A_89 : i32
          %mul3A_91 = arith.constant 1664 : i32
          %mul3A_92 = arith.muli %sub3A_90, %mul3A_91 : i32
          %add3A_93 = arith.addi %mul3A_2, %mul3A_92 : i32
          %dma_wait3A_94 = arith.constant 0 : i32
          %dma_wait3A_95 = tpu.memref_slice %arg5[%add3A_93, %dma_wait3A_94] : memref<425984x128xf32, #tpu.memory_space<hbm>> -> memref<1664x32xf32, #tpu.memory_space<hbm>>
          %dma_wait3A_96 = arith.constant 0 : i32
          %dma_wait3A_97 = tpu.memref_slice %arg5[%add3A_93, %dma_wait3A_96] : memref<425984x128xf32, #tpu.memory_space<hbm>> -> memref<1664x32xf32, #tpu.memory_space<hbm>>
          tpu.wait_dma2 semaphore(%arg16 : memref<!tpu.dma_semaphore, #tpu.memory_space<semaphore_mem>>) src(%arg8 : memref<1664x32xf32, #tpu.memory_space<vmem>>) dst(%dma_wait3A_97 : memref<1664x32xf32, #tpu.memory_space<hbm>>)
        } else {
        }
        %dma_start3A_65 = arith.constant 0 : i32
        %dma_start3A_66 = arith.constant 0 : i32
        %dma_start3A_67 = tpu.memref_slice %arg3[%dma_start3A_65, %dma_start3A_66] : memref<1000000x32xf32, #tpu.memory_space<hbm>> -> memref<1000000x32xf32, #tpu.memory_space<hbm>>
        tpu.enqueue_indirect_dma source(%dma_start3A_67 : memref<1000000x32xf32, #tpu.memory_space<hbm>>) target(%arg8 : memref<1664x32xf32, #tpu.memory_space<vmem>>) offsets(%arg6 : memref<1664xi32, #tpu.memory_space<vmem>>) semaphore(%arg14 : memref<!tpu.dma_semaphore, #tpu.memory_space<semaphore_mem>>)
        %dma_wait3A_68 = arith.constant 0 : i32
        %dma_wait3A_69 = arith.constant 0 : i32
        %dma_wait3A_70 = tpu.memref_slice %arg3[%dma_wait3A_68, %dma_wait3A_69] : memref<1000000x32xf32, #tpu.memory_space<hbm>> -> memref<1000000x32xf32, #tpu.memory_space<hbm>>
        tpu.wait_indirect_dma semaphore(%arg14 : memref<!tpu.dma_semaphore, #tpu.memory_space<semaphore_mem>>) src(%dma_wait3A_70 : memref<1000000x32xf32, #tpu.memory_space<hbm>>) dst(%arg8 : memref<1664x32xf32, #tpu.memory_space<vmem>>)
        %add3A_71 = arith.constant 2 : i32
        %add3A_72 = arith.addi %add3A_32, %add3A_71 : i32
        %lt3A_73 = arith.constant 8 : i32
        %lt3A_74 = arith.cmpi slt, %add3A_72, %lt3A_73 : i32
        %convert_element_type3A_75 = arith.extui %lt3A_74 : i1 to i32
        %cond3A_76 = arith.constant 0 : i32
        %cond3A_77 = arith.cmpi ne, %convert_element_type3A_75, %cond3A_76 : i32
        scf.if %cond3A_77 {
          %add3A_89 = arith.constant 2 : i32
          %add3A_90 = arith.addi %add3A_32, %add3A_89 : i32
          %mul3A_91 = arith.constant 1664 : i32
          %mul3A_92 = arith.muli %add3A_90, %mul3A_91 : i32
          %add3A_93 = arith.addi %mul3A_2, %mul3A_92 : i32
          %dma_start3A_94 = tpu.memref_slice %arg2[%add3A_93] : memref<425984xi32, #tpu.memory_space<hbm>> -> memref<1664xi32, #tpu.memory_space<hbm>>
          %dma_start3A_95 = tpu.memref_slice %arg2[%add3A_93] : memref<425984xi32, #tpu.memory_space<hbm>> -> memref<1664xi32, #tpu.memory_space<hbm>>
          tpu.enqueue_dma source(%dma_start3A_95 : memref<1664xi32, #tpu.memory_space<hbm>>) target(%arg6 : memref<1664xi32, #tpu.memory_space<vmem>>) target_semaphore(%arg12 : memref<!tpu.dma_semaphore, #tpu.memory_space<semaphore_mem>>)
        } else {
        }
        %gt3A = arith.constant 0 : i32
        %gt3A_78 = arith.cmpi sgt, %reduce_sum3A_59, %gt3A : i32
        %convert_element_type3A_79 = arith.extui %gt3A_78 : i1 to i32
        %cond3A_80 = arith.constant 0 : i32
        %cond3A_81 = arith.cmpi ne, %convert_element_type3A_79, %cond3A_80 : i32
        scf.if %cond3A_81 {
          %scan3A_89 = arith.constant 0 : i32
          %scan3A_90 = arith.constant 0 : i32
          %scan3A_91 = arith.constant 104 : i32
          %scan3A_92 = arith.addi %scan3A_90, %scan3A_91 : i32
          %scan3A_93 = arith.constant 1 : i32
          scf.for %scan3A_95 = %scan3A_90 to %scan3A_92 step %scan3A_93  : i32 {
            %mul3A_96 = arith.constant 16 : i32
            %mul3A_97 = arith.muli %scan3A_95, %mul3A_96 : i32
            %get3A = arith.index_cast %mul3A_97 : i32 to index
            %get3A_98 = tpu.vector_load %arg10[%get3A] {strides = array<i32>} : memref<1664xi32, #tpu.memory_space<vmem>>, vector<16xi32>,
            %gt3A_99 = arith.constant 0 : i32
            %gt3A_100 = vector.broadcast %gt3A_99 : i32 to vector<16xi32>
            %gt3A_101 = arith.cmpi sgt, %get3A_98, %gt3A_100 : vector<16xi32>
            %mul3A_102 = arith.constant 16 : i32
            %mul3A_103 = arith.muli %scan3A_95, %mul3A_102 : i32
            %add3A_104 = vector.broadcast %mul3A_103 : i32 to vector<16xi32>
            %add3A_105 = arith.addi %iota3A, %add3A_104 : vector<16xi32>
            %broadcast_in_dim3A_106 = arith.constant 0 : i32
            %broadcast_in_dim3A_107 = vector.broadcast %broadcast_in_dim3A_106 : i32 to vector<16xi32>
            %broadcast_in_dim3A_108 = arith.constant 0 : i32
            %broadcast_in_dim3A_109 = vector.broadcast %broadcast_in_dim3A_108 : i32 to vector<16xi32>
            %gather3A = tpu.vector_load_idx %arg11[%broadcast_in_dim3A_107, %broadcast_in_dim3A_109] : memref<1x32xf32, #tpu.memory_space<vmem>>[vector<16xi32>, vector<16xi32>], vector<16xf32>,
            tpu.vector_store_idx %arg8[%add3A_105, %broadcast_in_dim3A_109], %gather3A masked %gt3A_101 : memref<1664x32xf32, #tpu.memory_space<vmem>>[vector<16xi32>, vector<16xi32>], vector<16xf32>, vector<16xi1>
            %broadcast_in_dim3A_110 = arith.constant 1 : i32
            %broadcast_in_dim3A_111 = vector.broadcast %broadcast_in_dim3A_110 : i32 to vector<16xi32>
            %gather3A_112 = tpu.vector_load_idx %arg11[%broadcast_in_dim3A_107, %broadcast_in_dim3A_111] : memref<1x32xf32, #tpu.memory_space<vmem>>[vector<16xi32>, vector<16xi32>], vector<16xf32>,
            tpu.vector_store_idx %arg8[%add3A_105, %broadcast_in_dim3A_111], %gather3A_112 masked %gt3A_101 : memref<1664x32xf32, #tpu.memory_space<vmem>>[vector<16xi32>, vector<16xi32>], vector<16xf32>, vector<16xi1>
            %broadcast_in_dim3A_113 = arith.constant 2 : i32
            %broadcast_in_dim3A_114 = vector.broadcast %broadcast_in_dim3A_113 : i32 to vector<16xi32>
            %gather3A_115 = tpu.vector_load_idx %arg11[%broadcast_in_dim3A_107, %broadcast_in_dim3A_114] : memref<1x32xf32, #tpu.memory_space<vmem>>[vector<16xi32>, vector<16xi32>], vector<16xf32>,
            tpu.vector_store_idx %arg8[%add3A_105, %broadcast_in_dim3A_114], %gather3A_115 masked %gt3A_101 : memref<1664x32xf32, #tpu.memory_space<vmem>>[vector<16xi32>, vector<16xi32>], vector<16xf32>, vector<16xi1>
            %broadcast_in_dim3A_116 = arith.constant 3 : i32
            %broadcast_in_dim3A_117 = vector.broadcast %broadcast_in_dim3A_116 : i32 to vector<16xi32>
            %gather3A_118 = tpu.vector_load_idx %arg11[%broadcast_in_dim3A_107, %broadcast_in_dim3A_117] : memref<1x32xf32, #tpu.memory_space<vmem>>[vector<16xi32>, vector<16xi32>], vector<16xf32>,
            tpu.vector_store_idx %arg8[%add3A_105, %broadcast_in_dim3A_117], %gather3A_118 masked %gt3A_101 : memref<1664x32xf32, #tpu.memory_space<vmem>>[vector<16xi32>, vector<16xi32>], vector<16xf32>, vector<16xi1>
            %broadcast_in_dim3A_119 = arith.constant 4 : i32
            %broadcast_in_dim3A_120 = vector.broadcast %broadcast_in_dim3A_119 : i32 to vector<16xi32>
            %gather3A_121 = tpu.vector_load_idx %arg11[%broadcast_in_dim3A_107, %broadcast_in_dim3A_120] : memref<1x32xf32, #tpu.memory_space<vmem>>[vector<16xi32>, vector<16xi32>], vector<16xf32>,
            tpu.vector_store_idx %arg8[%add3A_105, %broadcast_in_dim3A_120], %gather3A_121 masked %gt3A_101 : memref<1664x32xf32, #tpu.memory_space<vmem>>[vector<16xi32>, vector<16xi32>], vector<16xf32>, vector<16xi1>
            %broadcast_in_dim3A_122 = arith.constant 5 : i32
            %broadcast_in_dim3A_123 = vector.broadcast %broadcast_in_dim3A_122 : i32 to vector<16xi32>
            %gather3A_124 = tpu.vector_load_idx %arg11[%broadcast_in_dim3A_107, %broadcast_in_dim3A_123] : memref<1x32xf32, #tpu.memory_space<vmem>>[vector<16xi32>, vector<16xi32>], vector<16xf32>,
            tpu.vector_store_idx %arg8[%add3A_105, %broadcast_in_dim3A_123], %gather3A_124 masked %gt3A_101 : memref<1664x32xf32, #tpu.memory_space<vmem>>[vector<16xi32>, vector<16xi32>], vector<16xf32>, vector<16xi1>
            %broadcast_in_dim3A_125 = arith.constant 6 : i32
            %broadcast_in_dim3A_126 = vector.broadcast %broadcast_in_dim3A_125 : i32 to vector<16xi32>
            %gather3A_127 = tpu.vector_load_idx %arg11[%broadcast_in_dim3A_107, %broadcast_in_dim3A_126] : memref<1x32xf32, #tpu.memory_space<vmem>>[vector<16xi32>, vector<16xi32>], vector<16xf32>,
            tpu.vector_store_idx %arg8[%add3A_105, %broadcast_in_dim3A_126], %gather3A_127 masked %gt3A_101 : memref<1664x32xf32, #tpu.memory_space<vmem>>[vector<16xi32>, vector<16xi32>], vector<16xf32>, vector<16xi1>
            %broadcast_in_dim3A_128 = arith.constant 7 : i32
            %broadcast_in_dim3A_129 = vector.broadcast %broadcast_in_dim3A_128 : i32 to vector<16xi32>
            %gather3A_130 = tpu.vector_load_idx %arg11[%broadcast_in_dim3A_107, %broadcast_in_dim3A_129] : memref<1x32xf32, #tpu.memory_space<vmem>>[vector<16xi32>, vector<16xi32>], vector<16xf32>,
            tpu.vector_store_idx %arg8[%add3A_105, %broadcast_in_dim3A_129], %gather3A_130 masked %gt3A_101 : memref<1664x32xf32, #tpu.memory_space<vmem>>[vector<16xi32>, vector<16xi32>], vector<16xf32>, vector<16xi1>
            %broadcast_in_dim3A_131 = arith.constant 8 : i32
            %broadcast_in_dim3A_132 = vector.broadcast %broadcast_in_dim3A_131 : i32 to vector<16xi32>
            %gather3A_133 = tpu.vector_load_idx %arg11[%broadcast_in_dim3A_107, %broadcast_in_dim3A_132] : memref<1x32xf32, #tpu.memory_space<vmem>>[vector<16xi32>, vector<16xi32>], vector<16xf32>,
            tpu.vector_store_idx %arg8[%add3A_105, %broadcast_in_dim3A_132], %gather3A_133 masked %gt3A_101 : memref<1664x32xf32, #tpu.memory_space<vmem>>[vector<16xi32>, vector<16xi32>], vector<16xf32>, vector<16xi1>
            %broadcast_in_dim3A_134 = arith.constant 9 : i32
            %broadcast_in_dim3A_135 = vector.broadcast %broadcast_in_dim3A_134 : i32 to vector<16xi32>
            %gather3A_136 = tpu.vector_load_idx %arg11[%broadcast_in_dim3A_107, %broadcast_in_dim3A_135] : memref<1x32xf32, #tpu.memory_space<vmem>>[vector<16xi32>, vector<16xi32>], vector<16xf32>,
            tpu.vector_store_idx %arg8[%add3A_105, %broadcast_in_dim3A_135], %gather3A_136 masked %gt3A_101 : memref<1664x32xf32, #tpu.memory_space<vmem>>[vector<16xi32>, vector<16xi32>], vector<16xf32>, vector<16xi1>
            %broadcast_in_dim3A_137 = arith.constant 10 : i32
            %broadcast_in_dim3A_138 = vector.broadcast %broadcast_in_dim3A_137 : i32 to vector<16xi32>
            %gather3A_139 = tpu.vector_load_idx %arg11[%broadcast_in_dim3A_107, %broadcast_in_dim3A_138] : memref<1x32xf32, #tpu.memory_space<vmem>>[vector<16xi32>, vector<16xi32>], vector<16xf32>,
            tpu.vector_store_idx %arg8[%add3A_105, %broadcast_in_dim3A_138], %gather3A_139 masked %gt3A_101 : memref<1664x32xf32, #tpu.memory_space<vmem>>[vector<16xi32>, vector<16xi32>], vector<16xf32>, vector<16xi1>
            %broadcast_in_dim3A_140 = arith.constant 11 : i32
            %broadcast_in_dim3A_141 = vector.broadcast %broadcast_in_dim3A_140 : i32 to vector<16xi32>
            %gather3A_142 = tpu.vector_load_idx %arg11[%broadcast_in_dim3A_107, %broadcast_in_dim3A_141] : memref<1x32xf32, #tpu.memory_space<vmem>>[vector<16xi32>, vector<16xi32>], vector<16xf32>,
            tpu.vector_store_idx %arg8[%add3A_105, %broadcast_in_dim3A_141], %gather3A_142 masked %gt3A_101 : memref<1664x32xf32, #tpu.memory_space<vmem>>[vector<16xi32>, vector<16xi32>], vector<16xf32>, vector<16xi1>
            %broadcast_in_dim3A_143 = arith.constant 12 : i32
            %broadcast_in_dim3A_144 = vector.broadcast %broadcast_in_dim3A_143 : i32 to vector<16xi32>
            %gather3A_145 = tpu.vector_load_idx %arg11[%broadcast_in_dim3A_107, %broadcast_in_dim3A_144] : memref<1x32xf32, #tpu.memory_space<vmem>>[vector<16xi32>, vector<16xi32>], vector<16xf32>,
            tpu.vector_store_idx %arg8[%add3A_105, %broadcast_in_dim3A_144], %gather3A_145 masked %gt3A_101 : memref<1664x32xf32, #tpu.memory_space<vmem>>[vector<16xi32>, vector<16xi32>], vector<16xf32>, vector<16xi1>
            %broadcast_in_dim3A_146 = arith.constant 13 : i32
            %broadcast_in_dim3A_147 = vector.broadcast %broadcast_in_dim3A_146 : i32 to vector<16xi32>
            %gather3A_148 = tpu.vector_load_idx %arg11[%broadcast_in_dim3A_107, %broadcast_in_dim3A_147] : memref<1x32xf32, #tpu.memory_space<vmem>>[vector<16xi32>, vector<16xi32>], vector<16xf32>,
            tpu.vector_store_idx %arg8[%add3A_105, %broadcast_in_dim3A_147], %gather3A_148 masked %gt3A_101 : memref<1664x32xf32, #tpu.memory_space<vmem>>[vector<16xi32>, vector<16xi32>], vector<16xf32>, vector<16xi1>
            %broadcast_in_dim3A_149 = arith.constant 14 : i32
            %broadcast_in_dim3A_150 = vector.broadcast %broadcast_in_dim3A_149 : i32 to vector<16xi32>
            %gather3A_151 = tpu.vector_load_idx %arg11[%broadcast_in_dim3A_107, %broadcast_in_dim3A_150] : memref<1x32xf32, #tpu.memory_space<vmem>>[vector<16xi32>, vector<16xi32>], vector<16xf32>,
            tpu.vector_store_idx %arg8[%add3A_105, %broadcast_in_dim3A_150], %gather3A_151 masked %gt3A_101 : memref<1664x32xf32, #tpu.memory_space<vmem>>[vector<16xi32>, vector<16xi32>], vector<16xf32>, vector<16xi1>
            %broadcast_in_dim3A_152 = arith.constant 15 : i32
            %broadcast_in_dim3A_153 = vector.broadcast %broadcast_in_dim3A_152 : i32 to vector<16xi32>
            %gather3A_154 = tpu.vector_load_idx %arg11[%broadcast_in_dim3A_107, %broadcast_in_dim3A_153] : memref<1x32xf32, #tpu.memory_space<vmem>>[vector<16xi32>, vector<16xi32>], vector<16xf32>,
            tpu.vector_store_idx %arg8[%add3A_105, %broadcast_in_dim3A_153], %gather3A_154 masked %gt3A_101 : memref<1664x32xf32, #tpu.memory_space<vmem>>[vector<16xi32>, vector<16xi32>], vector<16xf32>, vector<16xi1>
            %broadcast_in_dim3A_155 = arith.constant 16 : i32
            %broadcast_in_dim3A_156 = vector.broadcast %broadcast_in_dim3A_155 : i32 to vector<16xi32>
            %gather3A_157 = tpu.vector_load_idx %arg11[%broadcast_in_dim3A_107, %broadcast_in_dim3A_156] : memref<1x32xf32, #tpu.memory_space<vmem>>[vector<16xi32>, vector<16xi32>], vector<16xf32>,
            tpu.vector_store_idx %arg8[%add3A_105, %broadcast_in_dim3A_156], %gather3A_157 masked %gt3A_101 : memref<1664x32xf32, #tpu.memory_space<vmem>>[vector<16xi32>, vector<16xi32>], vector<16xf32>, vector<16xi1>
            %broadcast_in_dim3A_158 = arith.constant 17 : i32
            %broadcast_in_dim3A_159 = vector.broadcast %broadcast_in_dim3A_158 : i32 to vector<16xi32>
            %gather3A_160 = tpu.vector_load_idx %arg11[%broadcast_in_dim3A_107, %broadcast_in_dim3A_159] : memref<1x32xf32, #tpu.memory_space<vmem>>[vector<16xi32>, vector<16xi32>], vector<16xf32>,
            tpu.vector_store_idx %arg8[%add3A_105, %broadcast_in_dim3A_159], %gather3A_160 masked %gt3A_101 : memref<1664x32xf32, #tpu.memory_space<vmem>>[vector<16xi32>, vector<16xi32>], vector<16xf32>, vector<16xi1>
            %broadcast_in_dim3A_161 = arith.constant 18 : i32
            %broadcast_in_dim3A_162 = vector.broadcast %broadcast_in_dim3A_161 : i32 to vector<16xi32>
            %gather3A_163 = tpu.vector_load_idx %arg11[%broadcast_in_dim3A_107, %broadcast_in_dim3A_162] : memref<1x32xf32, #tpu.memory_space<vmem>>[vector<16xi32>, vector<16xi32>], vector<16xf32>,
            tpu.vector_store_idx %arg8[%add3A_105, %broadcast_in_dim3A_162], %gather3A_163 masked %gt3A_101 : memref<1664x32xf32, #tpu.memory_space<vmem>>[vector<16xi32>, vector<16xi32>], vector<16xf32>, vector<16xi1>
            %broadcast_in_dim3A_164 = arith.constant 19 : i32
            %broadcast_in_dim3A_165 = vector.broadcast %broadcast_in_dim3A_164 : i32 to vector<16xi32>
            %gather3A_166 = tpu.vector_load_idx %arg11[%broadcast_in_dim3A_107, %broadcast_in_dim3A_165] : memref<1x32xf32, #tpu.memory_space<vmem>>[vector<16xi32>, vector<16xi32>], vector<16xf32>,
            tpu.vector_store_idx %arg8[%add3A_105, %broadcast_in_dim3A_165], %gather3A_166 masked %gt3A_101 : memref<1664x32xf32, #tpu.memory_space<vmem>>[vector<16xi32>, vector<16xi32>], vector<16xf32>, vector<16xi1>
            %broadcast_in_dim3A_167 = arith.constant 20 : i32
            %broadcast_in_dim3A_168 = vector.broadcast %broadcast_in_dim3A_167 : i32 to vector<16xi32>
            %gather3A_169 = tpu.vector_load_idx %arg11[%broadcast_in_dim3A_107, %broadcast_in_dim3A_168] : memref<1x32xf32, #tpu.memory_space<vmem>>[vector<16xi32>, vector<16xi32>], vector<16xf32>,
            tpu.vector_store_idx %arg8[%add3A_105, %broadcast_in_dim3A_168], %gather3A_169 masked %gt3A_101 : memref<1664x32xf32, #tpu.memory_space<vmem>>[vector<16xi32>, vector<16xi32>], vector<16xf32>, vector<16xi1>
            %broadcast_in_dim3A_170 = arith.constant 21 : i32
            %broadcast_in_dim3A_171 = vector.broadcast %broadcast_in_dim3A_170 : i32 to vector<16xi32>
            %gather3A_172 = tpu.vector_load_idx %arg11[%broadcast_in_dim3A_107, %broadcast_in_dim3A_171] : memref<1x32xf32, #tpu.memory_space<vmem>>[vector<16xi32>, vector<16xi32>], vector<16xf32>,
            tpu.vector_store_idx %arg8[%add3A_105, %broadcast_in_dim3A_171], %gather3A_172 masked %gt3A_101 : memref<1664x32xf32, #tpu.memory_space<vmem>>[vector<16xi32>, vector<16xi32>], vector<16xf32>, vector<16xi1>
            %broadcast_in_dim3A_173 = arith.constant 22 : i32
            %broadcast_in_dim3A_174 = vector.broadcast %broadcast_in_dim3A_173 : i32 to vector<16xi32>
            %gather3A_175 = tpu.vector_load_idx %arg11[%broadcast_in_dim3A_107, %broadcast_in_dim3A_174] : memref<1x32xf32, #tpu.memory_space<vmem>>[vector<16xi32>, vector<16xi32>], vector<16xf32>,
            tpu.vector_store_idx %arg8[%add3A_105, %broadcast_in_dim3A_174], %gather3A_175 masked %gt3A_101 : memref<1664x32xf32, #tpu.memory_space<vmem>>[vector<16xi32>, vector<16xi32>], vector<16xf32>, vector<16xi1>
            %broadcast_in_dim3A_176 = arith.constant 23 : i32
            %broadcast_in_dim3A_177 = vector.broadcast %broadcast_in_dim3A_176 : i32 to vector<16xi32>
            %gather3A_178 = tpu.vector_load_idx %arg11[%broadcast_in_dim3A_107, %broadcast_in_dim3A_177] : memref<1x32xf32, #tpu.memory_space<vmem>>[vector<16xi32>, vector<16xi32>], vector<16xf32>,
            tpu.vector_store_idx %arg8[%add3A_105, %broadcast_in_dim3A_177], %gather3A_178 masked %gt3A_101 : memref<1664x32xf32, #tpu.memory_space<vmem>>[vector<16xi32>, vector<16xi32>], vector<16xf32>, vector<16xi1>
            %broadcast_in_dim3A_179 = arith.constant 24 : i32
            %broadcast_in_dim3A_180 = vector.broadcast %broadcast_in_dim3A_179 : i32 to vector<16xi32>
            %gather3A_181 = tpu.vector_load_idx %arg11[%broadcast_in_dim3A_107, %broadcast_in_dim3A_180] : memref<1x32xf32, #tpu.memory_space<vmem>>[vector<16xi32>, vector<16xi32>], vector<16xf32>,
            tpu.vector_store_idx %arg8[%add3A_105, %broadcast_in_dim3A_180], %gather3A_181 masked %gt3A_101 : memref<1664x32xf32, #tpu.memory_space<vmem>>[vector<16xi32>, vector<16xi32>], vector<16xf32>, vector<16xi1>
            %broadcast_in_dim3A_182 = arith.constant 25 : i32
            %broadcast_in_dim3A_183 = vector.broadcast %broadcast_in_dim3A_182 : i32 to vector<16xi32>
            %gather3A_184 = tpu.vector_load_idx %arg11[%broadcast_in_dim3A_107, %broadcast_in_dim3A_183] : memref<1x32xf32, #tpu.memory_space<vmem>>[vector<16xi32>, vector<16xi32>], vector<16xf32>,
            tpu.vector_store_idx %arg8[%add3A_105, %broadcast_in_dim3A_183], %gather3A_184 masked %gt3A_101 : memref<1664x32xf32, #tpu.memory_space<vmem>>[vector<16xi32>, vector<16xi32>], vector<16xf32>, vector<16xi1>
            %broadcast_in_dim3A_185 = arith.constant 26 : i32
            %broadcast_in_dim3A_186 = vector.broadcast %broadcast_in_dim3A_185 : i32 to vector<16xi32>
            %gather3A_187 = tpu.vector_load_idx %arg11[%broadcast_in_dim3A_107, %broadcast_in_dim3A_186] : memref<1x32xf32, #tpu.memory_space<vmem>>[vector<16xi32>, vector<16xi32>], vector<16xf32>,
            tpu.vector_store_idx %arg8[%add3A_105, %broadcast_in_dim3A_186], %gather3A_187 masked %gt3A_101 : memref<1664x32xf32, #tpu.memory_space<vmem>>[vector<16xi32>, vector<16xi32>], vector<16xf32>, vector<16xi1>
            %broadcast_in_dim3A_188 = arith.constant 27 : i32
            %broadcast_in_dim3A_189 = vector.broadcast %broadcast_in_dim3A_188 : i32 to vector<16xi32>
            %gather3A_190 = tpu.vector_load_idx %arg11[%broadcast_in_dim3A_107, %broadcast_in_dim3A_189] : memref<1x32xf32, #tpu.memory_space<vmem>>[vector<16xi32>, vector<16xi32>], vector<16xf32>,
            tpu.vector_store_idx %arg8[%add3A_105, %broadcast_in_dim3A_189], %gather3A_190 masked %gt3A_101 : memref<1664x32xf32, #tpu.memory_space<vmem>>[vector<16xi32>, vector<16xi32>], vector<16xf32>, vector<16xi1>
            %broadcast_in_dim3A_191 = arith.constant 28 : i32
            %broadcast_in_dim3A_192 = vector.broadcast %broadcast_in_dim3A_191 : i32 to vector<16xi32>
            %gather3A_193 = tpu.vector_load_idx %arg11[%broadcast_in_dim3A_107, %broadcast_in_dim3A_192] : memref<1x32xf32, #tpu.memory_space<vmem>>[vector<16xi32>, vector<16xi32>], vector<16xf32>,
            tpu.vector_store_idx %arg8[%add3A_105, %broadcast_in_dim3A_192], %gather3A_193 masked %gt3A_101 : memref<1664x32xf32, #tpu.memory_space<vmem>>[vector<16xi32>, vector<16xi32>], vector<16xf32>, vector<16xi1>
            %broadcast_in_dim3A_194 = arith.constant 29 : i32
            %broadcast_in_dim3A_195 = vector.broadcast %broadcast_in_dim3A_194 : i32 to vector<16xi32>
            %gather3A_196 = tpu.vector_load_idx %arg11[%broadcast_in_dim3A_107, %broadcast_in_dim3A_195] : memref<1x32xf32, #tpu.memory_space<vmem>>[vector<16xi32>, vector<16xi32>], vector<16xf32>,
            tpu.vector_store_idx %arg8[%add3A_105, %broadcast_in_dim3A_195], %gather3A_196 masked %gt3A_101 : memref<1664x32xf32, #tpu.memory_space<vmem>>[vector<16xi32>, vector<16xi32>], vector<16xf32>, vector<16xi1>
            %broadcast_in_dim3A_197 = arith.constant 30 : i32
            %broadcast_in_dim3A_198 = vector.broadcast %broadcast_in_dim3A_197 : i32 to vector<16xi32>
            %gather3A_199 = tpu.vector_load_idx %arg11[%broadcast_in_dim3A_107, %broadcast_in_dim3A_198] : memref<1x32xf32, #tpu.memory_space<vmem>>[vector<16xi32>, vector<16xi32>], vector<16xf32>,
            tpu.vector_store_idx %arg8[%add3A_105, %broadcast_in_dim3A_198], %gather3A_199 masked %gt3A_101 : memref<1664x32xf32, #tpu.memory_space<vmem>>[vector<16xi32>, vector<16xi32>], vector<16xf32>, vector<16xi1>
            %broadcast_in_dim3A_200 = arith.constant 31 : i32
            %broadcast_in_dim3A_201 = vector.broadcast %broadcast_in_dim3A_200 : i32 to vector<16xi32>
            %gather3A_202 = tpu.vector_load_idx %arg11[%broadcast_in_dim3A_107, %broadcast_in_dim3A_201] : memref<1x32xf32, #tpu.memory_space<vmem>>[vector<16xi32>, vector<16xi32>], vector<16xf32>,
            tpu.vector_store_idx %arg8[%add3A_105, %broadcast_in_dim3A_201], %gather3A_202 masked %gt3A_101 : memref<1664x32xf32, #tpu.memory_space<vmem>>[vector<16xi32>, vector<16xi32>], vector<16xf32>, vector<16xi1>
          }
          %scan3A_94 = arith.constant 104 : i32
        } else {
        }
        %mul3A_82 = arith.constant 1664 : i32
        %mul3A_83 = arith.muli %add3A_32, %mul3A_82 : i32
        %add3A_84 = arith.addi %mul3A_2, %mul3A_83 : i32
        %dma_start3A_85 = arith.constant 0 : i32
        %dma_start3A_86 = tpu.memref_slice %arg5[%add3A_84, %dma_start3A_85] : memref<425984x128xf32, #tpu.memory_space<hbm>> -> memref<1664x32xf32, #tpu.memory_space<hbm>>
        %dma_start3A_87 = arith.constant 0 : i32
        %dma_start3A_88 = tpu.memref_slice %arg5[%add3A_84, %dma_start3A_87] : memref<425984x128xf32, #tpu.memory_space<hbm>> -> memref<1664x32xf32, #tpu.memory_space<hbm>>
        tpu.enqueue_dma source(%arg8 : memref<1664x32xf32, #tpu.memory_space<vmem>>) target(%dma_start3A_88 : memref<1664x32xf32, #tpu.memory_space<hbm>>) target_semaphore(%arg16 : memref<!tpu.dma_semaphore, #tpu.memory_space<semaphore_mem>>)
      } else {
      }
      %mul3A_35 = arith.constant 2 : i32
      %mul3A_36 = arith.muli %mul3A_35, %scan3A_27 : i32
      %add3A_37 = arith.constant 1 : i32
      %add3A_38 = arith.addi %mul3A_36, %add3A_37 : i32
      %lt3A_39 = arith.constant 8 : i32
      %lt3A_40 = arith.cmpi slt, %add3A_38, %lt3A_39 : i32
      %convert_element_type3A_41 = arith.extui %lt3A_40 : i1 to i32
      %cond3A_42 = arith.constant 0 : i32
      %cond3A_43 = arith.cmpi ne, %convert_element_type3A_41, %cond3A_42 : i32
      scf.if %cond3A_43 {
        %mul3A_45 = arith.constant 1664 : i32
        %mul3A_46 = arith.muli %add3A_38, %mul3A_45 : i32
        %add3A_47 = arith.addi %mul3A_2, %mul3A_46 : i32
        %dma_wait3A_48 = tpu.memref_slice %arg2[%add3A_47] : memref<425984xi32, #tpu.memory_space<hbm>> -> memref<1664xi32, #tpu.memory_space<hbm>>
        %dma_wait3A_49 = tpu.memref_slice %arg2[%add3A_47] : memref<425984xi32, #tpu.memory_space<hbm>> -> memref<1664xi32, #tpu.memory_space<hbm>>
        tpu.wait_dma2 semaphore(%arg13 : memref<!tpu.dma_semaphore, #tpu.memory_space<semaphore_mem>>) src(%dma_wait3A_49 : memref<1664xi32, #tpu.memory_space<hbm>>) dst(%arg7 : memref<1664xi32, #tpu.memory_space<vmem>>)
        %broadcast_in_dim3A = arith.constant 0 : i32
        %broadcast_in_dim3A_50 = vector.broadcast %broadcast_in_dim3A : i32 to vector<16xi32>
        %scan3A_51 = arith.constant 0 : i32
        %scan3A_52 = arith.constant 104 : i32
        %scan3A_53 = arith.addi %scan3A_51, %scan3A_52 : i32
        %scan3A_54 = arith.constant 1 : i32
        %scan3A_55 = scf.for %scan3A_89 = %scan3A_51 to %scan3A_53 step %scan3A_54 iter_args(%scan3A_90 = %broadcast_in_dim3A_50) -> (vector<16xi32>)  : i32 {
          %mul3A_91 = arith.constant 16 : i32
          %mul3A_92 = arith.muli %scan3A_89, %mul3A_91 : i32
          %get3A = arith.index_cast %mul3A_92 : i32 to index
          %get3A_93 = tpu.vector_load %arg7[%get3A] {strides = array<i32>} : memref<1664xi32, #tpu.memory_space<vmem>>, vector<16xi32>,
          %lt3A_94 = arith.constant 0 : i32
          %lt3A_95 = vector.broadcast %lt3A_94 : i32 to vector<16xi32>
          %lt3A_96 = arith.cmpi slt, %get3A_93, %lt3A_95 : vector<16xi32>
          %convert_element_type3A_97 = arith.extui %lt3A_96 : vector<16xi1> to vector<16xi32>
          %gt3A_98 = arith.constant 0 : i32
          %gt3A_99 = vector.broadcast %gt3A_98 : i32 to vector<16xi32>
          %gt3A_100 = arith.cmpi sgt, %convert_element_type3A_97, %gt3A_99 : vector<16xi32>
          %jit3A = arith.constant 0 : i32
          %broadcast_in_dim3A_101 = vector.broadcast %jit3A : i32 to vector<16xi32>
          %select_n3A = arith.select %gt3A_100, %broadcast_in_dim3A_101, %get3A_93 : vector<16xi1>, vector<16xi32>
          %mul3A_102 = arith.constant 16 : i32
          %mul3A_103 = arith.muli %scan3A_89, %mul3A_102 : i32
          %swap3A = arith.index_cast %mul3A_103 : i32 to index
          %swap3A_104 = tpu.vector_load %arg7[%swap3A] {strides = array<i32>} : memref<1664xi32, #tpu.memory_space<vmem>>, vector<16xi32>,
          tpu.vector_store %arg7[%swap3A], %select_n3A {strides = array<i32>} : memref<1664xi32, #tpu.memory_space<vmem>>, vector<16xi32>,
          %mul3A_105 = arith.constant 16 : i32
          %mul3A_106 = arith.muli %scan3A_89, %mul3A_105 : i32
          %swap3A_107 = arith.index_cast %mul3A_106 : i32 to index
          %swap3A_108 = tpu.vector_load %arg10[%swap3A_107] {strides = array<i32>} : memref<1664xi32, #tpu.memory_space<vmem>>, vector<16xi32>,
          tpu.vector_store %arg10[%swap3A_107], %convert_element_type3A_97 {strides = array<i32>} : memref<1664xi32, #tpu.memory_space<vmem>>, vector<16xi32>,
          %add3A_109 = arith.addi %scan3A_90, %convert_element_type3A_97 : vector<16xi32>
          scf.yield %add3A_109 : vector<16xi32>
        }
        %scan3A_56 = arith.constant 104 : i32
        %reduce_sum3A = arith.constant true
        %reduce_sum3A_57 = vector.broadcast %reduce_sum3A : i1 to vector<16xi1>
        %reduce_sum3A_58 = tpu.scan <sum>, %scan3A_55 masked %reduce_sum3A_57 : vector<16xi32>, vector<16xi1> -> vector<16xi32>
        %reduce_sum3A_59 = vector.extract %reduce_sum3A_58[15] : i32 from vector<16xi32>
        %sub3A = arith.constant 2 : i32
        %sub3A_60 = arith.subi %add3A_38, %sub3A : i32
        %ge3A = arith.constant 0 : i32
        %ge3A_61 = arith.cmpi sge, %sub3A_60, %ge3A : i32
        %convert_element_type3A_62 = arith.extui %ge3A_61 : i1 to i32
        %cond3A_63 = arith.constant 0 : i32
        %cond3A_64 = arith.cmpi ne, %convert_element_type3A_62, %cond3A_63 : i32
        scf.if %cond3A_64 {
          %sub3A_89 = arith.constant 2 : i32
          %sub3A_90 = arith.subi %add3A_38, %sub3A_89 : i32
          %mul3A_91 = arith.constant 1664 : i32
          %mul3A_92 = arith.muli %sub3A_90, %mul3A_91 : i32
          %add3A_93 = arith.addi %mul3A_2, %mul3A_92 : i32
          %dma_wait3A_94 = arith.constant 0 : i32
          %dma_wait3A_95 = tpu.memref_slice %arg5[%add3A_93, %dma_wait3A_94] : memref<425984x128xf32, #tpu.memory_space<hbm>> -> memref<1664x32xf32, #tpu.memory_space<hbm>>
          %dma_wait3A_96 = arith.constant 0 : i32
          %dma_wait3A_97 = tpu.memref_slice %arg5[%add3A_93, %dma_wait3A_96] : memref<425984x128xf32, #tpu.memory_space<hbm>> -> memref<1664x32xf32, #tpu.memory_space<hbm>>
          tpu.wait_dma2 semaphore(%arg17 : memref<!tpu.dma_semaphore, #tpu.memory_space<semaphore_mem>>) src(%arg9 : memref<1664x32xf32, #tpu.memory_space<vmem>>) dst(%dma_wait3A_97 : memref<1664x32xf32, #tpu.memory_space<hbm>>)
        } else {
        }
        %dma_start3A_65 = arith.constant 0 : i32
        %dma_start3A_66 = arith.constant 0 : i32
        %dma_start3A_67 = tpu.memref_slice %arg3[%dma_start3A_65, %dma_start3A_66] : memref<1000000x32xf32, #tpu.memory_space<hbm>> -> memref<1000000x32xf32, #tpu.memory_space<hbm>>
        tpu.enqueue_indirect_dma source(%dma_start3A_67 : memref<1000000x32xf32, #tpu.memory_space<hbm>>) target(%arg9 : memref<1664x32xf32, #tpu.memory_space<vmem>>) offsets(%arg7 : memref<1664xi32, #tpu.memory_space<vmem>>) semaphore(%arg15 : memref<!tpu.dma_semaphore, #tpu.memory_space<semaphore_mem>>)
        %dma_wait3A_68 = arith.constant 0 : i32
        %dma_wait3A_69 = arith.constant 0 : i32
        %dma_wait3A_70 = tpu.memref_slice %arg3[%dma_wait3A_68, %dma_wait3A_69] : memref<1000000x32xf32, #tpu.memory_space<hbm>> -> memref<1000000x32xf32, #tpu.memory_space<hbm>>
        tpu.wait_indirect_dma semaphore(%arg15 : memref<!tpu.dma_semaphore, #tpu.memory_space<semaphore_mem>>) src(%dma_wait3A_70 : memref<1000000x32xf32, #tpu.memory_space<hbm>>) dst(%arg9 : memref<1664x32xf32, #tpu.memory_space<vmem>>)
        %add3A_71 = arith.constant 2 : i32
        %add3A_72 = arith.addi %add3A_38, %add3A_71 : i32
        %lt3A_73 = arith.constant 8 : i32
        %lt3A_74 = arith.cmpi slt, %add3A_72, %lt3A_73 : i32
        %convert_element_type3A_75 = arith.extui %lt3A_74 : i1 to i32
        %cond3A_76 = arith.constant 0 : i32
        %cond3A_77 = arith.cmpi ne, %convert_element_type3A_75, %cond3A_76 : i32
        scf.if %cond3A_77 {
          %add3A_89 = arith.constant 2 : i32
          %add3A_90 = arith.addi %add3A_38, %add3A_89 : i32
          %mul3A_91 = arith.constant 1664 : i32
          %mul3A_92 = arith.muli %add3A_90, %mul3A_91 : i32
          %add3A_93 = arith.addi %mul3A_2, %mul3A_92 : i32
          %dma_start3A_94 = tpu.memref_slice %arg2[%add3A_93] : memref<425984xi32, #tpu.memory_space<hbm>> -> memref<1664xi32, #tpu.memory_space<hbm>>
          %dma_start3A_95 = tpu.memref_slice %arg2[%add3A_93] : memref<425984xi32, #tpu.memory_space<hbm>> -> memref<1664xi32, #tpu.memory_space<hbm>>
          tpu.enqueue_dma source(%dma_start3A_95 : memref<1664xi32, #tpu.memory_space<hbm>>) target(%arg7 : memref<1664xi32, #tpu.memory_space<vmem>>) target_semaphore(%arg13 : memref<!tpu.dma_semaphore, #tpu.memory_space<semaphore_mem>>)
        } else {
        }
        %gt3A = arith.constant 0 : i32
        %gt3A_78 = arith.cmpi sgt, %reduce_sum3A_59, %gt3A : i32
        %convert_element_type3A_79 = arith.extui %gt3A_78 : i1 to i32
        %cond3A_80 = arith.constant 0 : i32
        %cond3A_81 = arith.cmpi ne, %convert_element_type3A_79, %cond3A_80 : i32
        scf.if %cond3A_81 {
          %scan3A_89 = arith.constant 0 : i32
          %scan3A_90 = arith.constant 0 : i32
          %scan3A_91 = arith.constant 104 : i32
          %scan3A_92 = arith.addi %scan3A_90, %scan3A_91 : i32
          %scan3A_93 = arith.constant 1 : i32
          scf.for %scan3A_95 = %scan3A_90 to %scan3A_92 step %scan3A_93  : i32 {
            %mul3A_96 = arith.constant 16 : i32
            %mul3A_97 = arith.muli %scan3A_95, %mul3A_96 : i32
            %get3A = arith.index_cast %mul3A_97 : i32 to index
            %get3A_98 = tpu.vector_load %arg10[%get3A] {strides = array<i32>} : memref<1664xi32, #tpu.memory_space<vmem>>, vector<16xi32>,
            %gt3A_99 = arith.constant 0 : i32
            %gt3A_100 = vector.broadcast %gt3A_99 : i32 to vector<16xi32>
            %gt3A_101 = arith.cmpi sgt, %get3A_98, %gt3A_100 : vector<16xi32>
            %mul3A_102 = arith.constant 16 : i32
            %mul3A_103 = arith.muli %scan3A_95, %mul3A_102 : i32
            %add3A_104 = vector.broadcast %mul3A_103 : i32 to vector<16xi32>
            %add3A_105 = arith.addi %iota3A, %add3A_104 : vector<16xi32>
            %broadcast_in_dim3A_106 = arith.constant 0 : i32
            %broadcast_in_dim3A_107 = vector.broadcast %broadcast_in_dim3A_106 : i32 to vector<16xi32>
            %broadcast_in_dim3A_108 = arith.constant 0 : i32
            %broadcast_in_dim3A_109 = vector.broadcast %broadcast_in_dim3A_108 : i32 to vector<16xi32>
            %gather3A = tpu.vector_load_idx %arg11[%broadcast_in_dim3A_107, %broadcast_in_dim3A_109] : memref<1x32xf32, #tpu.memory_space<vmem>>[vector<16xi32>, vector<16xi32>], vector<16xf32>,
            tpu.vector_store_idx %arg9[%add3A_105, %broadcast_in_dim3A_109], %gather3A masked %gt3A_101 : memref<1664x32xf32, #tpu.memory_space<vmem>>[vector<16xi32>, vector<16xi32>], vector<16xf32>, vector<16xi1>
            %broadcast_in_dim3A_110 = arith.constant 1 : i32
            %broadcast_in_dim3A_111 = vector.broadcast %broadcast_in_dim3A_110 : i32 to vector<16xi32>
            %gather3A_112 = tpu.vector_load_idx %arg11[%broadcast_in_dim3A_107, %broadcast_in_dim3A_111] : memref<1x32xf32, #tpu.memory_space<vmem>>[vector<16xi32>, vector<16xi32>], vector<16xf32>,
            tpu.vector_store_idx %arg9[%add3A_105, %broadcast_in_dim3A_111], %gather3A_112 masked %gt3A_101 : memref<1664x32xf32, #tpu.memory_space<vmem>>[vector<16xi32>, vector<16xi32>], vector<16xf32>, vector<16xi1>
            %broadcast_in_dim3A_113 = arith.constant 2 : i32
            %broadcast_in_dim3A_114 = vector.broadcast %broadcast_in_dim3A_113 : i32 to vector<16xi32>
            %gather3A_115 = tpu.vector_load_idx %arg11[%broadcast_in_dim3A_107, %broadcast_in_dim3A_114] : memref<1x32xf32, #tpu.memory_space<vmem>>[vector<16xi32>, vector<16xi32>], vector<16xf32>,
            tpu.vector_store_idx %arg9[%add3A_105, %broadcast_in_dim3A_114], %gather3A_115 masked %gt3A_101 : memref<1664x32xf32, #tpu.memory_space<vmem>>[vector<16xi32>, vector<16xi32>], vector<16xf32>, vector<16xi1>
            %broadcast_in_dim3A_116 = arith.constant 3 : i32
            %broadcast_in_dim3A_117 = vector.broadcast %broadcast_in_dim3A_116 : i32 to vector<16xi32>
            %gather3A_118 = tpu.vector_load_idx %arg11[%broadcast_in_dim3A_107, %broadcast_in_dim3A_117] : memref<1x32xf32, #tpu.memory_space<vmem>>[vector<16xi32>, vector<16xi32>], vector<16xf32>,
            tpu.vector_store_idx %arg9[%add3A_105, %broadcast_in_dim3A_117], %gather3A_118 masked %gt3A_101 : memref<1664x32xf32, #tpu.memory_space<vmem>>[vector<16xi32>, vector<16xi32>], vector<16xf32>, vector<16xi1>
            %broadcast_in_dim3A_119 = arith.constant 4 : i32
            %broadcast_in_dim3A_120 = vector.broadcast %broadcast_in_dim3A_119 : i32 to vector<16xi32>
            %gather3A_121 = tpu.vector_load_idx %arg11[%broadcast_in_dim3A_107, %broadcast_in_dim3A_120] : memref<1x32xf32, #tpu.memory_space<vmem>>[vector<16xi32>, vector<16xi32>], vector<16xf32>,
            tpu.vector_store_idx %arg9[%add3A_105, %broadcast_in_dim3A_120], %gather3A_121 masked %gt3A_101 : memref<1664x32xf32, #tpu.memory_space<vmem>>[vector<16xi32>, vector<16xi32>], vector<16xf32>, vector<16xi1>
            %broadcast_in_dim3A_122 = arith.constant 5 : i32
            %broadcast_in_dim3A_123 = vector.broadcast %broadcast_in_dim3A_122 : i32 to vector<16xi32>
            %gather3A_124 = tpu.vector_load_idx %arg11[%broadcast_in_dim3A_107, %broadcast_in_dim3A_123] : memref<1x32xf32, #tpu.memory_space<vmem>>[vector<16xi32>, vector<16xi32>], vector<16xf32>,
            tpu.vector_store_idx %arg9[%add3A_105, %broadcast_in_dim3A_123], %gather3A_124 masked %gt3A_101 : memref<1664x32xf32, #tpu.memory_space<vmem>>[vector<16xi32>, vector<16xi32>], vector<16xf32>, vector<16xi1>
            %broadcast_in_dim3A_125 = arith.constant 6 : i32
            %broadcast_in_dim3A_126 = vector.broadcast %broadcast_in_dim3A_125 : i32 to vector<16xi32>
            %gather3A_127 = tpu.vector_load_idx %arg11[%broadcast_in_dim3A_107, %broadcast_in_dim3A_126] : memref<1x32xf32, #tpu.memory_space<vmem>>[vector<16xi32>, vector<16xi32>], vector<16xf32>,
            tpu.vector_store_idx %arg9[%add3A_105, %broadcast_in_dim3A_126], %gather3A_127 masked %gt3A_101 : memref<1664x32xf32, #tpu.memory_space<vmem>>[vector<16xi32>, vector<16xi32>], vector<16xf32>, vector<16xi1>
            %broadcast_in_dim3A_128 = arith.constant 7 : i32
            %broadcast_in_dim3A_129 = vector.broadcast %broadcast_in_dim3A_128 : i32 to vector<16xi32>
            %gather3A_130 = tpu.vector_load_idx %arg11[%broadcast_in_dim3A_107, %broadcast_in_dim3A_129] : memref<1x32xf32, #tpu.memory_space<vmem>>[vector<16xi32>, vector<16xi32>], vector<16xf32>,
            tpu.vector_store_idx %arg9[%add3A_105, %broadcast_in_dim3A_129], %gather3A_130 masked %gt3A_101 : memref<1664x32xf32, #tpu.memory_space<vmem>>[vector<16xi32>, vector<16xi32>], vector<16xf32>, vector<16xi1>
            %broadcast_in_dim3A_131 = arith.constant 8 : i32
            %broadcast_in_dim3A_132 = vector.broadcast %broadcast_in_dim3A_131 : i32 to vector<16xi32>
            %gather3A_133 = tpu.vector_load_idx %arg11[%broadcast_in_dim3A_107, %broadcast_in_dim3A_132] : memref<1x32xf32, #tpu.memory_space<vmem>>[vector<16xi32>, vector<16xi32>], vector<16xf32>,
            tpu.vector_store_idx %arg9[%add3A_105, %broadcast_in_dim3A_132], %gather3A_133 masked %gt3A_101 : memref<1664x32xf32, #tpu.memory_space<vmem>>[vector<16xi32>, vector<16xi32>], vector<16xf32>, vector<16xi1>
            %broadcast_in_dim3A_134 = arith.constant 9 : i32
            %broadcast_in_dim3A_135 = vector.broadcast %broadcast_in_dim3A_134 : i32 to vector<16xi32>
            %gather3A_136 = tpu.vector_load_idx %arg11[%broadcast_in_dim3A_107, %broadcast_in_dim3A_135] : memref<1x32xf32, #tpu.memory_space<vmem>>[vector<16xi32>, vector<16xi32>], vector<16xf32>,
            tpu.vector_store_idx %arg9[%add3A_105, %broadcast_in_dim3A_135], %gather3A_136 masked %gt3A_101 : memref<1664x32xf32, #tpu.memory_space<vmem>>[vector<16xi32>, vector<16xi32>], vector<16xf32>, vector<16xi1>
            %broadcast_in_dim3A_137 = arith.constant 10 : i32
            %broadcast_in_dim3A_138 = vector.broadcast %broadcast_in_dim3A_137 : i32 to vector<16xi32>
            %gather3A_139 = tpu.vector_load_idx %arg11[%broadcast_in_dim3A_107, %broadcast_in_dim3A_138] : memref<1x32xf32, #tpu.memory_space<vmem>>[vector<16xi32>, vector<16xi32>], vector<16xf32>,
            tpu.vector_store_idx %arg9[%add3A_105, %broadcast_in_dim3A_138], %gather3A_139 masked %gt3A_101 : memref<1664x32xf32, #tpu.memory_space<vmem>>[vector<16xi32>, vector<16xi32>], vector<16xf32>, vector<16xi1>
            %broadcast_in_dim3A_140 = arith.constant 11 : i32
            %broadcast_in_dim3A_141 = vector.broadcast %broadcast_in_dim3A_140 : i32 to vector<16xi32>
            %gather3A_142 = tpu.vector_load_idx %arg11[%broadcast_in_dim3A_107, %broadcast_in_dim3A_141] : memref<1x32xf32, #tpu.memory_space<vmem>>[vector<16xi32>, vector<16xi32>], vector<16xf32>,
            tpu.vector_store_idx %arg9[%add3A_105, %broadcast_in_dim3A_141], %gather3A_142 masked %gt3A_101 : memref<1664x32xf32, #tpu.memory_space<vmem>>[vector<16xi32>, vector<16xi32>], vector<16xf32>, vector<16xi1>
            %broadcast_in_dim3A_143 = arith.constant 12 : i32
            %broadcast_in_dim3A_144 = vector.broadcast %broadcast_in_dim3A_143 : i32 to vector<16xi32>
            %gather3A_145 = tpu.vector_load_idx %arg11[%broadcast_in_dim3A_107, %broadcast_in_dim3A_144] : memref<1x32xf32, #tpu.memory_space<vmem>>[vector<16xi32>, vector<16xi32>], vector<16xf32>,
            tpu.vector_store_idx %arg9[%add3A_105, %broadcast_in_dim3A_144], %gather3A_145 masked %gt3A_101 : memref<1664x32xf32, #tpu.memory_space<vmem>>[vector<16xi32>, vector<16xi32>], vector<16xf32>, vector<16xi1>
            %broadcast_in_dim3A_146 = arith.constant 13 : i32
            %broadcast_in_dim3A_147 = vector.broadcast %broadcast_in_dim3A_146 : i32 to vector<16xi32>
            %gather3A_148 = tpu.vector_load_idx %arg11[%broadcast_in_dim3A_107, %broadcast_in_dim3A_147] : memref<1x32xf32, #tpu.memory_space<vmem>>[vector<16xi32>, vector<16xi32>], vector<16xf32>,
            tpu.vector_store_idx %arg9[%add3A_105, %broadcast_in_dim3A_147], %gather3A_148 masked %gt3A_101 : memref<1664x32xf32, #tpu.memory_space<vmem>>[vector<16xi32>, vector<16xi32>], vector<16xf32>, vector<16xi1>
            %broadcast_in_dim3A_149 = arith.constant 14 : i32
            %broadcast_in_dim3A_150 = vector.broadcast %broadcast_in_dim3A_149 : i32 to vector<16xi32>
            %gather3A_151 = tpu.vector_load_idx %arg11[%broadcast_in_dim3A_107, %broadcast_in_dim3A_150] : memref<1x32xf32, #tpu.memory_space<vmem>>[vector<16xi32>, vector<16xi32>], vector<16xf32>,
            tpu.vector_store_idx %arg9[%add3A_105, %broadcast_in_dim3A_150], %gather3A_151 masked %gt3A_101 : memref<1664x32xf32, #tpu.memory_space<vmem>>[vector<16xi32>, vector<16xi32>], vector<16xf32>, vector<16xi1>
            %broadcast_in_dim3A_152 = arith.constant 15 : i32
            %broadcast_in_dim3A_153 = vector.broadcast %broadcast_in_dim3A_152 : i32 to vector<16xi32>
            %gather3A_154 = tpu.vector_load_idx %arg11[%broadcast_in_dim3A_107, %broadcast_in_dim3A_153] : memref<1x32xf32, #tpu.memory_space<vmem>>[vector<16xi32>, vector<16xi32>], vector<16xf32>,
            tpu.vector_store_idx %arg9[%add3A_105, %broadcast_in_dim3A_153], %gather3A_154 masked %gt3A_101 : memref<1664x32xf32, #tpu.memory_space<vmem>>[vector<16xi32>, vector<16xi32>], vector<16xf32>, vector<16xi1>
            %broadcast_in_dim3A_155 = arith.constant 16 : i32
            %broadcast_in_dim3A_156 = vector.broadcast %broadcast_in_dim3A_155 : i32 to vector<16xi32>
            %gather3A_157 = tpu.vector_load_idx %arg11[%broadcast_in_dim3A_107, %broadcast_in_dim3A_156] : memref<1x32xf32, #tpu.memory_space<vmem>>[vector<16xi32>, vector<16xi32>], vector<16xf32>,
            tpu.vector_store_idx %arg9[%add3A_105, %broadcast_in_dim3A_156], %gather3A_157 masked %gt3A_101 : memref<1664x32xf32, #tpu.memory_space<vmem>>[vector<16xi32>, vector<16xi32>], vector<16xf32>, vector<16xi1>
            %broadcast_in_dim3A_158 = arith.constant 17 : i32
            %broadcast_in_dim3A_159 = vector.broadcast %broadcast_in_dim3A_158 : i32 to vector<16xi32>
            %gather3A_160 = tpu.vector_load_idx %arg11[%broadcast_in_dim3A_107, %broadcast_in_dim3A_159] : memref<1x32xf32, #tpu.memory_space<vmem>>[vector<16xi32>, vector<16xi32>], vector<16xf32>,
            tpu.vector_store_idx %arg9[%add3A_105, %broadcast_in_dim3A_159], %gather3A_160 masked %gt3A_101 : memref<1664x32xf32, #tpu.memory_space<vmem>>[vector<16xi32>, vector<16xi32>], vector<16xf32>, vector<16xi1>
            %broadcast_in_dim3A_161 = arith.constant 18 : i32
            %broadcast_in_dim3A_162 = vector.broadcast %broadcast_in_dim3A_161 : i32 to vector<16xi32>
            %gather3A_163 = tpu.vector_load_idx %arg11[%broadcast_in_dim3A_107, %broadcast_in_dim3A_162] : memref<1x32xf32, #tpu.memory_space<vmem>>[vector<16xi32>, vector<16xi32>], vector<16xf32>,
            tpu.vector_store_idx %arg9[%add3A_105, %broadcast_in_dim3A_162], %gather3A_163 masked %gt3A_101 : memref<1664x32xf32, #tpu.memory_space<vmem>>[vector<16xi32>, vector<16xi32>], vector<16xf32>, vector<16xi1>
            %broadcast_in_dim3A_164 = arith.constant 19 : i32
            %broadcast_in_dim3A_165 = vector.broadcast %broadcast_in_dim3A_164 : i32 to vector<16xi32>
            %gather3A_166 = tpu.vector_load_idx %arg11[%broadcast_in_dim3A_107, %broadcast_in_dim3A_165] : memref<1x32xf32, #tpu.memory_space<vmem>>[vector<16xi32>, vector<16xi32>], vector<16xf32>,
            tpu.vector_store_idx %arg9[%add3A_105, %broadcast_in_dim3A_165], %gather3A_166 masked %gt3A_101 : memref<1664x32xf32, #tpu.memory_space<vmem>>[vector<16xi32>, vector<16xi32>], vector<16xf32>, vector<16xi1>
            %broadcast_in_dim3A_167 = arith.constant 20 : i32
            %broadcast_in_dim3A_168 = vector.broadcast %broadcast_in_dim3A_167 : i32 to vector<16xi32>
            %gather3A_169 = tpu.vector_load_idx %arg11[%broadcast_in_dim3A_107, %broadcast_in_dim3A_168] : memref<1x32xf32, #tpu.memory_space<vmem>>[vector<16xi32>, vector<16xi32>], vector<16xf32>,
            tpu.vector_store_idx %arg9[%add3A_105, %broadcast_in_dim3A_168], %gather3A_169 masked %gt3A_101 : memref<1664x32xf32, #tpu.memory_space<vmem>>[vector<16xi32>, vector<16xi32>], vector<16xf32>, vector<16xi1>
            %broadcast_in_dim3A_170 = arith.constant 21 : i32
            %broadcast_in_dim3A_171 = vector.broadcast %broadcast_in_dim3A_170 : i32 to vector<16xi32>
            %gather3A_172 = tpu.vector_load_idx %arg11[%broadcast_in_dim3A_107, %broadcast_in_dim3A_171] : memref<1x32xf32, #tpu.memory_space<vmem>>[vector<16xi32>, vector<16xi32>], vector<16xf32>,
            tpu.vector_store_idx %arg9[%add3A_105, %broadcast_in_dim3A_171], %gather3A_172 masked %gt3A_101 : memref<1664x32xf32, #tpu.memory_space<vmem>>[vector<16xi32>, vector<16xi32>], vector<16xf32>, vector<16xi1>
            %broadcast_in_dim3A_173 = arith.constant 22 : i32
            %broadcast_in_dim3A_174 = vector.broadcast %broadcast_in_dim3A_173 : i32 to vector<16xi32>
            %gather3A_175 = tpu.vector_load_idx %arg11[%broadcast_in_dim3A_107, %broadcast_in_dim3A_174] : memref<1x32xf32, #tpu.memory_space<vmem>>[vector<16xi32>, vector<16xi32>], vector<16xf32>,
            tpu.vector_store_idx %arg9[%add3A_105, %broadcast_in_dim3A_174], %gather3A_175 masked %gt3A_101 : memref<1664x32xf32, #tpu.memory_space<vmem>>[vector<16xi32>, vector<16xi32>], vector<16xf32>, vector<16xi1>
            %broadcast_in_dim3A_176 = arith.constant 23 : i32
            %broadcast_in_dim3A_177 = vector.broadcast %broadcast_in_dim3A_176 : i32 to vector<16xi32>
            %gather3A_178 = tpu.vector_load_idx %arg11[%broadcast_in_dim3A_107, %broadcast_in_dim3A_177] : memref<1x32xf32, #tpu.memory_space<vmem>>[vector<16xi32>, vector<16xi32>], vector<16xf32>,
            tpu.vector_store_idx %arg9[%add3A_105, %broadcast_in_dim3A_177], %gather3A_178 masked %gt3A_101 : memref<1664x32xf32, #tpu.memory_space<vmem>>[vector<16xi32>, vector<16xi32>], vector<16xf32>, vector<16xi1>
            %broadcast_in_dim3A_179 = arith.constant 24 : i32
            %broadcast_in_dim3A_180 = vector.broadcast %broadcast_in_dim3A_179 : i32 to vector<16xi32>
            %gather3A_181 = tpu.vector_load_idx %arg11[%broadcast_in_dim3A_107, %broadcast_in_dim3A_180] : memref<1x32xf32, #tpu.memory_space<vmem>>[vector<16xi32>, vector<16xi32>], vector<16xf32>,
            tpu.vector_store_idx %arg9[%add3A_105, %broadcast_in_dim3A_180], %gather3A_181 masked %gt3A_101 : memref<1664x32xf32, #tpu.memory_space<vmem>>[vector<16xi32>, vector<16xi32>], vector<16xf32>, vector<16xi1>
            %broadcast_in_dim3A_182 = arith.constant 25 : i32
            %broadcast_in_dim3A_183 = vector.broadcast %broadcast_in_dim3A_182 : i32 to vector<16xi32>
            %gather3A_184 = tpu.vector_load_idx %arg11[%broadcast_in_dim3A_107, %broadcast_in_dim3A_183] : memref<1x32xf32, #tpu.memory_space<vmem>>[vector<16xi32>, vector<16xi32>], vector<16xf32>,
            tpu.vector_store_idx %arg9[%add3A_105, %broadcast_in_dim3A_183], %gather3A_184 masked %gt3A_101 : memref<1664x32xf32, #tpu.memory_space<vmem>>[vector<16xi32>, vector<16xi32>], vector<16xf32>, vector<16xi1>
            %broadcast_in_dim3A_185 = arith.constant 26 : i32
            %broadcast_in_dim3A_186 = vector.broadcast %broadcast_in_dim3A_185 : i32 to vector<16xi32>
            %gather3A_187 = tpu.vector_load_idx %arg11[%broadcast_in_dim3A_107, %broadcast_in_dim3A_186] : memref<1x32xf32, #tpu.memory_space<vmem>>[vector<16xi32>, vector<16xi32>], vector<16xf32>,
            tpu.vector_store_idx %arg9[%add3A_105, %broadcast_in_dim3A_186], %gather3A_187 masked %gt3A_101 : memref<1664x32xf32, #tpu.memory_space<vmem>>[vector<16xi32>, vector<16xi32>], vector<16xf32>, vector<16xi1>
            %broadcast_in_dim3A_188 = arith.constant 27 : i32
            %broadcast_in_dim3A_189 = vector.broadcast %broadcast_in_dim3A_188 : i32 to vector<16xi32>
            %gather3A_190 = tpu.vector_load_idx %arg11[%broadcast_in_dim3A_107, %broadcast_in_dim3A_189] : memref<1x32xf32, #tpu.memory_space<vmem>>[vector<16xi32>, vector<16xi32>], vector<16xf32>,
            tpu.vector_store_idx %arg9[%add3A_105, %broadcast_in_dim3A_189], %gather3A_190 masked %gt3A_101 : memref<1664x32xf32, #tpu.memory_space<vmem>>[vector<16xi32>, vector<16xi32>], vector<16xf32>, vector<16xi1>
            %broadcast_in_dim3A_191 = arith.constant 28 : i32
            %broadcast_in_dim3A_192 = vector.broadcast %broadcast_in_dim3A_191 : i32 to vector<16xi32>
            %gather3A_193 = tpu.vector_load_idx %arg11[%broadcast_in_dim3A_107, %broadcast_in_dim3A_192] : memref<1x32xf32, #tpu.memory_space<vmem>>[vector<16xi32>, vector<16xi32>], vector<16xf32>,
            tpu.vector_store_idx %arg9[%add3A_105, %broadcast_in_dim3A_192], %gather3A_193 masked %gt3A_101 : memref<1664x32xf32, #tpu.memory_space<vmem>>[vector<16xi32>, vector<16xi32>], vector<16xf32>, vector<16xi1>
            %broadcast_in_dim3A_194 = arith.constant 29 : i32
            %broadcast_in_dim3A_195 = vector.broadcast %broadcast_in_dim3A_194 : i32 to vector<16xi32>
            %gather3A_196 = tpu.vector_load_idx %arg11[%broadcast_in_dim3A_107, %broadcast_in_dim3A_195] : memref<1x32xf32, #tpu.memory_space<vmem>>[vector<16xi32>, vector<16xi32>], vector<16xf32>,
            tpu.vector_store_idx %arg9[%add3A_105, %broadcast_in_dim3A_195], %gather3A_196 masked %gt3A_101 : memref<1664x32xf32, #tpu.memory_space<vmem>>[vector<16xi32>, vector<16xi32>], vector<16xf32>, vector<16xi1>
            %broadcast_in_dim3A_197 = arith.constant 30 : i32
            %broadcast_in_dim3A_198 = vector.broadcast %broadcast_in_dim3A_197 : i32 to vector<16xi32>
            %gather3A_199 = tpu.vector_load_idx %arg11[%broadcast_in_dim3A_107, %broadcast_in_dim3A_198] : memref<1x32xf32, #tpu.memory_space<vmem>>[vector<16xi32>, vector<16xi32>], vector<16xf32>,
            tpu.vector_store_idx %arg9[%add3A_105, %broadcast_in_dim3A_198], %gather3A_199 masked %gt3A_101 : memref<1664x32xf32, #tpu.memory_space<vmem>>[vector<16xi32>, vector<16xi32>], vector<16xf32>, vector<16xi1>
            %broadcast_in_dim3A_200 = arith.constant 31 : i32
            %broadcast_in_dim3A_201 = vector.broadcast %broadcast_in_dim3A_200 : i32 to vector<16xi32>
            %gather3A_202 = tpu.vector_load_idx %arg11[%broadcast_in_dim3A_107, %broadcast_in_dim3A_201] : memref<1x32xf32, #tpu.memory_space<vmem>>[vector<16xi32>, vector<16xi32>], vector<16xf32>,
            tpu.vector_store_idx %arg9[%add3A_105, %broadcast_in_dim3A_201], %gather3A_202 masked %gt3A_101 : memref<1664x32xf32, #tpu.memory_space<vmem>>[vector<16xi32>, vector<16xi32>], vector<16xf32>, vector<16xi1>
          }
          %scan3A_94 = arith.constant 104 : i32
        } else {
        }
        %mul3A_82 = arith.constant 1664 : i32
        %mul3A_83 = arith.muli %add3A_38, %mul3A_82 : i32
        %add3A_84 = arith.addi %mul3A_2, %mul3A_83 : i32
        %dma_start3A_85 = arith.constant 0 : i32
        %dma_start3A_86 = tpu.memref_slice %arg5[%add3A_84, %dma_start3A_85] : memref<425984x128xf32, #tpu.memory_space<hbm>> -> memref<1664x32xf32, #tpu.memory_space<hbm>>
        %dma_start3A_87 = arith.constant 0 : i32
        %dma_start3A_88 = tpu.memref_slice %arg5[%add3A_84, %dma_start3A_87] : memref<425984x128xf32, #tpu.memory_space<hbm>> -> memref<1664x32xf32, #tpu.memory_space<hbm>>
        tpu.enqueue_dma source(%arg9 : memref<1664x32xf32, #tpu.memory_space<vmem>>) target(%dma_start3A_88 : memref<1664x32xf32, #tpu.memory_space<hbm>>) target_semaphore(%arg17 : memref<!tpu.dma_semaphore, #tpu.memory_space<semaphore_mem>>)
      } else {
      }
      %scan3A_44 = arith.constant 0 : i32
      scf.yield %scan3A_44 : i32
    }
    %scan3A_15 = arith.constant 4 : i32
    %add3A_16 = arith.constant 9984 : i32
    %add3A_17 = arith.addi %mul3A_2, %add3A_16 : i32
    %dma_wait3A = arith.constant 0 : i32
    %dma_wait3A_18 = tpu.memref_slice %arg5[%add3A_17, %dma_wait3A] : memref<425984x128xf32, #tpu.memory_space<hbm>> -> memref<1664x32xf32, #tpu.memory_space<hbm>>
    %dma_wait3A_19 = arith.constant 0 : i32
    %dma_wait3A_20 = tpu.memref_slice %arg5[%add3A_17, %dma_wait3A_19] : memref<425984x128xf32, #tpu.memory_space<hbm>> -> memref<1664x32xf32, #tpu.memory_space<hbm>>
    tpu.wait_dma2 semaphore(%arg16 : memref<!tpu.dma_semaphore, #tpu.memory_space<semaphore_mem>>) src(%arg8 : memref<1664x32xf32, #tpu.memory_space<vmem>>) dst(%dma_wait3A_20 : memref<1664x32xf32, #tpu.memory_space<hbm>>)
    %add3A_21 = arith.constant 11648 : i32
    %add3A_22 = arith.addi %mul3A_2, %add3A_21 : i32
    %dma_wait3A_23 = arith.constant 0 : i32
    %dma_wait3A_24 = tpu.memref_slice %arg5[%add3A_22, %dma_wait3A_23] : memref<425984x128xf32, #tpu.memory_space<hbm>> -> memref<1664x32xf32, #tpu.memory_space<hbm>>
    %dma_wait3A_25 = arith.constant 0 : i32
    %dma_wait3A_26 = tpu.memref_slice %arg5[%add3A_22, %dma_wait3A_25] : memref<425984x128xf32, #tpu.memory_space<hbm>> -> memref<1664x32xf32, #tpu.memory_space<hbm>>
    tpu.wait_dma2 semaphore(%arg17 : memref<!tpu.dma_semaphore, #tpu.memory_space<semaphore_mem>>) src(%arg9 : memref<1664x32xf32, #tpu.memory_space<vmem>>) dst(%dma_wait3A_26 : memref<1664x32xf32, #tpu.memory_space<hbm>>)
    return
  }
}

</mosaic_0001>

<sc_bundles>
// kernel: kernel.4.cloned.1.call-start
scs
__scs_entry_jumppad:
0x0: {  	(pc) =	sbr.rel $0x88, $3  }
0x1: {  	(tag) =	ssettag $0x0;
	lr =	simm.s32 $0x1  }
0x2: {  	[smem:$0x3F9E] =	sst lr;
	_ =	strace $0xD0000000  }
0x3: {  	_ = 	snop  }
0x4: {  	_ = 	snop  }
0x5: {  	_ = 	snop  }
0x6: {  	_ = 	snop  }
0x7: {  	_ = 	snop  }
__scs_overlays_trampoline_lowered:
0x8: {  	[smem:$0x3FAD] =	sst s0  }
0x9: {  	[smem:$0x3FAE] =	sst s1  }
0xa: {  	[smem:$0x3FAF] =	sst s2  }
0xb: {  	[smem:$0x3FB0] =	sst s3  }
0xc: {  	[smem:$0x3FB1] =	sst s4  }
0xd: {  	[smem:$0x3FB2] =	sst s5  }
0xe: {  	[smem:$0x3FB3] =	sst s6  }
0xf: {  	[smem:$0x3FB4] =	sst s7  }
0x10: {  	[smem:$0x3FB5] =	sst s8  }
0x11: {  	[smem:$0x3FB6] =	sst s9;
	s0 =	simm.s32 @!p0 $0x0  }
0x12: {  	s1 =	sld [smem:$0x3F9C];
	s0 =	simm.s32 @p0 $0x1  }
0x13: {  	[smem:$0x3FB7] =	sst s0;
	s0 =	simm.s32 @!p1 $0x0  }
0x14: {  	s2 =	sld [smem:$0x3F9B];
	s0 =	simm.s32 @p1 $0x1  }
0x15: {  	[smem:$0x3FB8] =	sst s0;
	s0 =	simm.s32 @!p2 $0x0  }
0x16: {  	s3 =	sld [smem:$0x3FDB];
	s0 =	simm.s32 @p2 $0x1  }
0x17: {  	s4 =	simm.s32 $0x1BF5;
	[smem:$0x3FBA] =	sst s0  }
0x18: {  	s0 =	sld [smem:$0x3F9D];
	_ =	swait.ge [sflag:s4], $0x0  }
0x19: {  	s7 =	sld [smem:$0x3F9E]  }
0x1a: {  	s8 =	sadd.s32 $0xFFFFE003, lr  }
0x1b: {  	s9 =	sadd.s32 $0xFFFFFEF7, lr;
	s5 =	simm.s32 $0xFFFFFFFF;
	p2 =	slt.u32 s8, $0xFFFFF086  }
0x1c: {  	p1 =	slt.u32 s9, $0xF7A;
	s5 =	simm.s32 @!p2 $0x0  }
0x1d: {  	s5 =	simm.s32 @p1 $0x1;
	p0 =	seq.s32 s7, s2  }
0x1e: {  	s7 =	smul.u32 @!p0 $0xF7A, s2;
	p2 =	seq.s32 @!p0 s5, $0x0  }
0x1f: {  	s9 =	smul.u32 $0xF7A, s1;
	s8 =	simm.s32 @!p0 $0x1BF5;
	p2 =	por !p2, p0  }
0x20: {  	[sflag:s8] =	ssyncset.s32 @!p0 $0xFFFFF086;
	s6 =	sadd.s32 @!p0 s3, s7;
	s7 =	simm.s32 @!p0 $0x108  }
0x21: {  	s3 =	sadd.s32 s3, s9;
	s6 =	sadd.s32 @!p0 $0x88, s6;
	s7 =	simm.s32 @p2 $0x1082  }
0x22: {  	[simem:s7], [sflag:s8] =	dma.local @!p0 [hbm:s6], $0xF7A  }
0x23: {  	s9 =	sor.u32 $0xD0000000, s2;
	s6 =	simm.s32 $0x108;
	_ =	swait.ge @!p0 [sflag:s8], $0x0  }
0x24: {  	s3 =	sadd.s32 $0x88, s3;
	s6 =	simm.s32 @!p1 $0x1082;
	[sflag:s4] =	ssyncset.s32 $0xFFFFF086  }
0x25: {  	[simem:s6], [sflag:s4] =	dma.local [hbm:s3], $0xF7A  }
0x26: {  	[smem:$0x3F9E] =	sst s1;
	(tag) =	ssettag s2;
	_ =	strace s9  }
0x27: {  	s1 =	sld [smem:$0x3FAE]  }
0x28: {  	s2 =	sld [smem:$0x3FAF]  }
0x29: {  	s4 =	sld [smem:$0x3FB1]  }
0x2a: {  	p0 =	seq.s32 s5, $0x0;
	s5 =	sld [smem:$0x3FB2]  }
0x2b: {  	s6 =	sld [smem:$0x3FB3]  }
0x2c: {  	s7 =	sld [smem:$0x3FB4]  }
0x2d: {  	s3 =	simm.s32 $0x108;
	s8 =	sld [smem:$0x3FB5]  }
0x2e: {  	s3 =	simm.s32 @!p0 $0x1082;
	s9 =	sld [smem:$0x3FB6]  }
0x2f: {  	lr =	sadd.s32 s0, s3;
	s0 =	sld [smem:$0x3FAD]  }
0x30: {  	s3 =	sld [smem:$0x3FB0]  }
0x31: {  	[smem:$0x3FB9] =	sst s10  }
0x32: {  	s10 =	sld [smem:$0x3FB7];
	_ =	sdelay $0x3  }
0x33: {  	p0 =	seq.s32 s10, $0x1;
	s10 =	sld [smem:$0x3FB9];
	_ =	sdelay $0x3  }
0x34: {  	[smem:$0x3FB9] =	sst s10  }
0x35: {  	s10 =	sld [smem:$0x3FB8];
	_ =	sdelay $0x3  }
0x36: {  	p1 =	seq.s32 s10, $0x1;
	s10 =	sld [smem:$0x3FB9];
	_ =	sdelay $0x3  }
0x37: {  	[smem:$0x3FB9] =	sst s10  }
0x38: {  	s10 =	sld [smem:$0x3FBA]  }
0x39: {  	_ = 	snop;
	(pc) =	sbr.ind lr, $3  }
0x3a: {  	_ = 	snop  }
0x3b: {  	_ = 	snop  }
0x3c: {  	p2 =	seq.s32 s10, $0x1;
	s10 =	sld [smem:$0x3FB9]  }
0x3d: {  	_ =	shalt  }
0x3e: {  	_ =	shalt  }
0x3f: {  	_ =	shalt  }
0x40: {  	_ =	shalt  }
0x41: {  	_ =	shalt  }
0x42: {  	_ =	shalt  }
0x43: {  	_ =	shalt  }
0x44: {  	_ =	shalt  }
0x45: {  	_ =	shalt  }
0x46: {  	_ =	shalt  }
0x47: {  	_ =	shalt  }
0x48: {  	_ =	shalt  }
0x49: {  	_ =	shalt  }
0x4a: {  	_ =	shalt  }
0x4b: {  	_ =	shalt  }
0x4c: {  	_ =	shalt  }
0x4d: {  	_ =	shalt  }
0x4e: {  	_ =	shalt  }
0x4f: {  	_ =	shalt  }
0x50: {  	_ =	shalt  }
0x51: {  	_ =	shalt  }
0x52: {  	_ =	shalt  }
0x53: {  	_ =	shalt  }
0x54: {  	_ =	shalt  }
0x55: {  	_ =	shalt  }
0x56: {  	_ =	shalt  }
0x57: {  	_ =	shalt  }
0x58: {  	_ =	shalt  }
0x59: {  	_ =	shalt  }
0x5a: {  	_ =	shalt  }
0x5b: {  	_ =	shalt  }
0x5c: {  	_ =	shalt  }
0x5d: {  	_ =	shalt  }
0x5e: {  	_ =	shalt  }
0x5f: {  	_ =	shalt  }
0x60: {  	_ =	shalt  }
0x61: {  	_ =	shalt  }
0x62: {  	_ =	shalt  }
0x63: {  	_ =	shalt  }
0x64: {  	_ =	shalt  }
0x65: {  	_ =	shalt  }
0x66: {  	_ =	shalt  }
0x67: {  	_ =	shalt  }
0x68: {  	_ =	shalt  }
0x69: {  	_ =	shalt  }
0x6a: {  	_ =	shalt  }
0x6b: {  	_ =	shalt  }
0x6c: {  	_ =	shalt  }
0x6d: {  	_ =	shalt  }
0x6e: {  	_ =	shalt  }
0x6f: {  	_ =	shalt  }
0x70: {  	_ =	shalt  }
0x71: {  	_ =	shalt  }
0x72: {  	_ =	shalt  }
0x73: {  	_ =	shalt  }
0x74: {  	_ =	shalt  }
0x75: {  	_ =	shalt  }
0x76: {  	_ =	shalt  }
0x77: {  	_ =	shalt  }
0x78: {  	_ =	shalt  }
0x79: {  	_ =	shalt  }
0x7a: {  	_ =	shalt  }
0x7b: {  	_ =	shalt  }
0x7c: {  	_ =	shalt  }
0x7d: {  	_ =	shalt  }
0x7e: {  	_ =	shalt  }
0x7f: {  	_ =	shalt  }
0x80: {  	_ =	shalt  }
0x81: {  	_ =	shalt  }
0x82: {  	_ =	shalt  }
0x83: {  	_ =	shalt  }
0x84: {  	_ =	shalt  }
0x85: {  	_ =	shalt  }
0x86: {  	_ =	shalt  }
0x87: {  	_ =	shalt  }
.Lfunc_end0:
.L_simem_size_0:
called_computation.1_lowered:
.L_overlay_start_0:
0x88: {  	s2 =	sld [smem:$0x3FD9]  }
0x89: {  	s3 =	sld [smem:$0x3FFE];
	_ =	sdelay $0x1  }
0x8a: {  	s1 =	srdreg.scid  }
0x8b: {  	s0 =	sand.u32 $0x1, s1  }
0x8c: {  	s17 =	sshll.u32 s0, $0xA;
	s2 =	sadd.s32 s3, s2  }
0x8d: {  	s2 =	sadd.s32 s2, s17  }
0x8e: {  	[smem:$0x3FC5] =	sst s2  }
0x8f: {  	_ = 	snop  }
0x90: {  	s2 =	sld [smem:$0x3FC8]  }
0x91: {  	s18 =	sld [smem:$0x3FD0];
	(tm) =	ssettm $0x1  }
0x92: {  	s4 =	sld [smem:$0x3FFB];
	_ =	sdelay $0x3  }
0x93: {  	_ =	strace s4  }
0x94: {  	s4 =	sld [smem:$0x3FFC];
	_ =	sdelay $0x3  }
0x95: {  	_ =	strace s4  }
0x96: {  	s4 =	sld [smem:$0x3FFD];
	_ =	sdelay $0x3  }
0x97: {  	_ =	strace s4  }
0x98: {  	_ =	strace $0x8FFFFFFF  }
0x99: {  	s19 =	sld [smem:$0x3FDB];
	_ =	sdelay $0x1  }
0x9a: {  	s5 =	simm.s32 $_scs_section_size  }
0x9b: {  	s6 =	simm.s32 $_size__tile_overlayer_lowered;
	s7 =	simm.s32 $_tile_overlayer_lowered  }
0x9c: {  	s22 =	simm.s32 $0x1BFF;
	s21 =	sshll.u32 s7, $0x1;
	s4 =	sadd.s32 s5, s19  }
0x9d: {  	s8 =	simm.s32 $0x0;
	s20 =	sshll.u32 s6, $0x1;
	s6 =	sadd.s32 s21, s4  }
0x9e: {  	[timem:s8], [sflag:s22] =	dma.local [hbm:s6], s20  }
0x9f: {  	_ =	swait.ge [sflag:s22], s20  }
0xa0: {  	s5 =	ssub.s32 $0x0, s20;
	[sflag:s22] =	ssyncset.done $0x0  }
0xa1: {  	[sflag:s22] =	ssyncadd.s32 s5;
	_ =	sdelay $0x1  }
0xa2: {  	s23 =	simm.s32 $0x1B8B  }
0xa3: {  	_ =	swait.ge [sflag:s23], $0x1  }
0xa4: {  	[sflag:s23] =	ssyncset.done $0x0  }
0xa5: {  	s25 =	simm.s32 $0x1B8E;
	s24 =	sld [smem:$0x3FFE];
	[sflag:s23] =	ssyncadd.s32 $0xFFFFFFFF  }
0xa6: {  	s26 =	simm.s32 $execute0_lowered;
	[smem:$0x3FD2] =	sst s25  }
0xa7: {  	s6 =	sshll.u32 s26, $0x1;
	_ =	strace $0x80000046;
	[dreg:$0x1] =	wrdreg $0xFFFFFFFF  }
0xa8: {  	s28 =	simm.s32 $_size_execute0_lowered;
	s4 =	sadd.s32 s4, s6;
	[dreg:$0x0] =	wrdreg $0x0  }
0xa9: {  	s6 =	sshll.u32 s28, $0x1;
	[dreg:$0x2] =	wrdreg s4  }
0xaa: {  	[dreg:$0x3] =	wrdreg s6  }
0xab: {  	[dreg:$0x4] =	wrdreg $0xC0  }
0xac: {  	_ =	task [dreg:s8], $0x5FFFF  }
0xad: {  	[dreg:$0x1] =	wrdreg $0xFFFFFFFF  }
0xae: {  	[dreg:$0x0] =	wrdreg $0x60  }
0xaf: {  	[dreg:$0x2] =	wrdreg s2  }
0xb0: {  	[dreg:$0x3] =	wrdreg s18  }
0xb1: {  	[dreg:$0x4] =	wrdreg s24  }
0xb2: {  	[dreg:$0x5] =	wrdreg $0x9  }
0xb3: {  	_ =	task.clear_ibuf [dreg:s8], $0x6FFFF;
	_ =	strace $0x90000046  }
0xb4: {  	s29 =	simm.s32 $0x9;
	_ =	strace $0x80000048  }
0xb5: {  	_ =	swait.ge [sflag:s29], $0x1  }
0xb6: {  	[sflag:s29] =	ssyncadd.s32 $0xFFFFFFFF  }
0xb7: {  	_ =	strace $0x90000048  }
0xb8: {  	_ =	sfence  }
0xb9: {  	s30 =	sld [smem:$0x0];
	_ =	sdelay $0x2  }
0xba: {  	s31 =	sshll.u32 s1, $0xD;
	s1 =	sshrl.u32 s1, $0x2  }
0xbb: {  	s3 =	sand.u32 $0x4000, s31;
	s1 =	sadd.s32 s1, s30  }
0xbc: {  	s0 =	sor.u32 s3, s0;
	s1 =	sshll.u32 s1, $0x11  }
0xbd: {  	s0 =	sor.u32 s1, s0  }
0xbe: {  	s0 =	sadd.s32 $0x8F2B, s0  }
0xbf: {  	[sflag:s0] =	ssyncadd.remote.s32 $0x1  }
0xc0: {  	_ =	sfence.sel $0xFFFF  }
0xc1: {  	[dreg:$0x0] =	wrdreg $0xFFFFFFFF;
	(pc) =	sbr.abs _section_cstart, $3  }
0xc2: {  	[dreg:$0x1] =	wrdreg $0xFFFFFFFF  }
0xc3: {  	_ =	task.clear_ibuf [dreg:s8], $0x2FFFF;
	_ =	strace $0x9FFFFFFF  }
0xc4: {  	(tm) =	ssettm $0x7FFFFFFF  }
0xc5: {  	_ =	shalt  }
tec
execute0_lowered:
.L_overlay_start_1:
0x0: {  	(tag) =	ssettag $0x1  }
0x1: {  	s12 =	rddreg [dreg:$0x0]  }
0x2: {  	s2 =	rddreg [dreg:$0x1]  }
0x3: {  	s11 =	rddreg [dreg:$0x2]  }
0x4: {  	s4 =	srdreg.scid;
	s0 =	stileid.u32  }
0x5: {  	v0 =	vlaneseq.u32;
	s3 =	simm.s32 $0x0;
	s14 =	simm.s32 $0x7A1400;
	s15 =	simm.s32 $0x400  }
0x6: {  	s16 =	simm.s32 $0x1000;
	s17 =	simm.s32 $0x2000;
	s18 =	simm.s32 $0x1;
	v1 =	vmul.u32 $0x20, v0  }
0x7: {  	s19 =	simm.s32 $0x3000;
	s20 =	simm.s32 $0x2;
	s21 =	simm.s32 $0x4000;
	v2 =	vor.u32 $0x10, v0;
	v4 =	vor.u32 $0x20, v0;
	v6 =	vor.u32 $0x30, v0  }
0x8: {  	s22 =	simm.s32 $0x3;
	s23 =	simm.s32 $0x5000;
	s24 =	simm.s32 $0x6;
	v8 =	vor.u32 $0x40, v0;
	v10 =	vor.u32 $0x50, v0;
	v12 =	vor.u32 $0x60, v0  }
0x9: {  	s25 =	simm.s32 $0x4;
	s26 =	simm.s32 $0x0;
	s5 =	sand.u32 $0x1, s4;
	v14 =	vor.u32 $0x70, v0;
	v16 =	vor.u32 $0x800, v0;
	v18 =	vor.u32 $0x810, v0  }
0xa: {  	s31 =	sshll.u32 s0, $0x1;
	[smem:$0x7FF] =	sst s3;
	v20 =	vor.u32 $0x820, v0;
	v22 =	vor.u32 $0x830, v0;
	v24 =	vor.u32 $0x840, v0;
	p0 =	slt.u32 s0, $0x2  }
0xb: {  	v26 =	vor.u32 $0x850, v0;
	v28 =	vor.u32 $0x860, v0;
	p1 =	sgt.u32 s0, $0x1;
	v30 =	vor.u32 $0x870, v0;
	s4 =	sor.u32 s5, s31;
	_ =	strace $0x80000047  }
.Ltmp0:
0xc: {  	s7 =	ssub.s32 $0x2, s5;
	s5 =	sadd.s32 $0xC00, s11;
	v3 =	vor.u32 $0x200, v1;
	v5 =	vor.u32 $0x400, v1;
	v7 =	vor.u32 $0x600, v1;
	(pc) =	sbr.rel .LBB2_1-.Ltmp0, $4  }
0xd: {  	s11 =	sadd.s32 $0x3D1400, s11;
	s6 =	sshll.u32 s4, $0x7;
	s8 =	sshrl.u32 s7, $0x1;
	v9 =	vor.u32 $0x800, v1;
	v11 =	vor.u32 $0xA00, v1;
	v13 =	vor.u32 $0xC00, v1  }
0xe: {  	s9 =	sor.u32 $0x20, s4;
	s10 =	sor.u32 $0x40, s4;
	v15 =	vor.u32 $0xE00, v1;
	v17 =	vor.u32 $0x10, v1;
	v19 =	vor.u32 $0x210, v1;
	p2 =	sne.s32 s4, $0x0  }
0xf: {  	v21 =	vor.u32 $0x410, v1;
	v23 =	vor.u32 $0x610, v1;
	v25 =	vor.u32 $0x810, v1;
	s6 =	sadd.s32 s12, s6;
	s13 =	ssub.s32 s7, s8;
	s12 =	sadd.s32 $0x3000, s12  }
0x10: {  	v27 =	vor.u32 $0xA10, v1;
	v29 =	vor.u32 $0xC10, v1;
	v31 =	vor.u32 $0xE10, v1;
	s7 =	sadd.s32 $0x1000, s6;
	s8 =	sadd.s32 $0x2000, s6;
	s13 =	smax.u32 s13, $0x1  }
.LBB2_13:
0x11: {  	s0 =	simm.s32 @!p0 $0x5  }
0x12: {  	_ =	swait.ge @!p0 [sflag:s0], $0x1000  }
0x13: {  	[sflag:s0] =	ssyncset.done @!p0 $0x0  }
0x14: {  	[sflag:s0] =	ssyncadd.s32 @!p0 $0xFFFFF000  }
0x15: {  	_ =	swait.ge [sflag:s24], $0x1000  }
0x16: {  	[sflag:s24] =	ssyncset.done $0x0  }
0x17: {  	[sflag:s24] =	ssyncadd.s32 $0xFFFFF000  }
0x18: {  	_ =	swait.ge [sflag:s25], $0x1000  }
0x19: {  	[sflag:s25] =	ssyncset.done $0x0  }
0x1a: {  	s0 =	simm.s32 @!p1 $0x5;
	[sflag:s25] =	ssyncadd.s32 $0xFFFFF000  }
0x1b: {  	_ =	swait.ge @!p1 [sflag:s0], $0x1000  }
0x1c: {  	s1 =	simm.s32 @!p2 $0x6000;
	[sflag:s0] =	ssyncset.done @!p1 $0x0  }
0x1d: {  	s28 =	simm.s32 @!p2 $0x7;
	[sflag:s0] =	ssyncadd.s32 @!p1 $0xFFFFF000;
	s0 =	simm.s32 @!p2 $0x0  }
0x1e: {  	[tilespmem:s1], [sflag:$0x7] =	stream.linear.gather @!p2 [hbm4b:s2+s0], $0x800, $0x38;
	[tilespmem:$0x6800] =	vst v63  }
0x1f: {  	s26 =	sadd.s32 $0x1, s26;
	_ =	swait.ge @!p2 [sflag:s28], $0x800  }
0x20: {  	p3 =	sne.s32 s26, s13;
	[sflag:s28] =	ssyncset.done @!p2 $0x0  }
.Ltmp1:
0x21: {  	[sflag:s28] =	ssyncadd.s32 @!p2 $0xFFFFF800;
	(pc) =	sbr.rel @!p3 .LBB2_14-.Ltmp1, $4  }
0x22: {  	[hbm4b:s11+s0] =	stream.linear.scatter @!p2 [tilespmem:s1], [sflag:$0x7], $0x800, $0x38;
	[tilespmem:$0x6800] =	vst v63  }
0x23: {  	_ =	swait.ge @!p2 [sflag:s28], $0x800  }
0x24: {  	[sflag:s28] =	ssyncset.done @!p2 $0x0  }
0x25: {  	[sflag:s28] =	ssyncadd.s32 @!p2 $0xFFFFF800  }
.LBB2_1:
0x26: {  	[tilespmem:s3], [sflag:$0x1] =	stream.strided.gather [hbm4b:s6+s15], $0x1000, s14, s15, $0x38;
	[tilespmem:$0x6800] =	vst v63  }
.Ltmp2:
0x27: {  	_ = 	snop;
	(pc) =	sbr.rel .LBB2_2-.Ltmp2, $4  }
0x28: {  	_ = 	snop  }
0x29: {  	[tilespmem:s16], [sflag:$0x2] =	stream.strided.gather [hbm4b:s7+s15], $0x1000, s14, s15, $0x38;
	[tilespmem:$0x6800] =	vst v63  }
0x2a: {  	s28 =	simm.s32 $0x0  }
0x2b: {  	[tilespmem:s17], [sflag:$0x3] =	stream.strided.gather [hbm4b:s8+s15], $0x1000, s14, s15, $0x38;
	[tilespmem:$0x6800] =	vst v63  }
.LBB2_12:
0x2c: {  	s28 =	sadd.s32 $0x1, s28  }
0x2d: {  	p3 =	sne.s32 s28, $0x52  }
.Ltmp3:
0x2e: {  	_ = 	snop;
	(pc) =	sbr.rel @!p3 .LBB2_13-.Ltmp3, $1  }
0x2f: {  	_ =	sdelay $0x3  }
.LBB2_2:
0x30: {  	s29 =	simm.s32 $0x0  }
0x31: {  	v32 =	vadd.s32 s29, v0  }
0x32: {  	v33 =	vand.u32 $0xF, v32  }
0x33: {  	_ =	swait.ge [sflag:s18], $0x1000;
	v34 =	vshll.u32 v33, $0x7  }
0x34: {  	p3 =	seq.s32 s28, $0x0;
	[sflag:s18] =	ssyncset.done $0x0;
	v35 =	vor.u32 v0, v34  }
0x35: {  	s29 =	simm.s32 @!p3 $0x4;
	[sflag:s18] =	ssyncadd.s32 $0xFFFFF000  }
0x36: {  	_ =	swait.ge @!p3 [sflag:s29], $0x1000  }
0x37: {  	[sflag:s29] =	ssyncset.done @!p3 $0x0  }
0x38: {  	[sflag:s29] =	ssyncadd.s32 @!p3 $0xFFFFF000  }
0x39: {  	v36 =	vor.u32 v1, v33;
	v35 =	vld.idx.msk [tilespmem:v35+s3+$0x0], $0xffff  }
0x3a: {  	v37 =	vor.u32 v2, v34;
	_ =	sdelay $0x3  }
0x3b: {  	[tilespmem:v36+s19+$0x0] =	vst.idx.msk $0xffff, v35  }
0x3c: {  	v62 =	vor.u32 v3, v33;
	v35 =	vld.idx.msk [tilespmem:v37+s3+$0x0], $0xffff  }
0x3d: {  	v63 =	vor.u32 v4, v34;
	_ =	sdelay $0x3  }
0x3e: {  	[tilespmem:v62+s19+$0x0] =	vst.idx.msk $0xffff, v35  }
0x3f: {  	v40 =	vor.u32 v5, v33;
	v35 =	vld.idx.msk [tilespmem:v63+s3+$0x0], $0xffff  }
0x40: {  	v41 =	vor.u32 v6, v34;
	_ =	sdelay $0x3  }
0x41: {  	[tilespmem:v40+s19+$0x0] =	vst.idx.msk $0xffff, v35  }
0x42: {  	v42 =	vor.u32 v7, v33;
	v35 =	vld.idx.msk [tilespmem:v41+s3+$0x0], $0xffff  }
0x43: {  	v43 =	vor.u32 v8, v34;
	_ =	sdelay $0x3  }
0x44: {  	[tilespmem:v42+s19+$0x0] =	vst.idx.msk $0xffff, v35  }
0x45: {  	v44 =	vor.u32 v9, v33;
	v35 =	vld.idx.msk [tilespmem:v43+s3+$0x0], $0xffff  }
0x46: {  	v45 =	vor.u32 v10, v34;
	_ =	sdelay $0x3  }
0x47: {  	[tilespmem:v44+s19+$0x0] =	vst.idx.msk $0xffff, v35  }
0x48: {  	v46 =	vor.u32 v11, v33;
	v35 =	vld.idx.msk [tilespmem:v45+s3+$0x0], $0xffff  }
0x49: {  	v47 =	vor.u32 v12, v34;
	_ =	sdelay $0x3  }
0x4a: {  	[tilespmem:v46+s19+$0x0] =	vst.idx.msk $0xffff, v35  }
0x4b: {  	v48 =	vor.u32 v13, v33;
	v35 =	vld.idx.msk [tilespmem:v47+s3+$0x0], $0xffff  }
0x4c: {  	v49 =	vor.u32 v14, v34;
	_ =	sdelay $0x3  }
0x4d: {  	[tilespmem:v48+s19+$0x0] =	vst.idx.msk $0xffff, v35  }
0x4e: {  	v33 =	vor.u32 v15, v33;
	v35 =	vld.idx.msk [tilespmem:v49+s3+$0x0], $0xffff  }
0x4f: {  	v50 =	vor.u32 v16, v34;
	_ =	sdelay $0x3  }
0x50: {  	[tilespmem:v33+s19+$0x0] =	vst.idx.msk $0xffff, v35  }
0x51: {  	v51 =	vor.u32 v17, v32;
	v33 =	vld.idx.msk [tilespmem:v50+s3+$0x0], $0xffff  }
0x52: {  	v52 =	vor.u32 v18, v34;
	_ =	sdelay $0x3  }
0x53: {  	[tilespmem:v51+s19+$0x0] =	vst.idx.msk $0xffff, v33  }
0x54: {  	v53 =	vor.u32 v19, v32;
	v33 =	vld.idx.msk [tilespmem:v52+s3+$0x0], $0xffff  }
0x55: {  	v54 =	vor.u32 v20, v34;
	_ =	sdelay $0x3  }
0x56: {  	[tilespmem:v53+s19+$0x0] =	vst.idx.msk $0xffff, v33  }
0x57: {  	v55 =	vor.u32 v21, v32;
	v33 =	vld.idx.msk [tilespmem:v54+s3+$0x0], $0xffff  }
0x58: {  	v56 =	vor.u32 v22, v34;
	_ =	sdelay $0x3  }
0x59: {  	[tilespmem:v55+s19+$0x0] =	vst.idx.msk $0xffff, v33  }
0x5a: {  	v57 =	vor.u32 v23, v32;
	v33 =	vld.idx.msk [tilespmem:v56+s3+$0x0], $0xffff  }
0x5b: {  	v58 =	vor.u32 v24, v34;
	_ =	sdelay $0x3  }
0x5c: {  	[tilespmem:v57+s19+$0x0] =	vst.idx.msk $0xffff, v33  }
0x5d: {  	v59 =	vor.u32 v25, v32;
	v33 =	vld.idx.msk [tilespmem:v58+s3+$0x0], $0xffff  }
0x5e: {  	v60 =	vor.u32 v26, v34;
	_ =	sdelay $0x3  }
0x5f: {  	[tilespmem:v59+s19+$0x0] =	vst.idx.msk $0xffff, v33  }
0x60: {  	v61 =	vor.u32 v27, v32;
	v33 =	vld.idx.msk [tilespmem:v60+s3+$0x0], $0xffff  }
0x61: {  	v62 =	vor.u32 v28, v34;
	_ =	sdelay $0x3  }
0x62: {  	[tilespmem:v61+s19+$0x0] =	vst.idx.msk $0xffff, v33  }
0x63: {  	v63 =	vor.u32 v29, v32;
	v35 =	vld.idx.msk [tilespmem:v62+s3+$0x0], $0xffff  }
0x64: {  	v33 =	vor.u32 v30, v34;
	_ =	sdelay $0x1  }
0x65: {  	s29 =	smul.u32 $0x60, s28  }
0x66: {  	s31 =	simm.s32 $0x1  }
0x67: {  	s30 =	sor.u32 s4, s29;
	v34 =	vadd.s32 s31, v0;
	s31 =	simm.s32 $0x2;
	[tilespmem:v63+s19+$0x0] =	vst.idx.msk $0xffff, v35  }
.LBB2_3:
0x68: {  	p4 =	sne.s32 s31, $0xF;
	v35 =	vand.u32 $0xF, v34;
	v36 =	vld.idx.msk [tilespmem:v33+s3+$0x0], $0xffff  }
0x69: {  	v37 =	vor.u32 v31, v32;
	v32 =	vmov v34;
	v33 =	vshll.u32 v35, $0x7  }
0x6a: {  	v34 =	vor.u32 v0, v33;
	_ =	sdelay $0x3  }
0x6b: {  	[tilespmem:v37+s19+$0x0] =	vst.idx.msk $0xffff, v36  }
0x6c: {  	v34 =	vld.idx.msk [tilespmem:v34+s3+$0x0], $0xffff  }
0x6d: {  	v36 =	vor.u32 v1, v35  }
0x6e: {  	v37 =	vor.u32 v2, v33;
	_ =	sdelay $0x3  }
0x6f: {  	[tilespmem:v36+s19+$0x0] =	vst.idx.msk $0xffff, v34  }
0x70: {  	v34 =	vld.idx.msk [tilespmem:v37+s3+$0x0], $0xffff  }
0x71: {  	v36 =	vor.u32 v3, v35  }
0x72: {  	v37 =	vor.u32 v4, v33;
	_ =	sdelay $0x3  }
0x73: {  	[tilespmem:v36+s19+$0x0] =	vst.idx.msk $0xffff, v34  }
0x74: {  	v34 =	vld.idx.msk [tilespmem:v37+s3+$0x0], $0xffff  }
0x75: {  	v36 =	vor.u32 v5, v35  }
0x76: {  	v37 =	vor.u32 v6, v33;
	_ =	sdelay $0x3  }
0x77: {  	[tilespmem:v36+s19+$0x0] =	vst.idx.msk $0xffff, v34  }
0x78: {  	v34 =	vld.idx.msk [tilespmem:v37+s3+$0x0], $0xffff  }
0x79: {  	v36 =	vor.u32 v7, v35  }
0x7a: {  	v37 =	vor.u32 v8, v33;
	_ =	sdelay $0x3  }
0x7b: {  	[tilespmem:v36+s19+$0x0] =	vst.idx.msk $0xffff, v34  }
0x7c: {  	v34 =	vld.idx.msk [tilespmem:v37+s3+$0x0], $0xffff  }
0x7d: {  	v36 =	vor.u32 v9, v35  }
0x7e: {  	v37 =	vor.u32 v10, v33;
	_ =	sdelay $0x3  }
0x7f: {  	[tilespmem:v36+s19+$0x0] =	vst.idx.msk $0xffff, v34  }
0x80: {  	v34 =	vld.idx.msk [tilespmem:v37+s3+$0x0], $0xffff  }
0x81: {  	v36 =	vor.u32 v11, v35  }
0x82: {  	v37 =	vor.u32 v12, v33;
	_ =	sdelay $0x3  }
0x83: {  	[tilespmem:v36+s19+$0x0] =	vst.idx.msk $0xffff, v34  }
0x84: {  	v34 =	vld.idx.msk [tilespmem:v37+s3+$0x0], $0xffff  }
0x85: {  	v36 =	vor.u32 v13, v35  }
0x86: {  	v37 =	vor.u32 v14, v33;
	_ =	sdelay $0x3  }
0x87: {  	[tilespmem:v36+s19+$0x0] =	vst.idx.msk $0xffff, v34  }
0x88: {  	v34 =	vld.idx.msk [tilespmem:v37+s3+$0x0], $0xffff  }
0x89: {  	v35 =	vor.u32 v15, v35  }
0x8a: {  	v36 =	vor.u32 v16, v33;
	_ =	sdelay $0x3  }
0x8b: {  	[tilespmem:v35+s19+$0x0] =	vst.idx.msk $0xffff, v34  }
0x8c: {  	v34 =	vld.idx.msk [tilespmem:v36+s3+$0x0], $0xffff  }
0x8d: {  	v35 =	vor.u32 v17, v32  }
0x8e: {  	v36 =	vor.u32 v18, v33;
	_ =	sdelay $0x3  }
0x8f: {  	[tilespmem:v35+s19+$0x0] =	vst.idx.msk $0xffff, v34  }
0x90: {  	v34 =	vld.idx.msk [tilespmem:v36+s3+$0x0], $0xffff  }
0x91: {  	v35 =	vor.u32 v19, v32  }
0x92: {  	v36 =	vor.u32 v20, v33;
	_ =	sdelay $0x3  }
0x93: {  	[tilespmem:v35+s19+$0x0] =	vst.idx.msk $0xffff, v34  }
0x94: {  	v34 =	vld.idx.msk [tilespmem:v36+s3+$0x0], $0xffff  }
0x95: {  	v35 =	vor.u32 v21, v32  }
0x96: {  	v36 =	vor.u32 v22, v33;
	_ =	sdelay $0x3  }
0x97: {  	[tilespmem:v35+s19+$0x0] =	vst.idx.msk $0xffff, v34  }
0x98: {  	v34 =	vld.idx.msk [tilespmem:v36+s3+$0x0], $0xffff  }
0x99: {  	v35 =	vor.u32 v23, v32  }
0x9a: {  	v36 =	vor.u32 v24, v33;
	_ =	sdelay $0x3  }
0x9b: {  	[tilespmem:v35+s19+$0x0] =	vst.idx.msk $0xffff, v34  }
0x9c: {  	v34 =	vld.idx.msk [tilespmem:v36+s3+$0x0], $0xffff  }
0x9d: {  	v35 =	vor.u32 v25, v32  }
0x9e: {  	v36 =	vor.u32 v26, v33;
	_ =	sdelay $0x3  }
0x9f: {  	[tilespmem:v35+s19+$0x0] =	vst.idx.msk $0xffff, v34  }
0xa0: {  	v34 =	vld.idx.msk [tilespmem:v36+s3+$0x0], $0xffff  }
0xa1: {  	v35 =	vor.u32 v27, v32  }
0xa2: {  	v36 =	vor.u32 v28, v33;
	_ =	sdelay $0x3  }
0xa3: {  	[tilespmem:v35+s19+$0x0] =	vst.idx.msk $0xffff, v34  }
0xa4: {  	v35 =	vld.idx.msk [tilespmem:v36+s3+$0x0], $0xffff  }
0xa5: {  	v36 =	vor.u32 v29, v32  }
.Ltmp4:
0xa6: {  	v33 =	vor.u32 v30, v33;
	(pc) =	sbr.rel @p4 .LBB2_3-.Ltmp4, $2  }
0xa7: {  	_ =	sdelay $0x2  }
0xa8: {  	v34 =	vadd.s32 s31, v0;
	s31 =	sadd.s32 $0x1, s31;
	[tilespmem:v36+s19+$0x0] =	vst.idx.msk $0xffff, v35  }
0xa9: {  	_ =	sdelay $0x2  }
0xaa: {  	v35 =	vand.u32 $0xF, v34  }
0xab: {  	v33 =	vld.idx.msk [tilespmem:v33+s3+$0x0], $0xffff;
	v32 =	vor.u32 v31, v32;
	v36 =	vshll.u32 v35, $0x7  }
0xac: {  	v37 =	vor.u32 v0, v36;
	_ =	sdelay $0x3  }
0xad: {  	[tilespmem:v32+s19+$0x0] =	vst.idx.msk $0xffff, v33  }
0xae: {  	v57 =	vor.u32 v1, v35;
	v32 =	vld.idx.msk [tilespmem:v37+s3+$0x0], $0xffff  }
0xaf: {  	v58 =	vor.u32 v2, v36;
	_ =	sdelay $0x3  }
0xb0: {  	[tilespmem:v57+s19+$0x0] =	vst.idx.msk $0xffff, v32  }
0xb1: {  	v59 =	vor.u32 v3, v35;
	v32 =	vld.idx.msk [tilespmem:v58+s3+$0x0], $0xffff  }
0xb2: {  	v60 =	vor.u32 v4, v36;
	_ =	sdelay $0x3  }
0xb3: {  	[tilespmem:v59+s19+$0x0] =	vst.idx.msk $0xffff, v32  }
0xb4: {  	v61 =	vor.u32 v5, v35;
	v32 =	vld.idx.msk [tilespmem:v60+s3+$0x0], $0xffff  }
0xb5: {  	v62 =	vor.u32 v6, v36;
	_ =	sdelay $0x3  }
0xb6: {  	[tilespmem:v61+s19+$0x0] =	vst.idx.msk $0xffff, v32  }
0xb7: {  	v63 =	vor.u32 v7, v35;
	v32 =	vld.idx.msk [tilespmem:v62+s3+$0x0], $0xffff  }
0xb8: {  	v40 =	vor.u32 v8, v36;
	_ =	sdelay $0x3  }
0xb9: {  	[tilespmem:v63+s19+$0x0] =	vst.idx.msk $0xffff, v32  }
0xba: {  	v41 =	vor.u32 v9, v35;
	v32 =	vld.idx.msk [tilespmem:v40+s3+$0x0], $0xffff  }
0xbb: {  	v42 =	vor.u32 v10, v36;
	_ =	sdelay $0x3  }
0xbc: {  	[tilespmem:v41+s19+$0x0] =	vst.idx.msk $0xffff, v32  }
0xbd: {  	v43 =	vor.u32 v11, v35;
	v32 =	vld.idx.msk [tilespmem:v42+s3+$0x0], $0xffff  }
0xbe: {  	v44 =	vor.u32 v12, v36;
	_ =	sdelay $0x3  }
0xbf: {  	[tilespmem:v43+s19+$0x0] =	vst.idx.msk $0xffff, v32  }
0xc0: {  	v45 =	vor.u32 v13, v35;
	v32 =	vld.idx.msk [tilespmem:v44+s3+$0x0], $0xffff  }
0xc1: {  	v46 =	vor.u32 v14, v36;
	_ =	sdelay $0x3  }
0xc2: {  	[tilespmem:v45+s19+$0x0] =	vst.idx.msk $0xffff, v32  }
0xc3: {  	v47 =	vor.u32 v15, v35;
	v32 =	vld.idx.msk [tilespmem:v46+s3+$0x0], $0xffff  }
0xc4: {  	v48 =	vor.u32 v16, v36;
	_ =	sdelay $0x3  }
0xc5: {  	[tilespmem:v47+s19+$0x0] =	vst.idx.msk $0xffff, v32  }
0xc6: {  	v49 =	vor.u32 v17, v34;
	v32 =	vld.idx.msk [tilespmem:v48+s3+$0x0], $0xffff  }
0xc7: {  	v50 =	vor.u32 v18, v36;
	_ =	sdelay $0x3  }
0xc8: {  	[tilespmem:v49+s19+$0x0] =	vst.idx.msk $0xffff, v32  }
0xc9: {  	v51 =	vor.u32 v19, v34;
	v32 =	vld.idx.msk [tilespmem:v50+s3+$0x0], $0xffff  }
0xca: {  	v52 =	vor.u32 v20, v36;
	_ =	sdelay $0x3  }
0xcb: {  	[tilespmem:v51+s19+$0x0] =	vst.idx.msk $0xffff, v32  }
0xcc: {  	v53 =	vor.u32 v21, v34;
	v32 =	vld.idx.msk [tilespmem:v52+s3+$0x0], $0xffff  }
0xcd: {  	v54 =	vor.u32 v22, v36;
	_ =	sdelay $0x3  }
0xce: {  	[tilespmem:v53+s19+$0x0] =	vst.idx.msk $0xffff, v32  }
0xcf: {  	v55 =	vor.u32 v23, v34;
	v32 =	vld.idx.msk [tilespmem:v54+s3+$0x0], $0xffff  }
0xd0: {  	v56 =	vor.u32 v24, v36;
	_ =	sdelay $0x3  }
0xd1: {  	[tilespmem:v55+s19+$0x0] =	vst.idx.msk $0xffff, v32  }
0xd2: {  	v57 =	vor.u32 v25, v34;
	v32 =	vld.idx.msk [tilespmem:v56+s3+$0x0], $0xffff  }
0xd3: {  	v58 =	vor.u32 v26, v36;
	_ =	sdelay $0x3  }
0xd4: {  	[tilespmem:v57+s19+$0x0] =	vst.idx.msk $0xffff, v32  }
0xd5: {  	v59 =	vor.u32 v27, v34;
	v32 =	vld.idx.msk [tilespmem:v58+s3+$0x0], $0xffff  }
0xd6: {  	v60 =	vor.u32 v28, v36;
	_ =	sdelay $0x3  }
0xd7: {  	[tilespmem:v59+s19+$0x0] =	vst.idx.msk $0xffff, v32  }
0xd8: {  	v61 =	vor.u32 v29, v34;
	v32 =	vld.idx.msk [tilespmem:v60+s3+$0x0], $0xffff  }
0xd9: {  	v62 =	vor.u32 v30, v36;
	_ =	sdelay $0x3  }
0xda: {  	[tilespmem:v61+s19+$0x0] =	vst.idx.msk $0xffff, v32  }
0xdb: {  	v63 =	vor.u32 v31, v34;
	v32 =	vld.idx.msk [tilespmem:v62+s3+$0x0], $0xffff;
	_ =	sdelay $0x3  }
0xdc: {  	s31 =	sshll.u32 s30, $0x9;
	p4 =	sgt.u32 s30, $0x1E23  }
0xdd: {  	s31 =	sadd.s32 s5, s31;
	s30 =	sshll.u32 @!p4 s30, $0x7;
	s0 =	simm.s32 @!p4 $0x7A1400;
	[tilespmem:v63+s19+$0x0] =	vst.idx.msk $0xffff, v32  }
0xde: {  	[hbm4b:s31+s3] =	stream.linear.scatter [tilespmem:s19], [sflag:$0x4], $0x1000, $0x38;
	[tilespmem:$0x6800] =	vst v63  }
0xdf: {  	s1 =	simm.s32 @!p4 $0x0;
	s30 =	sadd.s32 @!p4 s30, s12;
	s31 =	simm.s32 @!p4 $0x400  }
0xe0: {  	[tilespmem:s1], [sflag:$0x1] =	stream.strided.gather @!p4 [hbm4b:s30+s31], $0x1000, s0, s31, $0x38;
	[tilespmem:$0x6800] =	vst v63  }
0xe1: {  	s30 =	sadd.s32 s9, s29  }
0xe2: {  	p4 =	sgt.u32 s30, $0x1E83  }
.Ltmp5:
0xe3: {  	_ = 	snop;
	(pc) =	sbr.rel @p4 .LBB2_8-.Ltmp5, $1  }
0xe4: {  	_ =	sdelay $0x3  }
0xe5: {  	s0 =	simm.s32 $0x0  }
0xe6: {  	v32 =	vadd.s32 s0, v0  }
0xe7: {  	v33 =	vand.u32 $0xF, v32  }
0xe8: {  	_ =	swait.ge [sflag:s20], $0x1000;
	v34 =	vshll.u32 v33, $0x7  }
0xe9: {  	[sflag:s20] =	ssyncset.done $0x0;
	v35 =	vor.u32 v0, v34  }
0xea: {  	s0 =	simm.s32 @!p3 $0x5;
	[sflag:s20] =	ssyncadd.s32 $0xFFFFF000  }
0xeb: {  	_ =	swait.ge @!p3 [sflag:s0], $0x1000  }
0xec: {  	[sflag:s0] =	ssyncset.done @!p3 $0x0  }
0xed: {  	[sflag:s0] =	ssyncadd.s32 @!p3 $0xFFFFF000  }
0xee: {  	v36 =	vor.u32 v1, v33;
	v35 =	vld.idx.msk [tilespmem:v35+s16+$0x0], $0xffff  }
0xef: {  	v37 =	vor.u32 v2, v34;
	_ =	sdelay $0x3  }
0xf0: {  	[tilespmem:v36+s21+$0x0] =	vst.idx.msk $0xffff, v35  }
0xf1: {  	v62 =	vor.u32 v3, v33;
	v35 =	vld.idx.msk [tilespmem:v37+s16+$0x0], $0xffff  }
0xf2: {  	v63 =	vor.u32 v4, v34;
	_ =	sdelay $0x3  }
0xf3: {  	[tilespmem:v62+s21+$0x0] =	vst.idx.msk $0xffff, v35  }
0xf4: {  	v40 =	vor.u32 v5, v33;
	v35 =	vld.idx.msk [tilespmem:v63+s16+$0x0], $0xffff  }
0xf5: {  	v41 =	vor.u32 v6, v34;
	_ =	sdelay $0x3  }
0xf6: {  	[tilespmem:v40+s21+$0x0] =	vst.idx.msk $0xffff, v35  }
0xf7: {  	v42 =	vor.u32 v7, v33;
	v35 =	vld.idx.msk [tilespmem:v41+s16+$0x0], $0xffff  }
0xf8: {  	v43 =	vor.u32 v8, v34;
	_ =	sdelay $0x3  }
0xf9: {  	[tilespmem:v42+s21+$0x0] =	vst.idx.msk $0xffff, v35  }
0xfa: {  	v44 =	vor.u32 v9, v33;
	v35 =	vld.idx.msk [tilespmem:v43+s16+$0x0], $0xffff  }
0xfb: {  	v45 =	vor.u32 v10, v34;
	_ =	sdelay $0x3  }
0xfc: {  	[tilespmem:v44+s21+$0x0] =	vst.idx.msk $0xffff, v35  }
0xfd: {  	v46 =	vor.u32 v11, v33;
	v35 =	vld.idx.msk [tilespmem:v45+s16+$0x0], $0xffff  }
0xfe: {  	v47 =	vor.u32 v12, v34;
	_ =	sdelay $0x3  }
0xff: {  	[tilespmem:v46+s21+$0x0] =	vst.idx.msk $0xffff, v35  }
0x100: {  	v48 =	vor.u32 v13, v33;
	v35 =	vld.idx.msk [tilespmem:v47+s16+$0x0], $0xffff  }
0x101: {  	v49 =	vor.u32 v14, v34;
	_ =	sdelay $0x3  }
0x102: {  	[tilespmem:v48+s21+$0x0] =	vst.idx.msk $0xffff, v35  }
0x103: {  	v33 =	vor.u32 v15, v33;
	v35 =	vld.idx.msk [tilespmem:v49+s16+$0x0], $0xffff  }
0x104: {  	v50 =	vor.u32 v16, v34;
	_ =	sdelay $0x3  }
0x105: {  	[tilespmem:v33+s21+$0x0] =	vst.idx.msk $0xffff, v35  }
0x106: {  	v51 =	vor.u32 v17, v32;
	v33 =	vld.idx.msk [tilespmem:v50+s16+$0x0], $0xffff  }
0x107: {  	v52 =	vor.u32 v18, v34;
	_ =	sdelay $0x3  }
0x108: {  	[tilespmem:v51+s21+$0x0] =	vst.idx.msk $0xffff, v33  }
0x109: {  	v53 =	vor.u32 v19, v32;
	v33 =	vld.idx.msk [tilespmem:v52+s16+$0x0], $0xffff  }
0x10a: {  	v54 =	vor.u32 v20, v34;
	_ =	sdelay $0x3  }
0x10b: {  	[tilespmem:v53+s21+$0x0] =	vst.idx.msk $0xffff, v33  }
0x10c: {  	v55 =	vor.u32 v21, v32;
	v33 =	vld.idx.msk [tilespmem:v54+s16+$0x0], $0xffff  }
0x10d: {  	v56 =	vor.u32 v22, v34;
	_ =	sdelay $0x3  }
0x10e: {  	[tilespmem:v55+s21+$0x0] =	vst.idx.msk $0xffff, v33  }
0x10f: {  	v57 =	vor.u32 v23, v32;
	v33 =	vld.idx.msk [tilespmem:v56+s16+$0x0], $0xffff  }
0x110: {  	v58 =	vor.u32 v24, v34;
	_ =	sdelay $0x3  }
0x111: {  	[tilespmem:v57+s21+$0x0] =	vst.idx.msk $0xffff, v33  }
0x112: {  	v59 =	vor.u32 v25, v32;
	v33 =	vld.idx.msk [tilespmem:v58+s16+$0x0], $0xffff  }
0x113: {  	v60 =	vor.u32 v26, v34;
	_ =	sdelay $0x3  }
0x114: {  	[tilespmem:v59+s21+$0x0] =	vst.idx.msk $0xffff, v33  }
0x115: {  	v61 =	vor.u32 v27, v32;
	v33 =	vld.idx.msk [tilespmem:v60+s16+$0x0], $0xffff  }
0x116: {  	v62 =	vor.u32 v28, v34;
	_ =	sdelay $0x3  }
0x117: {  	[tilespmem:v61+s21+$0x0] =	vst.idx.msk $0xffff, v33  }
0x118: {  	v63 =	vor.u32 v29, v32;
	v35 =	vld.idx.msk [tilespmem:v62+s16+$0x0], $0xffff  }
0x119: {  	v33 =	vor.u32 v30, v34;
	_ =	sdelay $0x2  }
0x11a: {  	s1 =	simm.s32 $0x1  }
0x11b: {  	s31 =	simm.s32 $0x2;
	v34 =	vadd.s32 s1, v0;
	[tilespmem:v63+s21+$0x0] =	vst.idx.msk $0xffff, v35  }
.LBB2_6:
0x11c: {  	p4 =	sne.s32 s31, $0xF;
	v35 =	vand.u32 $0xF, v34;
	v36 =	vld.idx.msk [tilespmem:v33+s16+$0x0], $0xffff  }
0x11d: {  	v37 =	vor.u32 v31, v32;
	v32 =	vmov v34;
	v33 =	vshll.u32 v35, $0x7  }
0x11e: {  	v34 =	vor.u32 v0, v33;
	_ =	sdelay $0x3  }
0x11f: {  	[tilespmem:v37+s21+$0x0] =	vst.idx.msk $0xffff, v36  }
0x120: {  	v34 =	vld.idx.msk [tilespmem:v34+s16+$0x0], $0xffff  }
0x121: {  	v36 =	vor.u32 v1, v35  }
0x122: {  	v37 =	vor.u32 v2, v33;
	_ =	sdelay $0x3  }
0x123: {  	[tilespmem:v36+s21+$0x0] =	vst.idx.msk $0xffff, v34  }
0x124: {  	v34 =	vld.idx.msk [tilespmem:v37+s16+$0x0], $0xffff  }
0x125: {  	v36 =	vor.u32 v3, v35  }
0x126: {  	v37 =	vor.u32 v4, v33;
	_ =	sdelay $0x3  }
0x127: {  	[tilespmem:v36+s21+$0x0] =	vst.idx.msk $0xffff, v34  }
0x128: {  	v34 =	vld.idx.msk [tilespmem:v37+s16+$0x0], $0xffff  }
0x129: {  	v36 =	vor.u32 v5, v35  }
0x12a: {  	v37 =	vor.u32 v6, v33;
	_ =	sdelay $0x3  }
0x12b: {  	[tilespmem:v36+s21+$0x0] =	vst.idx.msk $0xffff, v34  }
0x12c: {  	v34 =	vld.idx.msk [tilespmem:v37+s16+$0x0], $0xffff  }
0x12d: {  	v36 =	vor.u32 v7, v35  }
0x12e: {  	v37 =	vor.u32 v8, v33;
	_ =	sdelay $0x3  }
0x12f: {  	[tilespmem:v36+s21+$0x0] =	vst.idx.msk $0xffff, v34  }
0x130: {  	v34 =	vld.idx.msk [tilespmem:v37+s16+$0x0], $0xffff  }
0x131: {  	v36 =	vor.u32 v9, v35  }
0x132: {  	v37 =	vor.u32 v10, v33;
	_ =	sdelay $0x3  }
0x133: {  	[tilespmem:v36+s21+$0x0] =	vst.idx.msk $0xffff, v34  }
0x134: {  	v34 =	vld.idx.msk [tilespmem:v37+s16+$0x0], $0xffff  }
0x135: {  	v36 =	vor.u32 v11, v35  }
0x136: {  	v37 =	vor.u32 v12, v33;
	_ =	sdelay $0x3  }
0x137: {  	[tilespmem:v36+s21+$0x0] =	vst.idx.msk $0xffff, v34  }
0x138: {  	v34 =	vld.idx.msk [tilespmem:v37+s16+$0x0], $0xffff  }
0x139: {  	v36 =	vor.u32 v13, v35  }
0x13a: {  	v37 =	vor.u32 v14, v33;
	_ =	sdelay $0x3  }
0x13b: {  	[tilespmem:v36+s21+$0x0] =	vst.idx.msk $0xffff, v34  }
0x13c: {  	v34 =	vld.idx.msk [tilespmem:v37+s16+$0x0], $0xffff  }
0x13d: {  	v35 =	vor.u32 v15, v35  }
0x13e: {  	v36 =	vor.u32 v16, v33;
	_ =	sdelay $0x3  }
0x13f: {  	[tilespmem:v35+s21+$0x0] =	vst.idx.msk $0xffff, v34  }
0x140: {  	v34 =	vld.idx.msk [tilespmem:v36+s16+$0x0], $0xffff  }
0x141: {  	v35 =	vor.u32 v17, v32  }
0x142: {  	v36 =	vor.u32 v18, v33;
	_ =	sdelay $0x3  }
0x143: {  	[tilespmem:v35+s21+$0x0] =	vst.idx.msk $0xffff, v34  }
0x144: {  	v34 =	vld.idx.msk [tilespmem:v36+s16+$0x0], $0xffff  }
0x145: {  	v35 =	vor.u32 v19, v32  }
0x146: {  	v36 =	vor.u32 v20, v33;
	_ =	sdelay $0x3  }
0x147: {  	[tilespmem:v35+s21+$0x0] =	vst.idx.msk $0xffff, v34  }
0x148: {  	v34 =	vld.idx.msk [tilespmem:v36+s16+$0x0], $0xffff  }
0x149: {  	v35 =	vor.u32 v21, v32  }
0x14a: {  	v36 =	vor.u32 v22, v33;
	_ =	sdelay $0x3  }
0x14b: {  	[tilespmem:v35+s21+$0x0] =	vst.idx.msk $0xffff, v34  }
0x14c: {  	v34 =	vld.idx.msk [tilespmem:v36+s16+$0x0], $0xffff  }
0x14d: {  	v35 =	vor.u32 v23, v32  }
0x14e: {  	v36 =	vor.u32 v24, v33;
	_ =	sdelay $0x3  }
0x14f: {  	[tilespmem:v35+s21+$0x0] =	vst.idx.msk $0xffff, v34  }
0x150: {  	v34 =	vld.idx.msk [tilespmem:v36+s16+$0x0], $0xffff  }
0x151: {  	v35 =	vor.u32 v25, v32  }
0x152: {  	v36 =	vor.u32 v26, v33;
	_ =	sdelay $0x3  }
0x153: {  	[tilespmem:v35+s21+$0x0] =	vst.idx.msk $0xffff, v34  }
0x154: {  	v34 =	vld.idx.msk [tilespmem:v36+s16+$0x0], $0xffff  }
0x155: {  	v35 =	vor.u32 v27, v32  }
0x156: {  	v36 =	vor.u32 v28, v33;
	_ =	sdelay $0x3  }
0x157: {  	[tilespmem:v35+s21+$0x0] =	vst.idx.msk $0xffff, v34  }
0x158: {  	v35 =	vld.idx.msk [tilespmem:v36+s16+$0x0], $0xffff  }
0x159: {  	v36 =	vor.u32 v29, v32  }
.Ltmp6:
0x15a: {  	v33 =	vor.u32 v30, v33;
	(pc) =	sbr.rel @p4 .LBB2_6-.Ltmp6, $2  }
0x15b: {  	_ =	sdelay $0x2  }
0x15c: {  	v34 =	vadd.s32 s31, v0;
	s31 =	sadd.s32 $0x1, s31;
	[tilespmem:v36+s21+$0x0] =	vst.idx.msk $0xffff, v35  }
0x15d: {  	_ =	sdelay $0x2  }
0x15e: {  	v35 =	vand.u32 $0xF, v34  }
0x15f: {  	v33 =	vld.idx.msk [tilespmem:v33+s16+$0x0], $0xffff;
	v32 =	vor.u32 v31, v32;
	v36 =	vshll.u32 v35, $0x7  }
0x160: {  	v37 =	vor.u32 v0, v36;
	_ =	sdelay $0x3  }
0x161: {  	[tilespmem:v32+s21+$0x0] =	vst.idx.msk $0xffff, v33  }
0x162: {  	v57 =	vor.u32 v1, v35;
	v32 =	vld.idx.msk [tilespmem:v37+s16+$0x0], $0xffff  }
0x163: {  	v58 =	vor.u32 v2, v36;
	_ =	sdelay $0x3  }
0x164: {  	[tilespmem:v57+s21+$0x0] =	vst.idx.msk $0xffff, v32  }
0x165: {  	v59 =	vor.u32 v3, v35;
	v32 =	vld.idx.msk [tilespmem:v58+s16+$0x0], $0xffff  }
0x166: {  	v60 =	vor.u32 v4, v36;
	_ =	sdelay $0x3  }
0x167: {  	[tilespmem:v59+s21+$0x0] =	vst.idx.msk $0xffff, v32  }
0x168: {  	v61 =	vor.u32 v5, v35;
	v32 =	vld.idx.msk [tilespmem:v60+s16+$0x0], $0xffff  }
0x169: {  	v62 =	vor.u32 v6, v36;
	_ =	sdelay $0x3  }
0x16a: {  	[tilespmem:v61+s21+$0x0] =	vst.idx.msk $0xffff, v32  }
0x16b: {  	v63 =	vor.u32 v7, v35;
	v32 =	vld.idx.msk [tilespmem:v62+s16+$0x0], $0xffff  }
0x16c: {  	v40 =	vor.u32 v8, v36;
	_ =	sdelay $0x3  }
0x16d: {  	[tilespmem:v63+s21+$0x0] =	vst.idx.msk $0xffff, v32  }
0x16e: {  	v41 =	vor.u32 v9, v35;
	v32 =	vld.idx.msk [tilespmem:v40+s16+$0x0], $0xffff  }
0x16f: {  	v42 =	vor.u32 v10, v36;
	_ =	sdelay $0x3  }
0x170: {  	[tilespmem:v41+s21+$0x0] =	vst.idx.msk $0xffff, v32  }
0x171: {  	v43 =	vor.u32 v11, v35;
	v32 =	vld.idx.msk [tilespmem:v42+s16+$0x0], $0xffff  }
0x172: {  	v44 =	vor.u32 v12, v36;
	_ =	sdelay $0x3  }
0x173: {  	[tilespmem:v43+s21+$0x0] =	vst.idx.msk $0xffff, v32  }
0x174: {  	v45 =	vor.u32 v13, v35;
	v32 =	vld.idx.msk [tilespmem:v44+s16+$0x0], $0xffff  }
0x175: {  	v46 =	vor.u32 v14, v36;
	_ =	sdelay $0x3  }
0x176: {  	[tilespmem:v45+s21+$0x0] =	vst.idx.msk $0xffff, v32  }
0x177: {  	v47 =	vor.u32 v15, v35;
	v32 =	vld.idx.msk [tilespmem:v46+s16+$0x0], $0xffff  }
0x178: {  	v48 =	vor.u32 v16, v36;
	_ =	sdelay $0x3  }
0x179: {  	[tilespmem:v47+s21+$0x0] =	vst.idx.msk $0xffff, v32  }
0x17a: {  	v49 =	vor.u32 v17, v34;
	v32 =	vld.idx.msk [tilespmem:v48+s16+$0x0], $0xffff  }
0x17b: {  	v50 =	vor.u32 v18, v36;
	_ =	sdelay $0x3  }
0x17c: {  	[tilespmem:v49+s21+$0x0] =	vst.idx.msk $0xffff, v32  }
0x17d: {  	v51 =	vor.u32 v19, v34;
	v32 =	vld.idx.msk [tilespmem:v50+s16+$0x0], $0xffff  }
0x17e: {  	v52 =	vor.u32 v20, v36;
	_ =	sdelay $0x3  }
0x17f: {  	[tilespmem:v51+s21+$0x0] =	vst.idx.msk $0xffff, v32  }
0x180: {  	v53 =	vor.u32 v21, v34;
	v32 =	vld.idx.msk [tilespmem:v52+s16+$0x0], $0xffff  }
0x181: {  	v54 =	vor.u32 v22, v36;
	_ =	sdelay $0x3  }
0x182: {  	[tilespmem:v53+s21+$0x0] =	vst.idx.msk $0xffff, v32  }
0x183: {  	v55 =	vor.u32 v23, v34;
	v32 =	vld.idx.msk [tilespmem:v54+s16+$0x0], $0xffff  }
0x184: {  	v56 =	vor.u32 v24, v36;
	_ =	sdelay $0x3  }
0x185: {  	[tilespmem:v55+s21+$0x0] =	vst.idx.msk $0xffff, v32  }
0x186: {  	v57 =	vor.u32 v25, v34;
	v32 =	vld.idx.msk [tilespmem:v56+s16+$0x0], $0xffff  }
0x187: {  	v58 =	vor.u32 v26, v36;
	_ =	sdelay $0x3  }
0x188: {  	[tilespmem:v57+s21+$0x0] =	vst.idx.msk $0xffff, v32  }
0x189: {  	v59 =	vor.u32 v27, v34;
	v32 =	vld.idx.msk [tilespmem:v58+s16+$0x0], $0xffff  }
0x18a: {  	v60 =	vor.u32 v28, v36;
	_ =	sdelay $0x3  }
0x18b: {  	[tilespmem:v59+s21+$0x0] =	vst.idx.msk $0xffff, v32  }
0x18c: {  	v61 =	vor.u32 v29, v34;
	v32 =	vld.idx.msk [tilespmem:v60+s16+$0x0], $0xffff  }
0x18d: {  	v62 =	vor.u32 v30, v36;
	_ =	sdelay $0x3  }
0x18e: {  	[tilespmem:v61+s21+$0x0] =	vst.idx.msk $0xffff, v32  }
0x18f: {  	v63 =	vor.u32 v31, v34;
	v32 =	vld.idx.msk [tilespmem:v62+s16+$0x0], $0xffff;
	_ =	sdelay $0x3  }
0x190: {  	s0 =	sshll.u32 s30, $0x9  }
0x191: {  	p4 =	sgt.u32 s30, $0x1E23;
	s0 =	sadd.s32 s5, s0;
	[tilespmem:v63+s21+$0x0] =	vst.idx.msk $0xffff, v32  }
0x192: {  	[hbm4b:s0+s3] =	stream.linear.scatter [tilespmem:s21], [sflag:$0x5], $0x1000, $0x38;
	[tilespmem:$0x6800] =	vst v63  }
0x193: {  	s1 =	simm.s32 @!p4 $0x400;
	s0 =	sshll.u32 @!p4 s30, $0x7  }
0x194: {  	s31 =	simm.s32 @!p4 $0x1000;
	s30 =	simm.s32 @!p4 $0x7A1400;
	s0 =	sadd.s32 @!p4 s0, s12  }
0x195: {  	[tilespmem:s31], [sflag:$0x2] =	stream.strided.gather @!p4 [hbm4b:s0+s1], $0x1000, s30, s1, $0x38;
	[tilespmem:$0x6800] =	vst v63  }
.LBB2_8:
0x196: {  	s29 =	sadd.s32 s10, s29  }
0x197: {  	p4 =	sgt.u32 s29, $0x1E83  }
.Ltmp7:
0x198: {  	_ = 	snop;
	(pc) =	sbr.rel @p4 .LBB2_12-.Ltmp7, $1  }
0x199: {  	_ =	sdelay $0x3  }
0x19a: {  	s0 =	simm.s32 $0x0  }
0x19b: {  	v32 =	vadd.s32 s0, v0  }
0x19c: {  	v33 =	vand.u32 $0xF, v32  }
0x19d: {  	_ =	swait.ge [sflag:s22], $0x1000;
	v34 =	vshll.u32 v33, $0x7  }
0x19e: {  	[sflag:s22] =	ssyncset.done $0x0;
	v35 =	vor.u32 v0, v34  }
0x19f: {  	s0 =	simm.s32 @!p3 $0x6;
	[sflag:s22] =	ssyncadd.s32 $0xFFFFF000  }
0x1a0: {  	_ =	swait.ge @!p3 [sflag:s0], $0x1000  }
0x1a1: {  	[sflag:s0] =	ssyncset.done @!p3 $0x0  }
0x1a2: {  	[sflag:s0] =	ssyncadd.s32 @!p3 $0xFFFFF000  }
0x1a3: {  	v36 =	vor.u32 v1, v33;
	v35 =	vld.idx.msk [tilespmem:v35+s17+$0x0], $0xffff  }
0x1a4: {  	v37 =	vor.u32 v2, v34;
	_ =	sdelay $0x3  }
0x1a5: {  	[tilespmem:v36+s23+$0x0] =	vst.idx.msk $0xffff, v35  }
0x1a6: {  	v62 =	vor.u32 v3, v33;
	v35 =	vld.idx.msk [tilespmem:v37+s17+$0x0], $0xffff  }
0x1a7: {  	v63 =	vor.u32 v4, v34;
	_ =	sdelay $0x3  }
0x1a8: {  	[tilespmem:v62+s23+$0x0] =	vst.idx.msk $0xffff, v35  }
0x1a9: {  	v40 =	vor.u32 v5, v33;
	v35 =	vld.idx.msk [tilespmem:v63+s17+$0x0], $0xffff  }
0x1aa: {  	v41 =	vor.u32 v6, v34;
	_ =	sdelay $0x3  }
0x1ab: {  	[tilespmem:v40+s23+$0x0] =	vst.idx.msk $0xffff, v35  }
0x1ac: {  	v42 =	vor.u32 v7, v33;
	v35 =	vld.idx.msk [tilespmem:v41+s17+$0x0], $0xffff  }
0x1ad: {  	v43 =	vor.u32 v8, v34;
	_ =	sdelay $0x3  }
0x1ae: {  	[tilespmem:v42+s23+$0x0] =	vst.idx.msk $0xffff, v35  }
0x1af: {  	v44 =	vor.u32 v9, v33;
	v35 =	vld.idx.msk [tilespmem:v43+s17+$0x0], $0xffff  }
0x1b0: {  	v45 =	vor.u32 v10, v34;
	_ =	sdelay $0x3  }
0x1b1: {  	[tilespmem:v44+s23+$0x0] =	vst.idx.msk $0xffff, v35  }
0x1b2: {  	v46 =	vor.u32 v11, v33;
	v35 =	vld.idx.msk [tilespmem:v45+s17+$0x0], $0xffff  }
0x1b3: {  	v47 =	vor.u32 v12, v34;
	_ =	sdelay $0x3  }
0x1b4: {  	[tilespmem:v46+s23+$0x0] =	vst.idx.msk $0xffff, v35  }
0x1b5: {  	v48 =	vor.u32 v13, v33;
	v35 =	vld.idx.msk [tilespmem:v47+s17+$0x0], $0xffff  }
0x1b6: {  	v49 =	vor.u32 v14, v34;
	_ =	sdelay $0x3  }
0x1b7: {  	[tilespmem:v48+s23+$0x0] =	vst.idx.msk $0xffff, v35  }
0x1b8: {  	v33 =	vor.u32 v15, v33;
	v35 =	vld.idx.msk [tilespmem:v49+s17+$0x0], $0xffff  }
0x1b9: {  	v50 =	vor.u32 v16, v34;
	_ =	sdelay $0x3  }
0x1ba: {  	[tilespmem:v33+s23+$0x0] =	vst.idx.msk $0xffff, v35  }
0x1bb: {  	v51 =	vor.u32 v17, v32;
	v33 =	vld.idx.msk [tilespmem:v50+s17+$0x0], $0xffff  }
0x1bc: {  	v52 =	vor.u32 v18, v34;
	_ =	sdelay $0x3  }
0x1bd: {  	[tilespmem:v51+s23+$0x0] =	vst.idx.msk $0xffff, v33  }
0x1be: {  	v53 =	vor.u32 v19, v32;
	v33 =	vld.idx.msk [tilespmem:v52+s17+$0x0], $0xffff  }
0x1bf: {  	v54 =	vor.u32 v20, v34;
	_ =	sdelay $0x3  }
0x1c0: {  	[tilespmem:v53+s23+$0x0] =	vst.idx.msk $0xffff, v33  }
0x1c1: {  	v55 =	vor.u32 v21, v32;
	v33 =	vld.idx.msk [tilespmem:v54+s17+$0x0], $0xffff  }
0x1c2: {  	v56 =	vor.u32 v22, v34;
	_ =	sdelay $0x3  }
0x1c3: {  	[tilespmem:v55+s23+$0x0] =	vst.idx.msk $0xffff, v33  }
0x1c4: {  	v57 =	vor.u32 v23, v32;
	v33 =	vld.idx.msk [tilespmem:v56+s17+$0x0], $0xffff  }
0x1c5: {  	v58 =	vor.u32 v24, v34;
	_ =	sdelay $0x3  }
0x1c6: {  	[tilespmem:v57+s23+$0x0] =	vst.idx.msk $0xffff, v33  }
0x1c7: {  	v59 =	vor.u32 v25, v32;
	v33 =	vld.idx.msk [tilespmem:v58+s17+$0x0], $0xffff  }
0x1c8: {  	v60 =	vor.u32 v26, v34;
	_ =	sdelay $0x3  }
0x1c9: {  	[tilespmem:v59+s23+$0x0] =	vst.idx.msk $0xffff, v33  }
0x1ca: {  	v61 =	vor.u32 v27, v32;
	v33 =	vld.idx.msk [tilespmem:v60+s17+$0x0], $0xffff  }
0x1cb: {  	v62 =	vor.u32 v28, v34;
	_ =	sdelay $0x3  }
0x1cc: {  	[tilespmem:v61+s23+$0x0] =	vst.idx.msk $0xffff, v33  }
0x1cd: {  	v63 =	vor.u32 v29, v32;
	v35 =	vld.idx.msk [tilespmem:v62+s17+$0x0], $0xffff  }
0x1ce: {  	v33 =	vor.u32 v30, v34;
	_ =	sdelay $0x2  }
0x1cf: {  	s31 =	simm.s32 $0x1  }
0x1d0: {  	s30 =	simm.s32 $0x2;
	v34 =	vadd.s32 s31, v0;
	[tilespmem:v63+s23+$0x0] =	vst.idx.msk $0xffff, v35  }
.LBB2_10:
0x1d1: {  	p3 =	sne.s32 s30, $0xF;
	v35 =	vand.u32 $0xF, v34;
	v36 =	vld.idx.msk [tilespmem:v33+s17+$0x0], $0xffff  }
0x1d2: {  	v37 =	vor.u32 v31, v32;
	v32 =	vmov v34;
	v33 =	vshll.u32 v35, $0x7  }
0x1d3: {  	v34 =	vor.u32 v0, v33;
	_ =	sdelay $0x3  }
0x1d4: {  	[tilespmem:v37+s23+$0x0] =	vst.idx.msk $0xffff, v36  }
0x1d5: {  	v34 =	vld.idx.msk [tilespmem:v34+s17+$0x0], $0xffff  }
0x1d6: {  	v36 =	vor.u32 v1, v35  }
0x1d7: {  	v37 =	vor.u32 v2, v33;
	_ =	sdelay $0x3  }
0x1d8: {  	[tilespmem:v36+s23+$0x0] =	vst.idx.msk $0xffff, v34  }
0x1d9: {  	v34 =	vld.idx.msk [tilespmem:v37+s17+$0x0], $0xffff  }
0x1da: {  	v36 =	vor.u32 v3, v35  }
0x1db: {  	v37 =	vor.u32 v4, v33;
	_ =	sdelay $0x3  }
0x1dc: {  	[tilespmem:v36+s23+$0x0] =	vst.idx.msk $0xffff, v34  }
0x1dd: {  	v34 =	vld.idx.msk [tilespmem:v37+s17+$0x0], $0xffff  }
0x1de: {  	v36 =	vor.u32 v5, v35  }
0x1df: {  	v37 =	vor.u32 v6, v33;
	_ =	sdelay $0x3  }
0x1e0: {  	[tilespmem:v36+s23+$0x0] =	vst.idx.msk $0xffff, v34  }
0x1e1: {  	v34 =	vld.idx.msk [tilespmem:v37+s17+$0x0], $0xffff  }
0x1e2: {  	v36 =	vor.u32 v7, v35  }
0x1e3: {  	v37 =	vor.u32 v8, v33;
	_ =	sdelay $0x3  }
0x1e4: {  	[tilespmem:v36+s23+$0x0] =	vst.idx.msk $0xffff, v34  }
0x1e5: {  	v34 =	vld.idx.msk [tilespmem:v37+s17+$0x0], $0xffff  }
0x1e6: {  	v36 =	vor.u32 v9, v35  }
0x1e7: {  	v37 =	vor.u32 v10, v33;
	_ =	sdelay $0x3  }
0x1e8: {  	[tilespmem:v36+s23+$0x0] =	vst.idx.msk $0xffff, v34  }
0x1e9: {  	v34 =	vld.idx.msk [tilespmem:v37+s17+$0x0], $0xffff  }
0x1ea: {  	v36 =	vor.u32 v11, v35  }
0x1eb: {  	v37 =	vor.u32 v12, v33;
	_ =	sdelay $0x3  }
0x1ec: {  	[tilespmem:v36+s23+$0x0] =	vst.idx.msk $0xffff, v34  }
0x1ed: {  	v34 =	vld.idx.msk [tilespmem:v37+s17+$0x0], $0xffff  }
0x1ee: {  	v36 =	vor.u32 v13, v35  }
0x1ef: {  	v37 =	vor.u32 v14, v33;
	_ =	sdelay $0x3  }
0x1f0: {  	[tilespmem:v36+s23+$0x0] =	vst.idx.msk $0xffff, v34  }
0x1f1: {  	v34 =	vld.idx.msk [tilespmem:v37+s17+$0x0], $0xffff  }
0x1f2: {  	v35 =	vor.u32 v15, v35  }
0x1f3: {  	v36 =	vor.u32 v16, v33;
	_ =	sdelay $0x3  }
0x1f4: {  	[tilespmem:v35+s23+$0x0] =	vst.idx.msk $0xffff, v34  }
0x1f5: {  	v34 =	vld.idx.msk [tilespmem:v36+s17+$0x0], $0xffff  }
0x1f6: {  	v35 =	vor.u32 v17, v32  }
0x1f7: {  	v36 =	vor.u32 v18, v33;
	_ =	sdelay $0x3  }
0x1f8: {  	[tilespmem:v35+s23+$0x0] =	vst.idx.msk $0xffff, v34  }
0x1f9: {  	v34 =	vld.idx.msk [tilespmem:v36+s17+$0x0], $0xffff  }
0x1fa: {  	v35 =	vor.u32 v19, v32  }
0x1fb: {  	v36 =	vor.u32 v20, v33;
	_ =	sdelay $0x3  }
0x1fc: {  	[tilespmem:v35+s23+$0x0] =	vst.idx.msk $0xffff, v34  }
0x1fd: {  	v34 =	vld.idx.msk [tilespmem:v36+s17+$0x0], $0xffff  }
0x1fe: {  	v35 =	vor.u32 v21, v32  }
0x1ff: {  	v36 =	vor.u32 v22, v33;
	_ =	sdelay $0x3  }
0x200: {  	[tilespmem:v35+s23+$0x0] =	vst.idx.msk $0xffff, v34  }
0x201: {  	v34 =	vld.idx.msk [tilespmem:v36+s17+$0x0], $0xffff  }
0x202: {  	v35 =	vor.u32 v23, v32  }
0x203: {  	v36 =	vor.u32 v24, v33;
	_ =	sdelay $0x3  }
0x204: {  	[tilespmem:v35+s23+$0x0] =	vst.idx.msk $0xffff, v34  }
0x205: {  	v34 =	vld.idx.msk [tilespmem:v36+s17+$0x0], $0xffff  }
0x206: {  	v35 =	vor.u32 v25, v32  }
0x207: {  	v36 =	vor.u32 v26, v33;
	_ =	sdelay $0x3  }
0x208: {  	[tilespmem:v35+s23+$0x0] =	vst.idx.msk $0xffff, v34  }
0x209: {  	v34 =	vld.idx.msk [tilespmem:v36+s17+$0x0], $0xffff  }
0x20a: {  	v35 =	vor.u32 v27, v32  }
0x20b: {  	v36 =	vor.u32 v28, v33;
	_ =	sdelay $0x3  }
0x20c: {  	[tilespmem:v35+s23+$0x0] =	vst.idx.msk $0xffff, v34  }
0x20d: {  	v35 =	vld.idx.msk [tilespmem:v36+s17+$0x0], $0xffff  }
0x20e: {  	v36 =	vor.u32 v29, v32  }
.Ltmp8:
0x20f: {  	v33 =	vor.u32 v30, v33;
	(pc) =	sbr.rel @p3 .LBB2_10-.Ltmp8, $2  }
0x210: {  	_ =	sdelay $0x2  }
0x211: {  	v34 =	vadd.s32 s30, v0;
	s30 =	sadd.s32 $0x1, s30;
	[tilespmem:v36+s23+$0x0] =	vst.idx.msk $0xffff, v35  }
0x212: {  	_ =	sdelay $0x2  }
0x213: {  	v35 =	vand.u32 $0xF, v34  }
0x214: {  	v33 =	vld.idx.msk [tilespmem:v33+s17+$0x0], $0xffff;
	v32 =	vor.u32 v31, v32;
	v36 =	vshll.u32 v35, $0x7  }
0x215: {  	v37 =	vor.u32 v0, v36;
	_ =	sdelay $0x3  }
0x216: {  	[tilespmem:v32+s23+$0x0] =	vst.idx.msk $0xffff, v33  }
0x217: {  	v57 =	vor.u32 v1, v35;
	v32 =	vld.idx.msk [tilespmem:v37+s17+$0x0], $0xffff  }
0x218: {  	v58 =	vor.u32 v2, v36;
	_ =	sdelay $0x3  }
0x219: {  	[tilespmem:v57+s23+$0x0] =	vst.idx.msk $0xffff, v32  }
0x21a: {  	v59 =	vor.u32 v3, v35;
	v32 =	vld.idx.msk [tilespmem:v58+s17+$0x0], $0xffff  }
0x21b: {  	v60 =	vor.u32 v4, v36;
	_ =	sdelay $0x3  }
0x21c: {  	[tilespmem:v59+s23+$0x0] =	vst.idx.msk $0xffff, v32  }
0x21d: {  	v61 =	vor.u32 v5, v35;
	v32 =	vld.idx.msk [tilespmem:v60+s17+$0x0], $0xffff  }
0x21e: {  	v62 =	vor.u32 v6, v36;
	_ =	sdelay $0x3  }
0x21f: {  	[tilespmem:v61+s23+$0x0] =	vst.idx.msk $0xffff, v32  }
0x220: {  	v63 =	vor.u32 v7, v35;
	v32 =	vld.idx.msk [tilespmem:v62+s17+$0x0], $0xffff  }
0x221: {  	v40 =	vor.u32 v8, v36;
	_ =	sdelay $0x3  }
0x222: {  	[tilespmem:v63+s23+$0x0] =	vst.idx.msk $0xffff, v32  }
0x223: {  	v41 =	vor.u32 v9, v35;
	v32 =	vld.idx.msk [tilespmem:v40+s17+$0x0], $0xffff  }
0x224: {  	v42 =	vor.u32 v10, v36;
	_ =	sdelay $0x3  }
0x225: {  	[tilespmem:v41+s23+$0x0] =	vst.idx.msk $0xffff, v32  }
0x226: {  	v43 =	vor.u32 v11, v35;
	v32 =	vld.idx.msk [tilespmem:v42+s17+$0x0], $0xffff  }
0x227: {  	v44 =	vor.u32 v12, v36;
	_ =	sdelay $0x3  }
0x228: {  	[tilespmem:v43+s23+$0x0] =	vst.idx.msk $0xffff, v32  }
0x229: {  	v45 =	vor.u32 v13, v35;
	v32 =	vld.idx.msk [tilespmem:v44+s17+$0x0], $0xffff  }
0x22a: {  	v46 =	vor.u32 v14, v36;
	_ =	sdelay $0x3  }
0x22b: {  	[tilespmem:v45+s23+$0x0] =	vst.idx.msk $0xffff, v32  }
0x22c: {  	v47 =	vor.u32 v15, v35;
	v32 =	vld.idx.msk [tilespmem:v46+s17+$0x0], $0xffff  }
0x22d: {  	v48 =	vor.u32 v16, v36;
	_ =	sdelay $0x3  }
0x22e: {  	[tilespmem:v47+s23+$0x0] =	vst.idx.msk $0xffff, v32  }
0x22f: {  	v49 =	vor.u32 v17, v34;
	v32 =	vld.idx.msk [tilespmem:v48+s17+$0x0], $0xffff  }
0x230: {  	v50 =	vor.u32 v18, v36;
	_ =	sdelay $0x3  }
0x231: {  	[tilespmem:v49+s23+$0x0] =	vst.idx.msk $0xffff, v32  }
0x232: {  	v51 =	vor.u32 v19, v34;
	v32 =	vld.idx.msk [tilespmem:v50+s17+$0x0], $0xffff  }
0x233: {  	v52 =	vor.u32 v20, v36;
	_ =	sdelay $0x3  }
0x234: {  	[tilespmem:v51+s23+$0x0] =	vst.idx.msk $0xffff, v32  }
0x235: {  	v53 =	vor.u32 v21, v34;
	v32 =	vld.idx.msk [tilespmem:v52+s17+$0x0], $0xffff  }
0x236: {  	v54 =	vor.u32 v22, v36;
	_ =	sdelay $0x3  }
0x237: {  	[tilespmem:v53+s23+$0x0] =	vst.idx.msk $0xffff, v32  }
0x238: {  	v55 =	vor.u32 v23, v34;
	v32 =	vld.idx.msk [tilespmem:v54+s17+$0x0], $0xffff  }
0x239: {  	v56 =	vor.u32 v24, v36;
	_ =	sdelay $0x3  }
0x23a: {  	[tilespmem:v55+s23+$0x0] =	vst.idx.msk $0xffff, v32  }
0x23b: {  	v57 =	vor.u32 v25, v34;
	v32 =	vld.idx.msk [tilespmem:v56+s17+$0x0], $0xffff  }
0x23c: {  	v58 =	vor.u32 v26, v36;
	_ =	sdelay $0x3  }
0x23d: {  	[tilespmem:v57+s23+$0x0] =	vst.idx.msk $0xffff, v32  }
0x23e: {  	v59 =	vor.u32 v27, v34;
	v32 =	vld.idx.msk [tilespmem:v58+s17+$0x0], $0xffff  }
0x23f: {  	v60 =	vor.u32 v28, v36;
	_ =	sdelay $0x3  }
0x240: {  	[tilespmem:v59+s23+$0x0] =	vst.idx.msk $0xffff, v32  }
0x241: {  	v61 =	vor.u32 v29, v34;
	v32 =	vld.idx.msk [tilespmem:v60+s17+$0x0], $0xffff  }
0x242: {  	v62 =	vor.u32 v30, v36;
	_ =	sdelay $0x3  }
0x243: {  	[tilespmem:v61+s23+$0x0] =	vst.idx.msk $0xffff, v32  }
0x244: {  	v63 =	vor.u32 v31, v34;
	v32 =	vld.idx.msk [tilespmem:v62+s17+$0x0], $0xffff;
	_ =	sdelay $0x3  }
0x245: {  	s0 =	sshll.u32 s29, $0x9  }
.Ltmp9:
0x246: {  	p3 =	sgt.u32 s29, $0x1E23;
	s0 =	sadd.s32 s5, s0;
	[tilespmem:v63+s23+$0x0] =	vst.idx.msk $0xffff, v32;
	(pc) =	sbr.rel .LBB2_12-.Ltmp9, $4  }
0x247: {  	[hbm4b:s0+s3] =	stream.linear.scatter [tilespmem:s23], [sflag:$0x6], $0x1000, $0x38;
	[tilespmem:$0x6800] =	vst v63  }
0x248: {  	s1 =	simm.s32 @!p3 $0x400;
	s0 =	sshll.u32 @!p3 s29, $0x7  }
0x249: {  	s30 =	simm.s32 @!p3 $0x2000;
	s29 =	simm.s32 @!p3 $0x7A1400;
	s0 =	sadd.s32 @!p3 s0, s12  }
0x24a: {  	[tilespmem:s30], [sflag:$0x3] =	stream.strided.gather @!p3 [hbm4b:s0+s1], $0x1000, s29, s1, $0x38;
	[tilespmem:$0x6800] =	vst v63  }
.LBB2_14:
0x24b: {  	_ =	sfence.sel $0x180000  }
0x24c: {  	[bflag:$0x0] =	sbarrier.arrive $0xFFFF  }
0x24d: {  	_ =	strace $0x90000047  }
0x24e: {  	s0 =	stileid.u32;
	[bflag:$0x2] =	sbarrier.arrive $0xFFFF  }
0x24f: {  	p0 =	sne.s32 s0, $0x0;
	s0 =	rddreg [dreg:$0x3]  }
0x250: {  	s0 =	sadd.s32 @!p0 $0x100000, s0  }
0x251: {  	[sflag:s0] =	ssyncadd.tile.s32 @!p0 $0x1;
	_ =	shalt  }
.Lfunc_end2:
_tile_overlayer_lowered:
.L_overlay_start_2:
0x252: {  	(tag) =	ssettag $0x2  }
0x253: {  	s0 =	rddreg [dreg:$0x0];
	s2 =	stileid.u32  }
0x254: {  	s1 =	rddreg [dreg:$0x1];
	p0 =	sne.s32 s2, $0x0  }
0x255: {  	s3 =	rddreg [dreg:$0x2];
	[bflag:$0x3] =	sbarrier.arrive $0xFFFF;
	s2 =	simm.s32 @!p0 $0x1C07  }
0x256: {  	[timem:s3], [sflag:s2] =	dma.local @!p0 [hbm:s0], s1  }
0x257: {  	s0 =	simm.s32 @!p0 $0x7  }
0x258: {  	_ =	swait.ge @!p0 [sflag:s0], s1  }
0x259: {  	s1 =	ssub.s32 @!p0 $0x0, s1;
	[sflag:s0] =	ssyncset.done @!p0 $0x0  }
0x25a: {  	[sflag:s0] =	ssyncadd.s32 @!p0 s1  }
0x25b: {  	[bflag:$0x3] =	sbarrier.arrive $0xFFFF  }
0x25c: {  	_ =	shalt  }

// kernel: kernel.7.cloned.1.call-start
scs
__scs_entry_jumppad:
0x0: {  	(pc) =	sbr.rel $0x88, $3  }
0x1: {  	(tag) =	ssettag $0x0;
	lr =	simm.s32 $0x1  }
0x2: {  	[smem:$0x3F9E] =	sst lr;
	_ =	strace $0xD0000000  }
0x3: {  	_ = 	snop  }
0x4: {  	_ = 	snop  }
0x5: {  	_ = 	snop  }
0x6: {  	_ = 	snop  }
0x7: {  	_ = 	snop  }
__scs_overlays_trampoline_lowered:
0x8: {  	[smem:$0x3FAD] =	sst s0  }
0x9: {  	[smem:$0x3FAE] =	sst s1  }
0xa: {  	[smem:$0x3FAF] =	sst s2  }
0xb: {  	[smem:$0x3FB0] =	sst s3  }
0xc: {  	[smem:$0x3FB1] =	sst s4  }
0xd: {  	[smem:$0x3FB2] =	sst s5  }
0xe: {  	[smem:$0x3FB3] =	sst s6  }
0xf: {  	[smem:$0x3FB4] =	sst s7  }
0x10: {  	[smem:$0x3FB5] =	sst s8  }
0x11: {  	[smem:$0x3FB6] =	sst s9;
	s0 =	simm.s32 @!p0 $0x0  }
0x12: {  	s1 =	sld [smem:$0x3F9C];
	s0 =	simm.s32 @p0 $0x1  }
0x13: {  	[smem:$0x3FB7] =	sst s0;
	s0 =	simm.s32 @!p1 $0x0  }
0x14: {  	s2 =	sld [smem:$0x3F9B];
	s0 =	simm.s32 @p1 $0x1  }
0x15: {  	[smem:$0x3FB8] =	sst s0;
	s0 =	simm.s32 @!p2 $0x0  }
0x16: {  	s3 =	sld [smem:$0x3FDB];
	s0 =	simm.s32 @p2 $0x1  }
0x17: {  	s4 =	simm.s32 $0x1BF5;
	[smem:$0x3FBA] =	sst s0  }
0x18: {  	s0 =	sld [smem:$0x3F9D];
	_ =	swait.ge [sflag:s4], $0x0  }
0x19: {  	s7 =	sld [smem:$0x3F9E]  }
0x1a: {  	s8 =	sadd.s32 $0xFFFFE003, lr  }
0x1b: {  	s9 =	sadd.s32 $0xFFFFFEF7, lr;
	s5 =	simm.s32 $0xFFFFFFFF;
	p2 =	slt.u32 s8, $0xFFFFF086  }
0x1c: {  	p1 =	slt.u32 s9, $0xF7A;
	s5 =	simm.s32 @!p2 $0x0  }
0x1d: {  	s5 =	simm.s32 @p1 $0x1;
	p0 =	seq.s32 s7, s2  }
0x1e: {  	s7 =	smul.u32 @!p0 $0xF7A, s2;
	p2 =	seq.s32 @!p0 s5, $0x0  }
0x1f: {  	s9 =	smul.u32 $0xF7A, s1;
	s8 =	simm.s32 @!p0 $0x1BF5;
	p2 =	por !p2, p0  }
0x20: {  	[sflag:s8] =	ssyncset.s32 @!p0 $0xFFFFF086;
	s6 =	sadd.s32 @!p0 s3, s7;
	s7 =	simm.s32 @!p0 $0x108  }
0x21: {  	s3 =	sadd.s32 s3, s9;
	s6 =	sadd.s32 @!p0 $0x88, s6;
	s7 =	simm.s32 @p2 $0x1082  }
0x22: {  	[simem:s7], [sflag:s8] =	dma.local @!p0 [hbm:s6], $0xF7A  }
0x23: {  	s9 =	sor.u32 $0xD0000000, s2;
	s6 =	simm.s32 $0x108;
	_ =	swait.ge @!p0 [sflag:s8], $0x0  }
0x24: {  	s3 =	sadd.s32 $0x88, s3;
	s6 =	simm.s32 @!p1 $0x1082;
	[sflag:s4] =	ssyncset.s32 $0xFFFFF086  }
0x25: {  	[simem:s6], [sflag:s4] =	dma.local [hbm:s3], $0xF7A  }
0x26: {  	[smem:$0x3F9E] =	sst s1;
	(tag) =	ssettag s2;
	_ =	strace s9  }
0x27: {  	s1 =	sld [smem:$0x3FAE]  }
0x28: {  	s2 =	sld [smem:$0x3FAF]  }
0x29: {  	s4 =	sld [smem:$0x3FB1]  }
0x2a: {  	p0 =	seq.s32 s5, $0x0;
	s5 =	sld [smem:$0x3FB2]  }
0x2b: {  	s6 =	sld [smem:$0x3FB3]  }
0x2c: {  	s7 =	sld [smem:$0x3FB4]  }
0x2d: {  	s3 =	simm.s32 $0x108;
	s8 =	sld [smem:$0x3FB5]  }
0x2e: {  	s3 =	simm.s32 @!p0 $0x1082;
	s9 =	sld [smem:$0x3FB6]  }
0x2f: {  	lr =	sadd.s32 s0, s3;
	s0 =	sld [smem:$0x3FAD]  }
0x30: {  	s3 =	sld [smem:$0x3FB0]  }
0x31: {  	[smem:$0x3FB9] =	sst s10  }
0x32: {  	s10 =	sld [smem:$0x3FB7];
	_ =	sdelay $0x3  }
0x33: {  	p0 =	seq.s32 s10, $0x1;
	s10 =	sld [smem:$0x3FB9];
	_ =	sdelay $0x3  }
0x34: {  	[smem:$0x3FB9] =	sst s10  }
0x35: {  	s10 =	sld [smem:$0x3FB8];
	_ =	sdelay $0x3  }
0x36: {  	p1 =	seq.s32 s10, $0x1;
	s10 =	sld [smem:$0x3FB9];
	_ =	sdelay $0x3  }
0x37: {  	[smem:$0x3FB9] =	sst s10  }
0x38: {  	s10 =	sld [smem:$0x3FBA]  }
0x39: {  	_ = 	snop;
	(pc) =	sbr.ind lr, $3  }
0x3a: {  	_ = 	snop  }
0x3b: {  	_ = 	snop  }
0x3c: {  	p2 =	seq.s32 s10, $0x1;
	s10 =	sld [smem:$0x3FB9]  }
0x3d: {  	_ =	shalt  }
0x3e: {  	_ =	shalt  }
0x3f: {  	_ =	shalt  }
0x40: {  	_ =	shalt  }
0x41: {  	_ =	shalt  }
0x42: {  	_ =	shalt  }
0x43: {  	_ =	shalt  }
0x44: {  	_ =	shalt  }
0x45: {  	_ =	shalt  }
0x46: {  	_ =	shalt  }
0x47: {  	_ =	shalt  }
0x48: {  	_ =	shalt  }
0x49: {  	_ =	shalt  }
0x4a: {  	_ =	shalt  }
0x4b: {  	_ =	shalt  }
0x4c: {  	_ =	shalt  }
0x4d: {  	_ =	shalt  }
0x4e: {  	_ =	shalt  }
0x4f: {  	_ =	shalt  }
0x50: {  	_ =	shalt  }
0x51: {  	_ =	shalt  }
0x52: {  	_ =	shalt  }
0x53: {  	_ =	shalt  }
0x54: {  	_ =	shalt  }
0x55: {  	_ =	shalt  }
0x56: {  	_ =	shalt  }
0x57: {  	_ =	shalt  }
0x58: {  	_ =	shalt  }
0x59: {  	_ =	shalt  }
0x5a: {  	_ =	shalt  }
0x5b: {  	_ =	shalt  }
0x5c: {  	_ =	shalt  }
0x5d: {  	_ =	shalt  }
0x5e: {  	_ =	shalt  }
0x5f: {  	_ =	shalt  }
0x60: {  	_ =	shalt  }
0x61: {  	_ =	shalt  }
0x62: {  	_ =	shalt  }
0x63: {  	_ =	shalt  }
0x64: {  	_ =	shalt  }
0x65: {  	_ =	shalt  }
0x66: {  	_ =	shalt  }
0x67: {  	_ =	shalt  }
0x68: {  	_ =	shalt  }
0x69: {  	_ =	shalt  }
0x6a: {  	_ =	shalt  }
0x6b: {  	_ =	shalt  }
0x6c: {  	_ =	shalt  }
0x6d: {  	_ =	shalt  }
0x6e: {  	_ =	shalt  }
0x6f: {  	_ =	shalt  }
0x70: {  	_ =	shalt  }
0x71: {  	_ =	shalt  }
0x72: {  	_ =	shalt  }
0x73: {  	_ =	shalt  }
0x74: {  	_ =	shalt  }
0x75: {  	_ =	shalt  }
0x76: {  	_ =	shalt  }
0x77: {  	_ =	shalt  }
0x78: {  	_ =	shalt  }
0x79: {  	_ =	shalt  }
0x7a: {  	_ =	shalt  }
0x7b: {  	_ =	shalt  }
0x7c: {  	_ =	shalt  }
0x7d: {  	_ =	shalt  }
0x7e: {  	_ =	shalt  }
0x7f: {  	_ =	shalt  }
0x80: {  	_ =	shalt  }
0x81: {  	_ =	shalt  }
0x82: {  	_ =	shalt  }
0x83: {  	_ =	shalt  }
0x84: {  	_ =	shalt  }
0x85: {  	_ =	shalt  }
0x86: {  	_ =	shalt  }
0x87: {  	_ =	shalt  }
.Lfunc_end0:
.L_simem_size_0:
called_computation.2_lowered:
.L_overlay_start_0:
0x88: {  	s2 =	sld [smem:$0x3FD9]  }
0x89: {  	s3 =	sld [smem:$0x3FFE];
	_ =	sdelay $0x1  }
0x8a: {  	s1 =	srdreg.scid  }
0x8b: {  	s0 =	sand.u32 $0x1, s1  }
0x8c: {  	s17 =	sshll.u32 s0, $0xA;
	s2 =	sadd.s32 s3, s2  }
0x8d: {  	s2 =	sadd.s32 s2, s17  }
0x8e: {  	[smem:$0x3FC5] =	sst s2  }
0x8f: {  	_ = 	snop  }
0x90: {  	s2 =	sld [smem:$0x3FC9]  }
0x91: {  	s18 =	sld [smem:$0x3FC7];
	(tm) =	ssettm $0x1  }
0x92: {  	s4 =	sld [smem:$0x3FFB];
	_ =	sdelay $0x3  }
0x93: {  	_ =	strace s4  }
0x94: {  	s4 =	sld [smem:$0x3FFC];
	_ =	sdelay $0x3  }
0x95: {  	_ =	strace s4  }
0x96: {  	s4 =	sld [smem:$0x3FFD];
	_ =	sdelay $0x3  }
0x97: {  	_ =	strace s4  }
0x98: {  	_ =	strace $0x8FFFFFFF  }
0x99: {  	s19 =	sld [smem:$0x3FDB];
	_ =	sdelay $0x1  }
0x9a: {  	s5 =	simm.s32 $_scs_section_size  }
0x9b: {  	s6 =	simm.s32 $_size__tile_overlayer_lowered;
	s7 =	simm.s32 $_tile_overlayer_lowered  }
0x9c: {  	s22 =	simm.s32 $0x1BFF;
	s21 =	sshll.u32 s7, $0x1;
	s4 =	sadd.s32 s5, s19  }
0x9d: {  	s8 =	simm.s32 $0x0;
	s20 =	sshll.u32 s6, $0x1;
	s6 =	sadd.s32 s21, s4  }
0x9e: {  	[timem:s8], [sflag:s22] =	dma.local [hbm:s6], s20  }
0x9f: {  	_ =	swait.ge [sflag:s22], s20  }
0xa0: {  	s5 =	ssub.s32 $0x0, s20;
	[sflag:s22] =	ssyncset.done $0x0  }
0xa1: {  	[sflag:s22] =	ssyncadd.s32 s5;
	_ =	sdelay $0x1  }
0xa2: {  	s23 =	simm.s32 $0x1B8B  }
0xa3: {  	_ =	swait.ge [sflag:s23], $0x1  }
0xa4: {  	[sflag:s23] =	ssyncset.done $0x0  }
0xa5: {  	s25 =	simm.s32 $0x1B8E;
	s24 =	sld [smem:$0x3FFE];
	[sflag:s23] =	ssyncadd.s32 $0xFFFFFFFF  }
0xa6: {  	s26 =	simm.s32 $execute0_lowered;
	[smem:$0x3FD2] =	sst s25  }
0xa7: {  	s6 =	sshll.u32 s26, $0x1;
	_ =	strace $0x80000049;
	[dreg:$0x1] =	wrdreg $0xFFFFFFFF  }
0xa8: {  	s28 =	simm.s32 $_size_execute0_lowered;
	s4 =	sadd.s32 s4, s6;
	[dreg:$0x0] =	wrdreg $0x0  }
0xa9: {  	s6 =	sshll.u32 s28, $0x1;
	[dreg:$0x2] =	wrdreg s4  }
0xaa: {  	[dreg:$0x3] =	wrdreg s6  }
0xab: {  	[dreg:$0x4] =	wrdreg $0xC0  }
0xac: {  	_ =	task [dreg:s8], $0x5FFFF  }
0xad: {  	[dreg:$0x1] =	wrdreg $0xFFFFFFFF  }
0xae: {  	[dreg:$0x0] =	wrdreg $0x60  }
0xaf: {  	[dreg:$0x2] =	wrdreg s2  }
0xb0: {  	[dreg:$0x3] =	wrdreg s24  }
0xb1: {  	[dreg:$0x4] =	wrdreg s18  }
0xb2: {  	[dreg:$0x5] =	wrdreg $0x9  }
0xb3: {  	_ =	task.clear_ibuf [dreg:s8], $0x6FFFF;
	_ =	strace $0x90000049  }
0xb4: {  	s29 =	simm.s32 $0x9;
	_ =	strace $0x8000004B  }
0xb5: {  	_ =	swait.ge [sflag:s29], $0x1  }
0xb6: {  	[sflag:s29] =	ssyncadd.s32 $0xFFFFFFFF  }
0xb7: {  	_ =	strace $0x9000004B  }
0xb8: {  	_ =	sfence  }
0xb9: {  	s30 =	sld [smem:$0x0];
	_ =	sdelay $0x2  }
0xba: {  	s31 =	sshll.u32 s1, $0xD;
	s1 =	sshrl.u32 s1, $0x2  }
0xbb: {  	s3 =	sand.u32 $0x4000, s31;
	s1 =	sadd.s32 s1, s30  }
0xbc: {  	s0 =	sor.u32 s3, s0;
	s1 =	sshll.u32 s1, $0x11  }
0xbd: {  	s0 =	sor.u32 s1, s0  }
0xbe: {  	s0 =	sadd.s32 $0x8F2B, s0  }
0xbf: {  	[sflag:s0] =	ssyncadd.remote.s32 $0x1  }
0xc0: {  	_ =	sfence.sel $0xFFFF  }
0xc1: {  	[dreg:$0x0] =	wrdreg $0xFFFFFFFF;
	(pc) =	sbr.abs _section_cstart, $3  }
0xc2: {  	[dreg:$0x1] =	wrdreg $0xFFFFFFFF  }
0xc3: {  	_ =	task.clear_ibuf [dreg:s8], $0x2FFFF;
	_ =	strace $0x9FFFFFFF  }
0xc4: {  	(tm) =	ssettm $0x7FFFFFFF  }
0xc5: {  	_ =	shalt  }
tec
execute0_lowered:
.L_overlay_start_1:
0x0: {  	(tag) =	ssettag $0x1  }
0x1: {  	s1 =	rddreg [dreg:$0x0]  }
0x2: {  	s0 =	rddreg [dreg:$0x1];
	s2 =	srdreg.scid  }
0x3: {  	s3 =	stileid.u32;
	s4 =	simm.s32 $0x0;
	s14 =	simm.s32 $0x1B380  }
0x4: {  	v0 =	vlaneseq.u32;
	v1 =	vimm.s32 $0x5;
	v2 =	vimm.s32 $0x1;
	s15 =	simm.s32 $0x7;
	s16 =	simm.s32 $0x680;
	s17 =	simm.s32 $0x1  }
0x5: {  	v3 =	vimm.s32 $0x2;
	v4 =	vimm.s32 $0x3;
	v5 =	vimm.s32 $0x4;
	s18 =	simm.s32 $0xD00;
	s19 =	simm.s32 $0x3;
	s20 =	simm.s32 $0x20  }
0x6: {  	v6 =	vimm.s32 $0x6;
	v7 =	vimm.s32 $0x7;
	v9 =	vimm.s32 $0x9;
	s21 =	simm.s32 $0x80;
	s22 =	simm.s32 $0x2;
	s23 =	simm.s32 $0xDD00  }
0x7: {  	v10 =	vimm.s32 $0xA;
	v11 =	vimm.s32 $0xB;
	v12 =	vimm.s32 $0xC;
	s24 =	simm.s32 $0x4;
	s2 =	sand.u32 $0x1, s2;
	s5 =	sshll.u32 s3, $0x1  }
0x8: {  	v13 =	vimm.s32 $0xD;
	v14 =	vimm.s32 $0xE;
	v15 =	vimm.s32 $0xF;
	s25 =	simm.s32 $0x5;
	s26 =	simm.s32 $0x6;
	s5 =	sor.u32 s2, s5  }
0x9: {  	v16 =	vimm.s32 $0x10;
	v17 =	vimm.s32 $0x11;
	v18 =	vimm.s32 $0x12;
	s28 =	simm.s32 $0x0;
	[smem:$0x7FF] =	sst s4;
	s5 =	smul.u32 $0x3400, s5  }
.Ltmp0:
0xa: {  	v19 =	vimm.s32 $0x13;
	v20 =	vimm.s32 $0x14;
	v21 =	vimm.s32 $0x15;
	s6 =	sadd.s32 $0xC00, s0;
	s30 =	ssub.s32 $0x2, s2;
	(pc) =	sbr.rel .LBB2_1-.Ltmp0, $4  }
0xb: {  	v8 =	vimm.s32 $0x8;
	v22 =	vimm.s32 $0x16;
	v23 =	vimm.s32 $0x17;
	s7 =	sadd.s32 $0x3D1600, s0;
	_ =	strace $0x8000004A;
	s2 =	sshrl.u32 s30, $0x1  }
0xc: {  	v24 =	vimm.s32 $0x18;
	v25 =	vimm.s32 $0x19;
	v26 =	vimm.s32 $0x1A;
	s0 =	ssub.s32 s30, s2;
	s9 =	sshrl.u32 s5, $0x3;
	s8 =	sadd.s32 $0x680, s5  }
0xd: {  	v27 =	vimm.s32 $0x1B;
	v28 =	vimm.s32 $0x1C;
	v29 =	vimm.s32 $0x1D;
	s11 =	sadd.s32 $0xD00, s5;
	s12 =	sadd.s32 $0x1380, s5;
	s31 =	sshrl.u32 s8, $0x3  }
0xe: {  	v30 =	vimm.s32 $0x1E;
	v31 =	vimm.s32 $0x1F;
	v0 =	vmul.u32 $0x20, v0;
	s13 =	smax.u32 s0, $0x1;
	s9 =	sadd.s32 s1, s9;
	s10 =	sadd.s32 s1, s31  }
.LBB2_15:
0xf: {  	s28 =	sadd.s32 $0x1, s28  }
0x10: {  	_ =	swait.ge [sflag:s25], $0xD000;
	p0 =	sne.s32 s28, s13  }
.Ltmp1:
0x11: {  	[sflag:s25] =	ssyncset.done $0x0;
	(pc) =	sbr.rel @!p0 .LBB2_16-.Ltmp1, $4  }
0x12: {  	[sflag:s25] =	ssyncadd.s32 $0xFFFF3000  }
0x13: {  	_ =	swait.ge [sflag:s26], $0xD000  }
0x14: {  	[sflag:s26] =	ssyncset.done $0x0  }
0x15: {  	[sflag:s26] =	ssyncadd.s32 $0xFFFF3000  }
.LBB2_1:
0x16: {  	s0 =	rddreg [dreg:$0x2]  }
0x17: {  	[tilespmem:s14], [sflag:$0x7] =	stream.linear.gather [hbm4b:s0+s4], $0x20, $0x38;
	[tilespmem:$0x1B3A0] =	vst v63  }
0x18: {  	_ =	swait.ge [sflag:s15], $0x20  }
.Ltmp2:
0x19: {  	[sflag:s15] =	ssyncset.done $0x0;
	(pc) =	sbr.rel .LBB2_2-.Ltmp2, $4  }
0x1a: {  	[sflag:s15] =	ssyncadd.s32 $0xFFFFFFE0  }
0x1b: {  	[tilespmem:s4], [sflag:$0x1] =	stream.linear.gather [hbm4b:s9+s4], $0x680, $0x38;
	[tilespmem:$0x1B3A0] =	vst v63  }
0x1c: {  	s29 =	simm.s32 $0x0  }
0x1d: {  	[tilespmem:s16], [sflag:$0x2] =	stream.linear.gather [hbm4b:s10+s4], $0x680, $0x38;
	[tilespmem:$0x1B3A0] =	vst v63  }
.LBB2_14:
0x1e: {  	s29 =	sadd.s32 $0x1, s29  }
0x1f: {  	p0 =	sne.s32 s29, $0x4  }
.Ltmp3:
0x20: {  	s0 =	sadd.s32 s30, s8;
	(pc) =	sbr.rel @!p0 .LBB2_15-.Ltmp3, $4  }
0x21: {  	s0 =	sshll.u32 s0, $0x4  }
0x22: {  	s0 =	sand.u32 $0x1FFFF800, s0  }
0x23: {  	s0 =	sadd.s32 s7, s0  }
0x24: {  	[hbm4b:s0+s20] =	stream.strided.scatter [tilespmem:s23], [sflag:$0x6], $0xD000, s21, s20, $0x38;
	[tilespmem:$0x1B3A0] =	vst v63  }
.LBB2_2:
0x25: {  	_ =	swait.ge [sflag:s17], $0x680  }
0x26: {  	[sflag:s17] =	ssyncset.done $0x0  }
0x27: {  	v32 =	vimm.s32 $0x0;
	s0 =	simm.s32 $0x0;
	s2 =	simm.s32 $0x40;
	[sflag:s17] =	ssyncadd.s32 $0xFFFFF980  }
.LBB2_3:
0x28: {  	p0 =	sne.s32 s2, $0x19C0;
	v33 =	vld [tilespmem:s0+$0x0];
	_ =	sdelay $0x2  }
.Ltmp4:
0x29: {  	(pc) =	sbr.rel @p0 .LBB2_3-.Ltmp4, $4  }
0x2a: {  	_ = 	snop  }
0x2b: {  	v34 =	vshrl.u32 v33, $0x1F;
	vm0 =	vgt.s32 v33, $0x0  }
0x2c: {  	v33 =	vnsel vm0, $0x0, v33;
	[tilespmem:s0+$0x1AD00] =	vst v34;
	v32 =	vadd.s32 v32, v34  }
0x2d: {  	[tilespmem:s0+$0x0] =	vst v33;
	s0 =	sshra.s32 s2, $0x2;
	s2 =	sadd.s32 $0x40, s2  }
0x2e: {  	v33 =	vld [tilespmem:s0+$0x0];
	_ =	sdelay $0x4  }
0x2f: {  	v34 =	vshrl.u32 v33, $0x1F  }
0x30: {  	v32 =	vadd.s32 v32, v34  }
0x31: {  	(xrf0) =	vadd.scan.msk.s32 $0xffff, v32;
	_ =	sdelay $0x5  }
0x32: {  	v32, _, _ =	vpop (xrf0)  }
0x33: {  	(v2sf) =	vpush v32, $0xF;
	_ =	sdelay $0xc  }
0x34: {  	vm0 =	vgt.s32 v33, $0x0  }
0x35: {  	p1 =	seq.s32 s29, $0x0;
	v63 =	vnsel vm0, $0x0, v33;
	[tilespmem:s0+$0x1AD00] =	vst v34  }
0x36: {  	s2 =	simm.s32 @!p1 $0x5;
	[tilespmem:s0+$0x0] =	vst v63;
	s3 =	spop (v2sf)  }
0x37: {  	_ =	swait.ge @!p1 [sflag:s2], $0xD000  }
0x38: {  	[sflag:s2] =	ssyncset.done @!p1 $0x0  }
0x39: {  	s30 =	smul.u32 $0xD00, s29;
	p2 =	slt.s32 s3, $0x1;
	[sflag:s2] =	ssyncadd.s32 @!p1 $0xFFFF3000  }
0x3a: {  	[tilespmem:s18], [sflag:$0x3] =	stream.indirect.gather [hbm4b:s6+s16], $0x20, s4, s16, $0xb8;
	[tilespmem:$0x1B3A0] =	vst v63  }
.Ltmp5:
0x3b: {  	p0 =	seq.s32 s29, $0x3;
	(pc) =	sbr.rel @p2 .LBB2_8-.Ltmp5, $4  }
0x3c: {  	s2 =	sadd.s32 @!p0 s30, s11;
	_ =	swait.ge [sflag:s19], $0xD000  }
0x3d: {  	s2 =	sshrl.u32 @!p0 s2, $0x3;
	[sflag:s19] =	ssyncset.done $0x0  }
0x3e: {  	s31 =	simm.s32 @!p0 $0x0;
	s2 =	sadd.s32 @!p0 s1, s2;
	[sflag:s19] =	ssyncadd.s32 $0xFFFF3000  }
0x3f: {  	[tilespmem:s31], [sflag:$0x1] =	stream.linear.gather @!p0 [hbm4b:s2+s31], $0x680, $0x38;
	[tilespmem:$0x1B3A0] =	vst v63  }
0x40: {  	s31 =	simm.s32 $0x1AD00  }
0x41: {  	s0 =	simm.s32 $0x0;
	s2 =	simm.s32 $0x10;
	v32 =	vld [tilespmem:s31+$0x0]  }
.LBB2_6:
0x42: {  	p2 =	sne.s32 s2, $0x670;
	v33 =	vld.msk [tilespmem:s14+$0x0], $0xffff;
	_ =	sdelay $0x2  }
0x43: {  	v34 =	vmov s0;
	s0 =	smov.u32 s2  }
0x44: {  	vm0 =	vgt.s32 v32, $0x0;
	v32 =	vshll.u32 v34, $0x5  }
0x45: {  	v32 =	vor.u32 v0, v32;
	_ =	sdelay $0x4  }
0x46: {  	[tilespmem:v32+s18+$0x0] =	vst.idx.msk vm0, v33  }
0x47: {  	v33 =	vld.idx.msk [tilespmem:v2+s14+$0x0], $0xffff  }
0x48: {  	v34 =	vor.u32 $0x1, v32;
	_ =	sdelay $0x4  }
0x49: {  	[tilespmem:v34+s18+$0x0] =	vst.idx.msk vm0, v33  }
0x4a: {  	v33 =	vld.idx.msk [tilespmem:v3+s14+$0x0], $0xffff  }
0x4b: {  	v34 =	vor.u32 $0x2, v32;
	_ =	sdelay $0x4  }
0x4c: {  	[tilespmem:v34+s18+$0x0] =	vst.idx.msk vm0, v33  }
0x4d: {  	v33 =	vld.idx.msk [tilespmem:v4+s14+$0x0], $0xffff  }
0x4e: {  	v34 =	vor.u32 $0x3, v32;
	_ =	sdelay $0x4  }
0x4f: {  	[tilespmem:v34+s18+$0x0] =	vst.idx.msk vm0, v33  }
0x50: {  	v33 =	vld.idx.msk [tilespmem:v5+s14+$0x0], $0xffff  }
0x51: {  	v34 =	vor.u32 $0x4, v32;
	_ =	sdelay $0x4  }
0x52: {  	[tilespmem:v34+s18+$0x0] =	vst.idx.msk vm0, v33  }
0x53: {  	v33 =	vld.idx.msk [tilespmem:v1+s14+$0x0], $0xffff  }
0x54: {  	v34 =	vor.u32 $0x5, v32;
	_ =	sdelay $0x4  }
0x55: {  	[tilespmem:v34+s18+$0x0] =	vst.idx.msk vm0, v33  }
0x56: {  	v33 =	vld.idx.msk [tilespmem:v6+s14+$0x0], $0xffff  }
0x57: {  	v34 =	vor.u32 $0x6, v32;
	_ =	sdelay $0x4  }
0x58: {  	[tilespmem:v34+s18+$0x0] =	vst.idx.msk vm0, v33  }
0x59: {  	v33 =	vld.idx.msk [tilespmem:v7+s14+$0x0], $0xffff  }
0x5a: {  	v34 =	vor.u32 $0x7, v32;
	_ =	sdelay $0x4  }
0x5b: {  	[tilespmem:v34+s18+$0x0] =	vst.idx.msk vm0, v33  }
0x5c: {  	v33 =	vld.idx.msk [tilespmem:v8+s14+$0x0], $0xffff  }
0x5d: {  	v34 =	vor.u32 $0x8, v32;
	_ =	sdelay $0x4  }
0x5e: {  	[tilespmem:v34+s18+$0x0] =	vst.idx.msk vm0, v33  }
0x5f: {  	v33 =	vld.idx.msk [tilespmem:v9+s14+$0x0], $0xffff  }
0x60: {  	v34 =	vor.u32 $0x9, v32;
	_ =	sdelay $0x4  }
0x61: {  	[tilespmem:v34+s18+$0x0] =	vst.idx.msk vm0, v33  }
0x62: {  	v33 =	vld.idx.msk [tilespmem:v10+s14+$0x0], $0xffff  }
0x63: {  	v34 =	vor.u32 $0xA, v32;
	_ =	sdelay $0x4  }
0x64: {  	[tilespmem:v34+s18+$0x0] =	vst.idx.msk vm0, v33  }
0x65: {  	v33 =	vld.idx.msk [tilespmem:v11+s14+$0x0], $0xffff  }
0x66: {  	v34 =	vor.u32 $0xB, v32;
	_ =	sdelay $0x4  }
0x67: {  	[tilespmem:v34+s18+$0x0] =	vst.idx.msk vm0, v33  }
0x68: {  	v33 =	vld.idx.msk [tilespmem:v12+s14+$0x0], $0xffff  }
0x69: {  	v34 =	vor.u32 $0xC, v32;
	_ =	sdelay $0x4  }
0x6a: {  	[tilespmem:v34+s18+$0x0] =	vst.idx.msk vm0, v33  }
0x6b: {  	v33 =	vld.idx.msk [tilespmem:v13+s14+$0x0], $0xffff  }
0x6c: {  	v34 =	vor.u32 $0xD, v32;
	_ =	sdelay $0x4  }
0x6d: {  	[tilespmem:v34+s18+$0x0] =	vst.idx.msk vm0, v33  }
0x6e: {  	v33 =	vld.idx.msk [tilespmem:v14+s14+$0x0], $0xffff  }
0x6f: {  	v34 =	vor.u32 $0xE, v32;
	_ =	sdelay $0x4  }
0x70: {  	[tilespmem:v34+s18+$0x0] =	vst.idx.msk vm0, v33  }
0x71: {  	v33 =	vld.idx.msk [tilespmem:v15+s14+$0x0], $0xffff  }
0x72: {  	v34 =	vor.u32 $0xF, v32;
	_ =	sdelay $0x4  }
0x73: {  	[tilespmem:v34+s18+$0x0] =	vst.idx.msk vm0, v33  }
0x74: {  	v33 =	vld.idx.msk [tilespmem:v16+s14+$0x0], $0xffff  }
0x75: {  	v34 =	vor.u32 $0x10, v32;
	_ =	sdelay $0x4  }
0x76: {  	[tilespmem:v34+s18+$0x0] =	vst.idx.msk vm0, v33  }
0x77: {  	v33 =	vld.idx.msk [tilespmem:v17+s14+$0x0], $0xffff  }
0x78: {  	v34 =	vor.u32 $0x11, v32;
	_ =	sdelay $0x4  }
0x79: {  	[tilespmem:v34+s18+$0x0] =	vst.idx.msk vm0, v33  }
0x7a: {  	v33 =	vld.idx.msk [tilespmem:v18+s14+$0x0], $0xffff  }
0x7b: {  	v34 =	vor.u32 $0x12, v32;
	_ =	sdelay $0x4  }
0x7c: {  	[tilespmem:v34+s18+$0x0] =	vst.idx.msk vm0, v33  }
0x7d: {  	v33 =	vld.idx.msk [tilespmem:v19+s14+$0x0], $0xffff  }
0x7e: {  	v34 =	vor.u32 $0x13, v32;
	_ =	sdelay $0x4  }
0x7f: {  	[tilespmem:v34+s18+$0x0] =	vst.idx.msk vm0, v33  }
0x80: {  	v33 =	vld.idx.msk [tilespmem:v20+s14+$0x0], $0xffff  }
0x81: {  	v34 =	vor.u32 $0x14, v32;
	_ =	sdelay $0x4  }
0x82: {  	[tilespmem:v34+s18+$0x0] =	vst.idx.msk vm0, v33  }
0x83: {  	v33 =	vld.idx.msk [tilespmem:v21+s14+$0x0], $0xffff  }
0x84: {  	v34 =	vor.u32 $0x15, v32;
	_ =	sdelay $0x4  }
0x85: {  	[tilespmem:v34+s18+$0x0] =	vst.idx.msk vm0, v33  }
0x86: {  	v33 =	vld.idx.msk [tilespmem:v22+s14+$0x0], $0xffff  }
0x87: {  	v34 =	vor.u32 $0x16, v32;
	_ =	sdelay $0x4  }
0x88: {  	[tilespmem:v34+s18+$0x0] =	vst.idx.msk vm0, v33  }
0x89: {  	v33 =	vld.idx.msk [tilespmem:v23+s14+$0x0], $0xffff  }
0x8a: {  	v34 =	vor.u32 $0x17, v32;
	_ =	sdelay $0x4  }
0x8b: {  	[tilespmem:v34+s18+$0x0] =	vst.idx.msk vm0, v33  }
0x8c: {  	v33 =	vld.idx.msk [tilespmem:v24+s14+$0x0], $0xffff  }
0x8d: {  	v34 =	vor.u32 $0x18, v32;
	_ =	sdelay $0x4  }
0x8e: {  	[tilespmem:v34+s18+$0x0] =	vst.idx.msk vm0, v33  }
0x8f: {  	v33 =	vld.idx.msk [tilespmem:v25+s14+$0x0], $0xffff  }
0x90: {  	v34 =	vor.u32 $0x19, v32;
	_ =	sdelay $0x4  }
0x91: {  	[tilespmem:v34+s18+$0x0] =	vst.idx.msk vm0, v33  }
0x92: {  	v33 =	vld.idx.msk [tilespmem:v26+s14+$0x0], $0xffff  }
0x93: {  	v34 =	vor.u32 $0x1A, v32;
	_ =	sdelay $0x4  }
0x94: {  	[tilespmem:v34+s18+$0x0] =	vst.idx.msk vm0, v33  }
0x95: {  	v33 =	vld.idx.msk [tilespmem:v27+s14+$0x0], $0xffff  }
0x96: {  	v34 =	vor.u32 $0x1B, v32;
	_ =	sdelay $0x4  }
0x97: {  	[tilespmem:v34+s18+$0x0] =	vst.idx.msk vm0, v33  }
0x98: {  	v33 =	vld.idx.msk [tilespmem:v28+s14+$0x0], $0xffff  }
0x99: {  	v34 =	vor.u32 $0x1C, v32;
	_ =	sdelay $0x4  }
0x9a: {  	[tilespmem:v34+s18+$0x0] =	vst.idx.msk vm0, v33  }
0x9b: {  	v33 =	vld.idx.msk [tilespmem:v29+s14+$0x0], $0xffff  }
0x9c: {  	v34 =	vor.u32 $0x1D, v32;
	_ =	sdelay $0x4  }
0x9d: {  	[tilespmem:v34+s18+$0x0] =	vst.idx.msk vm0, v33  }
0x9e: {  	v33 =	vld.idx.msk [tilespmem:v30+s14+$0x0], $0xffff  }
0x9f: {  	v34 =	vor.u32 $0x1E, v32;
	_ =	sdelay $0x4  }
0xa0: {  	[tilespmem:v34+s18+$0x0] =	vst.idx.msk vm0, v33  }
0xa1: {  	v33 =	vld.idx.msk [tilespmem:v31+s14+$0x0], $0xffff  }
0xa2: {  	v32 =	vor.u32 $0x1F, v32;
	_ =	sdelay $0x1  }
.Ltmp6:
0xa3: {  	(pc) =	sbr.rel @p2 .LBB2_6-.Ltmp6, $3  }
0xa4: {  	_ =	sdelay $0x1  }
0xa5: {  	s31 =	sadd.s32 $0x10, s31;
	[tilespmem:v32+s18+$0x0] =	vst.idx.msk vm0, v33  }
0xa6: {  	s2 =	sadd.s32 $0x10, s2;
	v32 =	vld [tilespmem:s31+$0x0]  }
0xa7: {  	_ =	sdelay $0x2  }
0xa8: {  	v33 =	vmov s0  }
0xa9: {  	v61 =	vshll.u32 v33, $0x5;
	vm0 =	vgt.s32 v32, $0x0  }
0xaa: {  	v62 =	vld.msk [tilespmem:s14+$0x0], $0xffff;
	v32 =	vor.u32 v0, v61;
	_ =	sdelay $0x4  }
0xab: {  	[tilespmem:v32+s18+$0x0] =	vst.idx.msk vm0, v62  }
0xac: {  	v34 =	vor.u32 $0x1, v32;
	v33 =	vld.idx.msk [tilespmem:v2+s14+$0x0], $0xffff;
	_ =	sdelay $0x4  }
0xad: {  	[tilespmem:v34+s18+$0x0] =	vst.idx.msk vm0, v33  }
0xae: {  	v63 =	vor.u32 $0x2, v32;
	v33 =	vld.idx.msk [tilespmem:v3+s14+$0x0], $0xffff;
	_ =	sdelay $0x4  }
0xaf: {  	[tilespmem:v63+s18+$0x0] =	vst.idx.msk vm0, v33  }
0xb0: {  	v36 =	vor.u32 $0x3, v32;
	v33 =	vld.idx.msk [tilespmem:v4+s14+$0x0], $0xffff;
	_ =	sdelay $0x4  }
0xb1: {  	[tilespmem:v36+s18+$0x0] =	vst.idx.msk vm0, v33  }
0xb2: {  	v37 =	vor.u32 $0x4, v32;
	v33 =	vld.idx.msk [tilespmem:v5+s14+$0x0], $0xffff;
	_ =	sdelay $0x4  }
0xb3: {  	[tilespmem:v37+s18+$0x0] =	vst.idx.msk vm0, v33  }
0xb4: {  	v38 =	vor.u32 $0x5, v32;
	v33 =	vld.idx.msk [tilespmem:v1+s14+$0x0], $0xffff;
	_ =	sdelay $0x4  }
0xb5: {  	[tilespmem:v38+s18+$0x0] =	vst.idx.msk vm0, v33  }
0xb6: {  	v39 =	vor.u32 $0x6, v32;
	v33 =	vld.idx.msk [tilespmem:v6+s14+$0x0], $0xffff;
	_ =	sdelay $0x4  }
0xb7: {  	[tilespmem:v39+s18+$0x0] =	vst.idx.msk vm0, v33  }
0xb8: {  	v40 =	vor.u32 $0x7, v32;
	v33 =	vld.idx.msk [tilespmem:v7+s14+$0x0], $0xffff;
	_ =	sdelay $0x4  }
0xb9: {  	[tilespmem:v40+s18+$0x0] =	vst.idx.msk vm0, v33  }
0xba: {  	v41 =	vor.u32 $0x8, v32;
	v33 =	vld.idx.msk [tilespmem:v8+s14+$0x0], $0xffff;
	_ =	sdelay $0x4  }
0xbb: {  	[tilespmem:v41+s18+$0x0] =	vst.idx.msk vm0, v33  }
0xbc: {  	v42 =	vor.u32 $0x9, v32;
	v33 =	vld.idx.msk [tilespmem:v9+s14+$0x0], $0xffff;
	_ =	sdelay $0x4  }
0xbd: {  	[tilespmem:v42+s18+$0x0] =	vst.idx.msk vm0, v33  }
0xbe: {  	v43 =	vor.u32 $0xA, v32;
	v33 =	vld.idx.msk [tilespmem:v10+s14+$0x0], $0xffff;
	_ =	sdelay $0x4  }
0xbf: {  	[tilespmem:v43+s18+$0x0] =	vst.idx.msk vm0, v33  }
0xc0: {  	v44 =	vor.u32 $0xB, v32;
	v33 =	vld.idx.msk [tilespmem:v11+s14+$0x0], $0xffff;
	_ =	sdelay $0x4  }
0xc1: {  	[tilespmem:v44+s18+$0x0] =	vst.idx.msk vm0, v33  }
0xc2: {  	v45 =	vor.u32 $0xC, v32;
	v33 =	vld.idx.msk [tilespmem:v12+s14+$0x0], $0xffff;
	_ =	sdelay $0x4  }
0xc3: {  	[tilespmem:v45+s18+$0x0] =	vst.idx.msk vm0, v33  }
0xc4: {  	v46 =	vor.u32 $0xD, v32;
	v33 =	vld.idx.msk [tilespmem:v13+s14+$0x0], $0xffff;
	_ =	sdelay $0x4  }
0xc5: {  	[tilespmem:v46+s18+$0x0] =	vst.idx.msk vm0, v33  }
0xc6: {  	v47 =	vor.u32 $0xE, v32;
	v33 =	vld.idx.msk [tilespmem:v14+s14+$0x0], $0xffff;
	_ =	sdelay $0x4  }
0xc7: {  	[tilespmem:v47+s18+$0x0] =	vst.idx.msk vm0, v33  }
0xc8: {  	v48 =	vor.u32 $0xF, v32;
	v33 =	vld.idx.msk [tilespmem:v15+s14+$0x0], $0xffff;
	_ =	sdelay $0x4  }
0xc9: {  	[tilespmem:v48+s18+$0x0] =	vst.idx.msk vm0, v33  }
0xca: {  	v49 =	vor.u32 $0x10, v32;
	v33 =	vld.idx.msk [tilespmem:v16+s14+$0x0], $0xffff;
	_ =	sdelay $0x4  }
0xcb: {  	[tilespmem:v49+s18+$0x0] =	vst.idx.msk vm0, v33  }
0xcc: {  	v50 =	vor.u32 $0x11, v32;
	v33 =	vld.idx.msk [tilespmem:v17+s14+$0x0], $0xffff;
	_ =	sdelay $0x4  }
0xcd: {  	[tilespmem:v50+s18+$0x0] =	vst.idx.msk vm0, v33  }
0xce: {  	v51 =	vor.u32 $0x12, v32;
	v33 =	vld.idx.msk [tilespmem:v18+s14+$0x0], $0xffff;
	_ =	sdelay $0x4  }
0xcf: {  	[tilespmem:v51+s18+$0x0] =	vst.idx.msk vm0, v33  }
0xd0: {  	v52 =	vor.u32 $0x13, v32;
	v33 =	vld.idx.msk [tilespmem:v19+s14+$0x0], $0xffff;
	_ =	sdelay $0x4  }
0xd1: {  	[tilespmem:v52+s18+$0x0] =	vst.idx.msk vm0, v33  }
0xd2: {  	v53 =	vor.u32 $0x14, v32;
	v33 =	vld.idx.msk [tilespmem:v20+s14+$0x0], $0xffff;
	_ =	sdelay $0x4  }
0xd3: {  	[tilespmem:v53+s18+$0x0] =	vst.idx.msk vm0, v33  }
0xd4: {  	v54 =	vor.u32 $0x15, v32;
	v33 =	vld.idx.msk [tilespmem:v21+s14+$0x0], $0xffff;
	_ =	sdelay $0x4  }
0xd5: {  	[tilespmem:v54+s18+$0x0] =	vst.idx.msk vm0, v33  }
0xd6: {  	v55 =	vor.u32 $0x16, v32;
	v33 =	vld.idx.msk [tilespmem:v22+s14+$0x0], $0xffff;
	_ =	sdelay $0x4  }
0xd7: {  	[tilespmem:v55+s18+$0x0] =	vst.idx.msk vm0, v33  }
0xd8: {  	v56 =	vor.u32 $0x17, v32;
	v33 =	vld.idx.msk [tilespmem:v23+s14+$0x0], $0xffff;
	_ =	sdelay $0x4  }
0xd9: {  	[tilespmem:v56+s18+$0x0] =	vst.idx.msk vm0, v33  }
0xda: {  	v57 =	vor.u32 $0x18, v32;
	v33 =	vld.idx.msk [tilespmem:v24+s14+$0x0], $0xffff;
	_ =	sdelay $0x4  }
0xdb: {  	[tilespmem:v57+s18+$0x0] =	vst.idx.msk vm0, v33  }
0xdc: {  	v58 =	vor.u32 $0x19, v32;
	v33 =	vld.idx.msk [tilespmem:v25+s14+$0x0], $0xffff;
	_ =	sdelay $0x4  }
0xdd: {  	[tilespmem:v58+s18+$0x0] =	vst.idx.msk vm0, v33  }
0xde: {  	v59 =	vor.u32 $0x1A, v32;
	v33 =	vld.idx.msk [tilespmem:v26+s14+$0x0], $0xffff;
	_ =	sdelay $0x4  }
0xdf: {  	[tilespmem:v59+s18+$0x0] =	vst.idx.msk vm0, v33  }
0xe0: {  	v60 =	vor.u32 $0x1B, v32;
	v33 =	vld.idx.msk [tilespmem:v27+s14+$0x0], $0xffff;
	_ =	sdelay $0x4  }
0xe1: {  	[tilespmem:v60+s18+$0x0] =	vst.idx.msk vm0, v33  }
0xe2: {  	v61 =	vor.u32 $0x1C, v32;
	v33 =	vld.idx.msk [tilespmem:v28+s14+$0x0], $0xffff;
	_ =	sdelay $0x4  }
0xe3: {  	[tilespmem:v61+s18+$0x0] =	vst.idx.msk vm0, v33  }
0xe4: {  	v62 =	vor.u32 $0x1D, v32;
	v33 =	vld.idx.msk [tilespmem:v29+s14+$0x0], $0xffff;
	_ =	sdelay $0x4  }
0xe5: {  	[tilespmem:v62+s18+$0x0] =	vst.idx.msk vm0, v33  }
0xe6: {  	v63 =	vor.u32 $0x1E, v32;
	v33 =	vld.idx.msk [tilespmem:v30+s14+$0x0], $0xffff;
	_ =	sdelay $0x4  }
0xe7: {  	[tilespmem:v63+s18+$0x0] =	vst.idx.msk vm0, v33  }
0xe8: {  	v32 =	vor.u32 $0x1F, v32;
	v33 =	vld.idx.msk [tilespmem:v31+s14+$0x0], $0xffff;
	_ =	sdelay $0x4  }
0xe9: {  	[tilespmem:v32+s18+$0x0] =	vst.idx.msk vm0, v33  }
.LBB2_8:
0xea: {  	s0 =	sadd.s32 s5, s30  }
0xeb: {  	s0 =	sshll.u32 s0, $0x4  }
0xec: {  	s0 =	sadd.s32 s7, s0  }
0xed: {  	[hbm4b:s0+s20] =	stream.strided.scatter [tilespmem:s18], [sflag:$0x5], $0xD000, s21, s20, $0x38;
	[tilespmem:$0x1B3A0] =	vst v63  }
0xee: {  	_ =	swait.ge [sflag:s22], $0x680  }
0xef: {  	[sflag:s22] =	ssyncset.done $0x0  }
0xf0: {  	v32 =	vimm.s32 $0x0;
	s2 =	simm.s32 $0x40;
	s0 =	simm.s32 $0x0;
	[sflag:s22] =	ssyncadd.s32 $0xFFFFF980  }
.LBB2_9:
0xf1: {  	p2 =	sne.s32 s2, $0x19C0;
	v33 =	vld [tilespmem:s0+$0x680];
	_ =	sdelay $0x2  }
.Ltmp7:
0xf2: {  	(pc) =	sbr.rel @p2 .LBB2_9-.Ltmp7, $4  }
0xf3: {  	_ = 	snop  }
0xf4: {  	v34 =	vshrl.u32 v33, $0x1F;
	vm0 =	vgt.s32 v33, $0x0  }
0xf5: {  	v33 =	vnsel vm0, $0x0, v33;
	[tilespmem:s0+$0x1AD00] =	vst v34;
	v32 =	vadd.s32 v32, v34  }
0xf6: {  	[tilespmem:s0+$0x680] =	vst v33;
	s0 =	sshra.s32 s2, $0x2;
	s2 =	sadd.s32 $0x40, s2  }
0xf7: {  	v33 =	vld [tilespmem:s0+$0x680];
	_ =	sdelay $0x4  }
0xf8: {  	v34 =	vshrl.u32 v33, $0x1F  }
0xf9: {  	v32 =	vadd.s32 v32, v34  }
0xfa: {  	(xrf0) =	vadd.scan.msk.s32 $0xffff, v32;
	_ =	sdelay $0x5  }
0xfb: {  	v32, _, _ =	vpop (xrf0)  }
0xfc: {  	(v2sf) =	vpush v32, $0xF;
	_ =	sdelay $0xc  }
0xfd: {  	vm0 =	vgt.s32 v33, $0x0  }
0xfe: {  	v63 =	vnsel vm0, $0x0, v33;
	[tilespmem:s0+$0x1AD00] =	vst v34  }
0xff: {  	s2 =	simm.s32 @!p1 $0x6;
	[tilespmem:s0+$0x680] =	vst v63;
	s0 =	spop (v2sf)  }
0x100: {  	_ =	swait.ge @!p1 [sflag:s2], $0xD000  }
0x101: {  	[sflag:s2] =	ssyncset.done @!p1 $0x0  }
0x102: {  	[sflag:s2] =	ssyncadd.s32 @!p1 $0xFFFF3000  }
0x103: {  	[tilespmem:s23], [sflag:$0x4] =	stream.indirect.gather [hbm4b:s6+s16], $0x20, s16, s16, $0xb8;
	[tilespmem:$0x1B3A0] =	vst v63  }
0x104: {  	s2 =	sadd.s32 @!p0 s30, s12;
	_ =	swait.ge [sflag:s24], $0xD000  }
0x105: {  	s31 =	simm.s32 @!p0 $0x0;
	s2 =	sshrl.u32 @!p0 s2, $0x3;
	[sflag:s24] =	ssyncset.done $0x0  }
0x106: {  	s3 =	simm.s32 @!p0 $0x680;
	s2 =	sadd.s32 @!p0 s1, s2;
	[sflag:s24] =	ssyncadd.s32 $0xFFFF3000  }
0x107: {  	[tilespmem:s3], [sflag:$0x2] =	stream.linear.gather @!p0 [hbm4b:s2+s31], $0x680, $0x38;
	[tilespmem:$0x1B3A0] =	vst v63  }
0x108: {  	p0 =	slt.s32 s0, $0x1  }
.Ltmp8:
0x109: {  	_ = 	snop;
	(pc) =	sbr.rel @p0 .LBB2_14-.Ltmp8, $1  }
0x10a: {  	_ =	sdelay $0x3  }
0x10b: {  	s31 =	simm.s32 $0x1AD00  }
0x10c: {  	s0 =	simm.s32 $0x0;
	s2 =	simm.s32 $0x10;
	v32 =	vld [tilespmem:s31+$0x0]  }
.LBB2_12:
0x10d: {  	p0 =	sne.s32 s2, $0x670;
	v33 =	vld.msk [tilespmem:s14+$0x0], $0xffff;
	_ =	sdelay $0x2  }
0x10e: {  	v34 =	vmov s0;
	s0 =	smov.u32 s2  }
0x10f: {  	vm0 =	vgt.s32 v32, $0x0;
	v32 =	vshll.u32 v34, $0x5  }
0x110: {  	v32 =	vor.u32 v0, v32;
	_ =	sdelay $0x4  }
0x111: {  	[tilespmem:v32+s23+$0x0] =	vst.idx.msk vm0, v33  }
0x112: {  	v33 =	vld.idx.msk [tilespmem:v2+s14+$0x0], $0xffff  }
0x113: {  	v34 =	vor.u32 $0x1, v32;
	_ =	sdelay $0x4  }
0x114: {  	[tilespmem:v34+s23+$0x0] =	vst.idx.msk vm0, v33  }
0x115: {  	v33 =	vld.idx.msk [tilespmem:v3+s14+$0x0], $0xffff  }
0x116: {  	v34 =	vor.u32 $0x2, v32;
	_ =	sdelay $0x4  }
0x117: {  	[tilespmem:v34+s23+$0x0] =	vst.idx.msk vm0, v33  }
0x118: {  	v33 =	vld.idx.msk [tilespmem:v4+s14+$0x0], $0xffff  }
0x119: {  	v34 =	vor.u32 $0x3, v32;
	_ =	sdelay $0x4  }
0x11a: {  	[tilespmem:v34+s23+$0x0] =	vst.idx.msk vm0, v33  }
0x11b: {  	v33 =	vld.idx.msk [tilespmem:v5+s14+$0x0], $0xffff  }
0x11c: {  	v34 =	vor.u32 $0x4, v32;
	_ =	sdelay $0x4  }
0x11d: {  	[tilespmem:v34+s23+$0x0] =	vst.idx.msk vm0, v33  }
0x11e: {  	v33 =	vld.idx.msk [tilespmem:v1+s14+$0x0], $0xffff  }
0x11f: {  	v34 =	vor.u32 $0x5, v32;
	_ =	sdelay $0x4  }
0x120: {  	[tilespmem:v34+s23+$0x0] =	vst.idx.msk vm0, v33  }
0x121: {  	v33 =	vld.idx.msk [tilespmem:v6+s14+$0x0], $0xffff  }
0x122: {  	v34 =	vor.u32 $0x6, v32;
	_ =	sdelay $0x4  }
0x123: {  	[tilespmem:v34+s23+$0x0] =	vst.idx.msk vm0, v33  }
0x124: {  	v33 =	vld.idx.msk [tilespmem:v7+s14+$0x0], $0xffff  }
0x125: {  	v34 =	vor.u32 $0x7, v32;
	_ =	sdelay $0x4  }
0x126: {  	[tilespmem:v34+s23+$0x0] =	vst.idx.msk vm0, v33  }
0x127: {  	v33 =	vld.idx.msk [tilespmem:v8+s14+$0x0], $0xffff  }
0x128: {  	v34 =	vor.u32 $0x8, v32;
	_ =	sdelay $0x4  }
0x129: {  	[tilespmem:v34+s23+$0x0] =	vst.idx.msk vm0, v33  }
0x12a: {  	v33 =	vld.idx.msk [tilespmem:v9+s14+$0x0], $0xffff  }
0x12b: {  	v34 =	vor.u32 $0x9, v32;
	_ =	sdelay $0x4  }
0x12c: {  	[tilespmem:v34+s23+$0x0] =	vst.idx.msk vm0, v33  }
0x12d: {  	v33 =	vld.idx.msk [tilespmem:v10+s14+$0x0], $0xffff  }
0x12e: {  	v34 =	vor.u32 $0xA, v32;
	_ =	sdelay $0x4  }
0x12f: {  	[tilespmem:v34+s23+$0x0] =	vst.idx.msk vm0, v33  }
0x130: {  	v33 =	vld.idx.msk [tilespmem:v11+s14+$0x0], $0xffff  }
0x131: {  	v34 =	vor.u32 $0xB, v32;
	_ =	sdelay $0x4  }
0x132: {  	[tilespmem:v34+s23+$0x0] =	vst.idx.msk vm0, v33  }
0x133: {  	v33 =	vld.idx.msk [tilespmem:v12+s14+$0x0], $0xffff  }
0x134: {  	v34 =	vor.u32 $0xC, v32;
	_ =	sdelay $0x4  }
0x135: {  	[tilespmem:v34+s23+$0x0] =	vst.idx.msk vm0, v33  }
0x136: {  	v33 =	vld.idx.msk [tilespmem:v13+s14+$0x0], $0xffff  }
0x137: {  	v34 =	vor.u32 $0xD, v32;
	_ =	sdelay $0x4  }
0x138: {  	[tilespmem:v34+s23+$0x0] =	vst.idx.msk vm0, v33  }
0x139: {  	v33 =	vld.idx.msk [tilespmem:v14+s14+$0x0], $0xffff  }
0x13a: {  	v34 =	vor.u32 $0xE, v32;
	_ =	sdelay $0x4  }
0x13b: {  	[tilespmem:v34+s23+$0x0] =	vst.idx.msk vm0, v33  }
0x13c: {  	v33 =	vld.idx.msk [tilespmem:v15+s14+$0x0], $0xffff  }
0x13d: {  	v34 =	vor.u32 $0xF, v32;
	_ =	sdelay $0x4  }
0x13e: {  	[tilespmem:v34+s23+$0x0] =	vst.idx.msk vm0, v33  }
0x13f: {  	v33 =	vld.idx.msk [tilespmem:v16+s14+$0x0], $0xffff  }
0x140: {  	v34 =	vor.u32 $0x10, v32;
	_ =	sdelay $0x4  }
0x141: {  	[tilespmem:v34+s23+$0x0] =	vst.idx.msk vm0, v33  }
0x142: {  	v33 =	vld.idx.msk [tilespmem:v17+s14+$0x0], $0xffff  }
0x143: {  	v34 =	vor.u32 $0x11, v32;
	_ =	sdelay $0x4  }
0x144: {  	[tilespmem:v34+s23+$0x0] =	vst.idx.msk vm0, v33  }
0x145: {  	v33 =	vld.idx.msk [tilespmem:v18+s14+$0x0], $0xffff  }
0x146: {  	v34 =	vor.u32 $0x12, v32;
	_ =	sdelay $0x4  }
0x147: {  	[tilespmem:v34+s23+$0x0] =	vst.idx.msk vm0, v33  }
0x148: {  	v33 =	vld.idx.msk [tilespmem:v19+s14+$0x0], $0xffff  }
0x149: {  	v34 =	vor.u32 $0x13, v32;
	_ =	sdelay $0x4  }
0x14a: {  	[tilespmem:v34+s23+$0x0] =	vst.idx.msk vm0, v33  }
0x14b: {  	v33 =	vld.idx.msk [tilespmem:v20+s14+$0x0], $0xffff  }
0x14c: {  	v34 =	vor.u32 $0x14, v32;
	_ =	sdelay $0x4  }
0x14d: {  	[tilespmem:v34+s23+$0x0] =	vst.idx.msk vm0, v33  }
0x14e: {  	v33 =	vld.idx.msk [tilespmem:v21+s14+$0x0], $0xffff  }
0x14f: {  	v34 =	vor.u32 $0x15, v32;
	_ =	sdelay $0x4  }
0x150: {  	[tilespmem:v34+s23+$0x0] =	vst.idx.msk vm0, v33  }
0x151: {  	v33 =	vld.idx.msk [tilespmem:v22+s14+$0x0], $0xffff  }
0x152: {  	v34 =	vor.u32 $0x16, v32;
	_ =	sdelay $0x4  }
0x153: {  	[tilespmem:v34+s23+$0x0] =	vst.idx.msk vm0, v33  }
0x154: {  	v33 =	vld.idx.msk [tilespmem:v23+s14+$0x0], $0xffff  }
0x155: {  	v34 =	vor.u32 $0x17, v32;
	_ =	sdelay $0x4  }
0x156: {  	[tilespmem:v34+s23+$0x0] =	vst.idx.msk vm0, v33  }
0x157: {  	v33 =	vld.idx.msk [tilespmem:v24+s14+$0x0], $0xffff  }
0x158: {  	v34 =	vor.u32 $0x18, v32;
	_ =	sdelay $0x4  }
0x159: {  	[tilespmem:v34+s23+$0x0] =	vst.idx.msk vm0, v33  }
0x15a: {  	v33 =	vld.idx.msk [tilespmem:v25+s14+$0x0], $0xffff  }
0x15b: {  	v34 =	vor.u32 $0x19, v32;
	_ =	sdelay $0x4  }
0x15c: {  	[tilespmem:v34+s23+$0x0] =	vst.idx.msk vm0, v33  }
0x15d: {  	v33 =	vld.idx.msk [tilespmem:v26+s14+$0x0], $0xffff  }
0x15e: {  	v34 =	vor.u32 $0x1A, v32;
	_ =	sdelay $0x4  }
0x15f: {  	[tilespmem:v34+s23+$0x0] =	vst.idx.msk vm0, v33  }
0x160: {  	v33 =	vld.idx.msk [tilespmem:v27+s14+$0x0], $0xffff  }
0x161: {  	v34 =	vor.u32 $0x1B, v32;
	_ =	sdelay $0x4  }
0x162: {  	[tilespmem:v34+s23+$0x0] =	vst.idx.msk vm0, v33  }
0x163: {  	v33 =	vld.idx.msk [tilespmem:v28+s14+$0x0], $0xffff  }
0x164: {  	v34 =	vor.u32 $0x1C, v32;
	_ =	sdelay $0x4  }
0x165: {  	[tilespmem:v34+s23+$0x0] =	vst.idx.msk vm0, v33  }
0x166: {  	v33 =	vld.idx.msk [tilespmem:v29+s14+$0x0], $0xffff  }
0x167: {  	v34 =	vor.u32 $0x1D, v32;
	_ =	sdelay $0x4  }
0x168: {  	[tilespmem:v34+s23+$0x0] =	vst.idx.msk vm0, v33  }
0x169: {  	v33 =	vld.idx.msk [tilespmem:v30+s14+$0x0], $0xffff  }
0x16a: {  	v34 =	vor.u32 $0x1E, v32;
	_ =	sdelay $0x4  }
0x16b: {  	[tilespmem:v34+s23+$0x0] =	vst.idx.msk vm0, v33  }
0x16c: {  	v33 =	vld.idx.msk [tilespmem:v31+s14+$0x0], $0xffff  }
0x16d: {  	v32 =	vor.u32 $0x1F, v32;
	_ =	sdelay $0x1  }
.Ltmp9:
0x16e: {  	(pc) =	sbr.rel @p0 .LBB2_12-.Ltmp9, $3  }
0x16f: {  	_ =	sdelay $0x1  }
0x170: {  	s31 =	sadd.s32 $0x10, s31;
	[tilespmem:v32+s23+$0x0] =	vst.idx.msk vm0, v33  }
0x171: {  	s2 =	sadd.s32 $0x10, s2;
	v32 =	vld [tilespmem:s31+$0x0]  }
0x172: {  	_ =	sdelay $0x2  }
0x173: {  	v33 =	vmov s0  }
0x174: {  	v61 =	vshll.u32 v33, $0x5;
	vm0 =	vgt.s32 v32, $0x0  }
0x175: {  	v62 =	vld.msk [tilespmem:s14+$0x0], $0xffff;
	v32 =	vor.u32 v0, v61;
	_ =	sdelay $0x4  }
0x176: {  	[tilespmem:v32+s23+$0x0] =	vst.idx.msk vm0, v62  }
0x177: {  	v34 =	vor.u32 $0x1, v32;
	v33 =	vld.idx.msk [tilespmem:v2+s14+$0x0], $0xffff;
	_ =	sdelay $0x4  }
0x178: {  	[tilespmem:v34+s23+$0x0] =	vst.idx.msk vm0, v33  }
0x179: {  	v63 =	vor.u32 $0x2, v32;
	v33 =	vld.idx.msk [tilespmem:v3+s14+$0x0], $0xffff;
	_ =	sdelay $0x4  }
0x17a: {  	[tilespmem:v63+s23+$0x0] =	vst.idx.msk vm0, v33  }
0x17b: {  	v36 =	vor.u32 $0x3, v32;
	v33 =	vld.idx.msk [tilespmem:v4+s14+$0x0], $0xffff;
	_ =	sdelay $0x4  }
0x17c: {  	[tilespmem:v36+s23+$0x0] =	vst.idx.msk vm0, v33  }
0x17d: {  	v37 =	vor.u32 $0x4, v32;
	v33 =	vld.idx.msk [tilespmem:v5+s14+$0x0], $0xffff;
	_ =	sdelay $0x4  }
0x17e: {  	[tilespmem:v37+s23+$0x0] =	vst.idx.msk vm0, v33  }
0x17f: {  	v38 =	vor.u32 $0x5, v32;
	v33 =	vld.idx.msk [tilespmem:v1+s14+$0x0], $0xffff;
	_ =	sdelay $0x4  }
0x180: {  	[tilespmem:v38+s23+$0x0] =	vst.idx.msk vm0, v33  }
0x181: {  	v39 =	vor.u32 $0x6, v32;
	v33 =	vld.idx.msk [tilespmem:v6+s14+$0x0], $0xffff;
	_ =	sdelay $0x4  }
0x182: {  	[tilespmem:v39+s23+$0x0] =	vst.idx.msk vm0, v33  }
0x183: {  	v40 =	vor.u32 $0x7, v32;
	v33 =	vld.idx.msk [tilespmem:v7+s14+$0x0], $0xffff;
	_ =	sdelay $0x4  }
0x184: {  	[tilespmem:v40+s23+$0x0] =	vst.idx.msk vm0, v33  }
0x185: {  	v41 =	vor.u32 $0x8, v32;
	v33 =	vld.idx.msk [tilespmem:v8+s14+$0x0], $0xffff;
	_ =	sdelay $0x4  }
0x186: {  	[tilespmem:v41+s23+$0x0] =	vst.idx.msk vm0, v33  }
0x187: {  	v42 =	vor.u32 $0x9, v32;
	v33 =	vld.idx.msk [tilespmem:v9+s14+$0x0], $0xffff;
	_ =	sdelay $0x4  }
0x188: {  	[tilespmem:v42+s23+$0x0] =	vst.idx.msk vm0, v33  }
0x189: {  	v43 =	vor.u32 $0xA, v32;
	v33 =	vld.idx.msk [tilespmem:v10+s14+$0x0], $0xffff;
	_ =	sdelay $0x4  }
0x18a: {  	[tilespmem:v43+s23+$0x0] =	vst.idx.msk vm0, v33  }
0x18b: {  	v44 =	vor.u32 $0xB, v32;
	v33 =	vld.idx.msk [tilespmem:v11+s14+$0x0], $0xffff;
	_ =	sdelay $0x4  }
0x18c: {  	[tilespmem:v44+s23+$0x0] =	vst.idx.msk vm0, v33  }
0x18d: {  	v45 =	vor.u32 $0xC, v32;
	v33 =	vld.idx.msk [tilespmem:v12+s14+$0x0], $0xffff;
	_ =	sdelay $0x4  }
0x18e: {  	[tilespmem:v45+s23+$0x0] =	vst.idx.msk vm0, v33  }
0x18f: {  	v46 =	vor.u32 $0xD, v32;
	v33 =	vld.idx.msk [tilespmem:v13+s14+$0x0], $0xffff;
	_ =	sdelay $0x4  }
0x190: {  	[tilespmem:v46+s23+$0x0] =	vst.idx.msk vm0, v33  }
0x191: {  	v47 =	vor.u32 $0xE, v32;
	v33 =	vld.idx.msk [tilespmem:v14+s14+$0x0], $0xffff;
	_ =	sdelay $0x4  }
0x192: {  	[tilespmem:v47+s23+$0x0] =	vst.idx.msk vm0, v33  }
0x193: {  	v48 =	vor.u32 $0xF, v32;
	v33 =	vld.idx.msk [tilespmem:v15+s14+$0x0], $0xffff;
	_ =	sdelay $0x4  }
0x194: {  	[tilespmem:v48+s23+$0x0] =	vst.idx.msk vm0, v33  }
0x195: {  	v49 =	vor.u32 $0x10, v32;
	v33 =	vld.idx.msk [tilespmem:v16+s14+$0x0], $0xffff;
	_ =	sdelay $0x4  }
0x196: {  	[tilespmem:v49+s23+$0x0] =	vst.idx.msk vm0, v33  }
0x197: {  	v50 =	vor.u32 $0x11, v32;
	v33 =	vld.idx.msk [tilespmem:v17+s14+$0x0], $0xffff;
	_ =	sdelay $0x4  }
0x198: {  	[tilespmem:v50+s23+$0x0] =	vst.idx.msk vm0, v33  }
0x199: {  	v51 =	vor.u32 $0x12, v32;
	v33 =	vld.idx.msk [tilespmem:v18+s14+$0x0], $0xffff;
	_ =	sdelay $0x4  }
0x19a: {  	[tilespmem:v51+s23+$0x0] =	vst.idx.msk vm0, v33  }
0x19b: {  	v52 =	vor.u32 $0x13, v32;
	v33 =	vld.idx.msk [tilespmem:v19+s14+$0x0], $0xffff;
	_ =	sdelay $0x4  }
0x19c: {  	[tilespmem:v52+s23+$0x0] =	vst.idx.msk vm0, v33  }
0x19d: {  	v53 =	vor.u32 $0x14, v32;
	v33 =	vld.idx.msk [tilespmem:v20+s14+$0x0], $0xffff;
	_ =	sdelay $0x4  }
0x19e: {  	[tilespmem:v53+s23+$0x0] =	vst.idx.msk vm0, v33  }
0x19f: {  	v54 =	vor.u32 $0x15, v32;
	v33 =	vld.idx.msk [tilespmem:v21+s14+$0x0], $0xffff;
	_ =	sdelay $0x4  }
0x1a0: {  	[tilespmem:v54+s23+$0x0] =	vst.idx.msk vm0, v33  }
0x1a1: {  	v55 =	vor.u32 $0x16, v32;
	v33 =	vld.idx.msk [tilespmem:v22+s14+$0x0], $0xffff;
	_ =	sdelay $0x4  }
0x1a2: {  	[tilespmem:v55+s23+$0x0] =	vst.idx.msk vm0, v33  }
0x1a3: {  	v56 =	vor.u32 $0x17, v32;
	v33 =	vld.idx.msk [tilespmem:v23+s14+$0x0], $0xffff;
	_ =	sdelay $0x4  }
0x1a4: {  	[tilespmem:v56+s23+$0x0] =	vst.idx.msk vm0, v33  }
0x1a5: {  	v57 =	vor.u32 $0x18, v32;
	v33 =	vld.idx.msk [tilespmem:v24+s14+$0x0], $0xffff;
	_ =	sdelay $0x4  }
0x1a6: {  	[tilespmem:v57+s23+$0x0] =	vst.idx.msk vm0, v33  }
0x1a7: {  	v58 =	vor.u32 $0x19, v32;
	v33 =	vld.idx.msk [tilespmem:v25+s14+$0x0], $0xffff;
	_ =	sdelay $0x4  }
0x1a8: {  	[tilespmem:v58+s23+$0x0] =	vst.idx.msk vm0, v33  }
0x1a9: {  	v59 =	vor.u32 $0x1A, v32;
	v33 =	vld.idx.msk [tilespmem:v26+s14+$0x0], $0xffff;
	_ =	sdelay $0x4  }
0x1aa: {  	[tilespmem:v59+s23+$0x0] =	vst.idx.msk vm0, v33  }
0x1ab: {  	v60 =	vor.u32 $0x1B, v32;
	v33 =	vld.idx.msk [tilespmem:v27+s14+$0x0], $0xffff;
	_ =	sdelay $0x4  }
0x1ac: {  	[tilespmem:v60+s23+$0x0] =	vst.idx.msk vm0, v33  }
0x1ad: {  	v61 =	vor.u32 $0x1C, v32;
	v33 =	vld.idx.msk [tilespmem:v28+s14+$0x0], $0xffff;
	_ =	sdelay $0x4  }
0x1ae: {  	[tilespmem:v61+s23+$0x0] =	vst.idx.msk vm0, v33  }
0x1af: {  	v62 =	vor.u32 $0x1D, v32;
	v33 =	vld.idx.msk [tilespmem:v29+s14+$0x0], $0xffff;
	_ =	sdelay $0x4  }
0x1b0: {  	[tilespmem:v62+s23+$0x0] =	vst.idx.msk vm0, v33  }
0x1b1: {  	v63 =	vor.u32 $0x1E, v32;
	v33 =	vld.idx.msk [tilespmem:v30+s14+$0x0], $0xffff;
	_ =	sdelay $0x4  }
0x1b2: {  	[tilespmem:v63+s23+$0x0] =	vst.idx.msk vm0, v33  }
0x1b3: {  	v32 =	vor.u32 $0x1F, v32;
	v33 =	vld.idx.msk [tilespmem:v31+s14+$0x0], $0xffff  }
.Ltmp10:
0x1b4: {  	_ = 	snop;
	(pc) =	sbr.rel .LBB2_14-.Ltmp10, $2  }
0x1b5: {  	_ =	sdelay $0x2  }
0x1b6: {  	[tilespmem:v32+s23+$0x0] =	vst.idx.msk vm0, v33  }
.LBB2_16:
0x1b7: {  	_ =	sfence.sel $0x180000  }
0x1b8: {  	[bflag:$0x0] =	sbarrier.arrive $0xFFFF  }
0x1b9: {  	_ =	strace $0x9000004A  }
0x1ba: {  	s0 =	stileid.u32;
	[bflag:$0x2] =	sbarrier.arrive $0xFFFF  }
0x1bb: {  	p0 =	sne.s32 s0, $0x0;
	s0 =	rddreg [dreg:$0x3]  }
0x1bc: {  	s0 =	sadd.s32 @!p0 $0x100000, s0  }
0x1bd: {  	[sflag:s0] =	ssyncadd.tile.s32 @!p0 $0x1;
	_ =	shalt  }
.Lfunc_end2:
_tile_overlayer_lowered:
.L_overlay_start_2:
0x1be: {  	(tag) =	ssettag $0x2  }
0x1bf: {  	s0 =	rddreg [dreg:$0x0];
	s2 =	stileid.u32  }
0x1c0: {  	s1 =	rddreg [dreg:$0x1];
	p0 =	sne.s32 s2, $0x0  }
0x1c1: {  	s3 =	rddreg [dreg:$0x2];
	[bflag:$0x3] =	sbarrier.arrive $0xFFFF;
	s2 =	simm.s32 @!p0 $0x1C07  }
0x1c2: {  	[timem:s3], [sflag:s2] =	dma.local @!p0 [hbm:s0], s1  }
0x1c3: {  	s0 =	simm.s32 @!p0 $0x7  }
0x1c4: {  	_ =	swait.ge @!p0 [sflag:s0], s1  }
0x1c5: {  	s1 =	ssub.s32 @!p0 $0x0, s1;
	[sflag:s0] =	ssyncset.done @!p0 $0x0  }
0x1c6: {  	[sflag:s0] =	ssyncadd.s32 @!p0 s1  }
0x1c7: {  	[bflag:$0x3] =	sbarrier.arrive $0xFFFF  }
0x1c8: {  	_ =	shalt  }

// kernel: sparse-core-data-format-call.cloned.1.call-start
scs
called_computation_lowered:
.L_overlay_start_0:
0x0: {  	s2 =	sld [smem:$0x3FD9]  }
0x1: {  	s3 =	sld [smem:$0x3FFE];
	_ =	sdelay $0x1  }
0x2: {  	s1 =	srdreg.scid  }
0x3: {  	s0 =	sand.u32 $0x1, s1  }
0x4: {  	s18 =	sshll.u32 s0, $0xA;
	s2 =	sadd.s32 s3, s2  }
0x5: {  	s2 =	sadd.s32 s2, s18  }
0x6: {  	[smem:$0x3FC5] =	sst s2  }
0x7: {  	_ = 	snop  }
0x8: {  	s2 =	sld [smem:$0x3FD0];
	(tm) =	ssettm $0x1  }
0x9: {  	s19 =	sld [smem:$0x3FFB];
	_ =	sdelay $0x3  }
0xa: {  	_ =	strace s19  }
0xb: {  	s3 =	sld [smem:$0x3FFC];
	_ =	sdelay $0x3  }
0xc: {  	_ =	strace s3  }
0xd: {  	s3 =	sld [smem:$0x3FFD];
	_ =	sdelay $0x3  }
0xe: {  	_ =	strace s3  }
0xf: {  	_ =	strace $0x8FFFFFFF  }
0x10: {  	s20 =	sld [smem:$0x3FDB];
	_ =	sdelay $0x1  }
0x11: {  	s4 =	simm.s32 $_scs_section_size  }
0x12: {  	s5 =	simm.s32 $_size__tile_overlayer_lowered;
	s6 =	simm.s32 $_tile_overlayer_lowered  }
0x13: {  	s23 =	simm.s32 $0x1BFF;
	s22 =	sshll.u32 s6, $0x1;
	s3 =	sadd.s32 s4, s20  }
0x14: {  	s7 =	simm.s32 $0x0;
	s21 =	sshll.u32 s5, $0x1;
	s5 =	sadd.s32 s22, s3  }
0x15: {  	[timem:s7], [sflag:s23] =	dma.local [hbm:s5], s21  }
0x16: {  	_ =	swait.ge [sflag:s23], s21  }
0x17: {  	s4 =	ssub.s32 $0x0, s21;
	[sflag:s23] =	ssyncset.done $0x0  }
0x18: {  	[sflag:s23] =	ssyncadd.s32 s4;
	_ =	sdelay $0x1  }
0x19: {  	s24 =	simm.s32 $0x1B8B  }
0x1a: {  	_ =	swait.ge [sflag:s24], $0x1  }
0x1b: {  	[sflag:s24] =	ssyncset.done $0x0  }
0x1c: {  	s26 =	simm.s32 $0x1B8E;
	s25 =	sld [smem:$0x3FFE];
	[sflag:s24] =	ssyncadd.s32 $0xFFFFFFFF  }
0x1d: {  	s27 =	simm.s32 $execute0_lowered;
	[smem:$0x3FD2] =	sst s26  }
0x1e: {  	s5 =	sshll.u32 s27, $0x1;
	_ =	strace $0x8000004C;
	[dreg:$0x1] =	wrdreg $0xFFFFFFFF  }
0x1f: {  	s28 =	simm.s32 $_size_execute0_lowered;
	s3 =	sadd.s32 s3, s5;
	[dreg:$0x0] =	wrdreg $0x0  }
0x20: {  	s5 =	sshll.u32 s28, $0x1;
	[dreg:$0x2] =	wrdreg s3  }
0x21: {  	[dreg:$0x3] =	wrdreg s5  }
0x22: {  	[dreg:$0x4] =	wrdreg $0xC0  }
0x23: {  	_ =	task [dreg:s7], $0x5FFFF  }
0x24: {  	[dreg:$0x1] =	wrdreg $0xFFFFFFFF  }
0x25: {  	[dreg:$0x0] =	wrdreg $0x60  }
0x26: {  	[dreg:$0x2] =	wrdreg s25  }
0x27: {  	[dreg:$0x3] =	wrdreg s2  }
0x28: {  	[dreg:$0x4] =	wrdreg $0x9  }
0x29: {  	_ =	task.clear_ibuf [dreg:s7], $0x5FFFF;
	_ =	strace $0x9000004C  }
0x2a: {  	s29 =	simm.s32 $0x9;
	_ =	strace $0x8000004E  }
0x2b: {  	_ =	swait.ge [sflag:s29], $0x1  }
0x2c: {  	[sflag:s29] =	ssyncadd.s32 $0xFFFFFFFF  }
0x2d: {  	_ =	strace $0x9000004E  }
0x2e: {  	_ =	sfence  }
0x2f: {  	s30 =	sld [smem:$0x0];
	_ =	sdelay $0x2  }
0x30: {  	s31 =	sshll.u32 s1, $0xD;
	s1 =	sshrl.u32 s1, $0x2  }
0x31: {  	s3 =	sand.u32 $0x4000, s31;
	s1 =	sadd.s32 s1, s30  }
0x32: {  	s0 =	sor.u32 s3, s0;
	s1 =	sshll.u32 s1, $0x11  }
0x33: {  	s0 =	sor.u32 s1, s0  }
0x34: {  	s0 =	sadd.s32 $0x8F2B, s0  }
0x35: {  	[sflag:s0] =	ssyncadd.remote.s32 $0x1  }
0x36: {  	_ =	sfence.sel $0xFFFF  }
0x37: {  	[dreg:$0x0] =	wrdreg $0xFFFFFFFF;
	(pc) =	sbr.abs _section_cstart, $3  }
0x38: {  	[dreg:$0x1] =	wrdreg $0xFFFFFFFF  }
0x39: {  	_ =	task.clear_ibuf [dreg:s7], $0x2FFFF;
	_ =	strace $0x9FFFFFFF  }
0x3a: {  	(tm) =	ssettm $0x7FFFFFFF  }
0x3b: {  	_ =	shalt  }
tec
execute0_lowered:
.L_overlay_start_1:
0x0: {  	(tag) =	ssettag $0x1  }
0x1: {  	s0 =	srdreg.scid  }
0x2: {  	s1 =	sshll.u32 s0, $0x4  }
0x3: {  	s4 =	rddreg [dreg:$0x0];
	s0 =	stileid.u32;
	s1 =	sand.u32 $0x10, s1  }
0x4: {  	s2 =	rddreg [dreg:$0x1];
	s7 =	simm.s32 $0x1;
	s1 =	sor.u32 s0, s1  }
0x5: {  	s8 =	simm.s32 $0x2;
	s11 =	simm.s32 $0x0;
	s3 =	sshll.u32 s1, $0x7  }
0x6: {  	s10 =	simm.s32 $0x0;
	s4 =	sadd.s32 $0x3D1600, s4;
	s6 =	ssub.s32 $0x68000, s3  }
.Ltmp0:
0x7: {  	s1 =	rddreg [dreg:$0x2];
	s5 =	sand.u32 $0xF80, s6;
	(pc) =	sbr.rel .LBB1_1-.Ltmp0, $4  }
0x8: {  	_ =	strace $0x8000004D;
	s9 =	smov.u32 s3;
	p0 =	sne.s32 s5, $0x0  }
0x9: {  	s6 =	sshrl.u32 s6, $0xC;
	s5 =	simm.s32 $0x1;
	s7 =	simm.s32 @!p0 $0x0  }
0xa: {  	[sflag:s5] =	ssyncpa.u1 $0x0;
	p0 =	por $0x0, $0x0;
	s6 =	sadd.s32 s7, s6  }
0xb: {  	[sflag:s8] =	ssyncpa.u1 $0x0;
	s8 =	simm.s32 $0x340000;
	s7 =	sadd.s32 $0x1, s6  }
.LBB1_4:
0xc: {  	s14 =	sshll.u32 s11, $0x3  }
0xd: {  	s30 =	sand.u32 $0x7F, s11;
	s15 =	sand.u32 $0xFFFFFC00, s14  }
0xe: {  	s11 =	sor.u32 s30, s15  }
0xf: {  	s15 =	smulhi.u32 $0x4EC4EC4F, s11  }
0x10: {  	s14 =	smulhi.u32 $0x4EC4EC4F, s14  }
0x11: {  	s15 =	sshrl.u32 s15, $0x11  }
0x12: {  	s14 =	sshrl.u32 s14, $0x11;
	s15 =	smul.u32 $0x68000, s15  }
0x13: {  	s14 =	sand.u32 $0x1F, s14  }
0x14: {  	s14 =	smul.u32 $0xD000, s14;
	s11 =	ssub.s32 s11, s15  }
0x15: {  	s15 =	sand.u32 $0x7, s11  }
0x16: {  	s14 =	sadd.s32 s2, s14;
	s11 =	sshrl.u32 s11, $0x3;
	s15 =	sshll.u32 s15, $0x12  }
0x17: {  	[tilespmem:s13+$0x0 ss:$0x81] =	vst.msk $0xffff, v0;
	s11 =	sadd.s32 s11, s14;
	s31 =	sor.u32 $0x400, s15  }
0x18: {  	[hbm4b:s11+s31] =	stream.strided.scatter [tilespmem:s12], [sflag:$0x2], $0x1000, s8, s31, $0x20;
	[tilespmem:$0x4040] =	vst v63  }
.LBB1_5:
0x19: {  	s13 =	sadd.s32 $0x1000, s9  }
0x1a: {  	p2 =	sgt.s32 s13, $0x67FFF  }
0x1b: {  	s13 =	smov.u32 @p2 s3;
	p2 =	sne.s32 s10, s7  }
.Ltmp1:
0x1c: {  	p1 =	slt.u32 s10, $0x2;
	(pc) =	sbr.rel @!p2 .LBB1_6-.Ltmp1, $4  }
0x1d: {  	s12 =	simm.s32 @!p1 $0x2  }
0x1e: {  	s14 =	sadd.s32 $0x1, s10;
	_ =	swait.ge @!p1 [sflag:s12], $0x1000  }
0x1f: {  	s11 =	smov.u32 s9;
	p0 =	por !p0, !p0;
	[sflag:s12] =	ssyncset.done @!p1 $0x0  }
0x20: {  	s10 =	smov.u32 s14;
	s9 =	smov.u32 s13;
	[sflag:s12] =	ssyncadd.s32 @!p1 $0xFFFFF000  }
.LBB1_1:
0x21: {  	p1 =	sge.u32 s10, s6  }
0x22: {  	s12 =	sand.u32 @!p1 $0x1FFFFFF, s9  }
0x23: {  	s13 =	smulhi.u32 @!p1 $0x2762763, s12;
	_ =	sdelay $0x1  }
0x24: {  	s13 =	sshrl.u32 @!p1 s13, $0xC  }
0x25: {  	s13 =	smul.u32 @!p1 $0x68000, s13;
	_ =	sdelay $0x1  }
0x26: {  	s31 =	sadd.s32 $0xFFFFFFFF, s10;
	s14 =	sxor.u32 @!p1 $0xFFFFFFFF, s10;
	s12 =	ssub.s32 @!p1 s12, s13  }
0x27: {  	s15 =	simm.s32 @!p1 $0x80;
	s14 =	sshll.u32 @!p1 s14, $0xC;
	s12 =	sshll.u32 @!p1 s12, $0x4  }
0x28: {  	s13 =	sand.u32 @!p1 $0x1000, s14;
	s14 =	simm.s32 @!p1 $0x20;
	s12 =	sadd.s32 @!p1 s4, s12  }
0x29: {  	[tilespmem:s13], [sflag:$0x1] =	stream.strided.gather @!p1 [hbm4b:s12+s14], $0x1000, s15, s14, $0x38;
	[tilespmem:$0x4040] =	vst v63  }
0x2a: {  	p1 =	sge.u32 s31, s6  }
.Ltmp2:
0x2b: {  	_ = 	snop;
	(pc) =	sbr.rel @p1 .LBB1_5-.Ltmp2, $1  }
0x2c: {  	_ =	sdelay $0x3  }
0x2d: {  	s12 =	simm.s32 $0x1  }
0x2e: {  	_ =	swait.ge [sflag:s5], $0x1000;
	s12 =	simm.s32 @!p0 $0x0  }
0x2f: {  	[sflag:s5] =	ssyncset.done $0x0;
	s13 =	sshll.u32 s12, $0xC  }
0x30: {  	[sflag:s5] =	ssyncadd.s32 $0xFFFFF000;
	s16 =	sor.u32 $0x10, s13  }
0x31: {  	s12 =	smul.u32 $0x4080, s12;
	v1 =	vld [tilespmem:s16+$0x0]  }
0x32: {  	s30 =	sand.u32 $0x1, s10;
	v0 =	vld [tilespmem:s16+$0xFFFFFFF0]  }
0x33: {  	s13 =	smul.u32 $0x4080, s30;
	s12 =	sshrl.u32 s12, $0x2  }
0x34: {  	s14 =	sor.u32 $0x2000, s12  }
0x35: {  	s31 =	sshrl.u32 s13, $0x2;
	s13 =	sadd.s32 $0x0, s14  }
0x36: {  	s15 =	simm.s32 $0x4;
	s16 =	sadd.s32 $0x20, s16;
	s12 =	sor.u32 $0x2000, s31;
	[tilespmem:s13+$0x810 ss:$0x81] =	vst.msk $0xffff, v1  }
.LBB1_3:
0x37: {  	v1 =	vld [tilespmem:s16+$0x0];
	p1 =	sne.s32 s15, $0x1FC;
	[tilespmem:s13+$0x0 ss:$0x81] =	vst.msk $0xffff, v0;
	s13 =	smov.u32 s15;
	s15 =	sadd.s32 $0x4, s15  }
.Ltmp3:
0x38: {  	v0 =	vld [tilespmem:s16+$0xFFFFFFF0];
	(pc) =	sbr.rel @p1 .LBB1_3-.Ltmp3, $4  }
0x39: {  	_ = 	snop  }
0x3a: {  	s13 =	sshra.s32 s13, $0x2  }
0x3b: {  	s13 =	sadd.s32 s13, s14  }
0x3c: {  	s16 =	sadd.s32 $0x20, s16;
	[tilespmem:s13+$0x810 ss:$0x81] =	vst.msk $0xffff, v1  }
.Ltmp4:
0x3d: {  	_ = 	snop;
	(pc) =	sbr.rel .LBB1_4-.Ltmp4, $1  }
0x3e: {  	_ =	sdelay $0x3  }
.LBB1_6:
0x3f: {  	_ =	sfence.sel $0x180000  }
0x40: {  	s2 =	simm.s32 $0x1;
	[bflag:$0x0] =	sbarrier.arrive $0xFFFF  }
0x41: {  	s31 =	simm.s32 $0x2;
	[sflag:s2] =	ssyncpa.u1 $0x1  }
0x42: {  	[sflag:s31] =	ssyncpa.u1 $0x1  }
0x43: {  	p0 =	sne.s32 s0, $0x0;
	_ =	strace $0x9000004D  }
0x44: {  	s0 =	sadd.s32 @!p0 $0x100000, s1;
	[bflag:$0x2] =	sbarrier.arrive $0xFFFF  }
0x45: {  	[sflag:s0] =	ssyncadd.tile.s32 @!p0 $0x1;
	_ =	shalt  }
.Lfunc_end1:
_tile_overlayer_lowered:
.L_overlay_start_2:
0x46: {  	(tag) =	ssettag $0x2  }
0x47: {  	s0 =	rddreg [dreg:$0x0];
	s2 =	stileid.u32  }
0x48: {  	s1 =	rddreg [dreg:$0x1];
	p0 =	sne.s32 s2, $0x0  }
0x49: {  	s3 =	rddreg [dreg:$0x2];
	[bflag:$0x3] =	sbarrier.arrive $0xFFFF;
	s2 =	simm.s32 @!p0 $0x1C01  }
0x4a: {  	[timem:s3], [sflag:s2] =	dma.local @!p0 [hbm:s0], s1  }
0x4b: {  	s0 =	simm.s32 @!p0 $0x1  }
0x4c: {  	_ =	swait.ge @!p0 [sflag:s0], s1  }
0x4d: {  	s1 =	ssub.s32 @!p0 $0x0, s1;
	[sflag:s0] =	ssyncset.done @!p0 $0x0  }
0x4e: {  	[sflag:s0] =	ssyncadd.s32 @!p0 s1  }
0x4f: {  	[bflag:$0x3] =	sbarrier.arrive $0xFFFF  }
0x50: {  	_ =	shalt  }

</sc_bundles>
